<compile_context>
chip_gen: v7x
topology: tpu7x:2x2x1
jax: 0.10.2.dev20260603
libtpu: 0.0.44.dev20260713+nightly
codegen_flags: <defaults>
</compile_context>

<pallas_src>
import jax
import jax.numpy as jnp
from jax import lax
from jax.experimental import pallas as pl
from jax.experimental.pallas import tpu as pltpu
from jax.experimental.pallas import tpu_sc as plsc

N = 10000
D = 128
E = 320000

NC = 2
NS = 16
NW = NC * NS
LANES = 16
BATCH = 128
NB = -(-E // (NW * BATCH))
EPAD = NW * NB * BATCH
NPAD = 10112
RPS = NPAD // NS
CHUNK_OFFS = (0, 128, 256, 384, RPS - BATCH)
RCH = len(CHUNK_OFFS)


def _sc_mesh():
    return plsc.VectorSubcoreMesh(
        core_axis_name="c", subcore_axis_name="s", num_cores=NC, num_subcores=NS)


def _pad_edges(edge_index, dst_pad=N):
    pad = EPAD - E
    src = jnp.concatenate([edge_index[0], jnp.zeros((pad,), jnp.int32)])
    dst = jnp.concatenate([edge_index[1], jnp.full((pad,), dst_pad, jnp.int32)])
    return (src.reshape(NC, NS, NB, BATCH), dst.reshape(NC, NS, NB, BATCH))


def _segsum_body(h_hbm, src_hbm, dst_hbm, z_hbm, out_s,
                 srcv, dstidx, rowbuf, accs, gsem):
    cid = lax.axis_index("c")
    sid = lax.axis_index("s")

    pltpu.sync_copy(src_hbm.at[cid, sid], srcv)

    @pl.when(sid == 0)
    def _():
        pltpu.sync_copy(z_hbm, accs)
    plsc.subcore_barrier()

    def _batch(j, _):
        pltpu.async_copy(h_hbm.at[srcv.at[j]], rowbuf, gsem).wait()
        pltpu.sync_copy(dst_hbm.at[cid, sid, j], dstidx)
        pltpu.sync_copy(rowbuf, accs.at[dstidx], add=True)
        return 0
    lax.fori_loop(0, NB, _batch, 0)

    plsc.subcore_barrier()

    @pl.when(sid == 0)
    def _():
        pltpu.sync_copy(accs, out_s.at[cid])


def _make_segsum():
    return pl.kernel(
        _segsum_body,
        out_type=jax.ShapeDtypeStruct((NC, NPAD, D), jnp.float32),
        mesh=_sc_mesh(),
        scratch_types=[
            pltpu.VMEM((NB, BATCH), jnp.int32),
            pltpu.VMEM((BATCH,), jnp.int32),
            pltpu.VMEM((BATCH, D), jnp.float32),
            pltpu.VMEM_SHARED((NPAD, D), jnp.float32),
            pltpu.SemaphoreType.DMA,
        ],
    )


_BLK = 400


def _layer_tc_body(s_ref, d_ref, w_ref, b_ref, o_ref):
    s = s_ref[0] + s_ref[1]
    d = d_ref[0] + d_ref[1]
    deg = jnp.maximum(d[:, 0:1], 1.0)
    agg = s / deg
    y = jnp.dot(agg, w_ref[...], preferred_element_type=jnp.float32) + b_ref[...]
    o_ref[...] = jnp.maximum(y, 0.0)


def _layer_tc(s_part, d_part, W, b):
    return pl.pallas_call(
        _layer_tc_body,
        grid=(N // _BLK,),
        in_specs=[
            pl.BlockSpec((NC, _BLK, D), lambda i: (0, i, 0)),
            pl.BlockSpec((NC, _BLK, D), lambda i: (0, i, 0)),
            pl.BlockSpec((D, D), lambda i: (0, 0)),
            pl.BlockSpec((1, D), lambda i: (0, 0)),
        ],
        out_specs=pl.BlockSpec((_BLK, D), lambda i: (i, 0)),
        out_shape=jax.ShapeDtypeStruct((N, D), jnp.float32),
    )(s_part, d_part, W, b.reshape(1, D))


def _score_body(h_hbm, u_hbm, v_hbm, out, uidx, vidx, ubuf, vbuf, pbuf,
                usem, vsem):
    cid = lax.axis_index("c")
    sid = lax.axis_index("s")
    pltpu.sync_copy(u_hbm.at[cid, sid], uidx)
    pltpu.sync_copy(v_hbm.at[cid, sid], vidx)
    tile_base = (cid * NS + sid) * (NB * BATCH)

    def _batch(j, _):
        cu = pltpu.async_copy(h_hbm.at[uidx.at[j]], ubuf, usem)
        cv = pltpu.async_copy(h_hbm.at[vidx.at[j]], vbuf, vsem)
        cu.wait()
        cv.wait()

        def _edge(r, _):
            acc = ubuf[r, pl.ds(0, LANES)] * vbuf[r, pl.ds(0, LANES)]
            for k in range(1, D // LANES):
                acc = acc + (ubuf[r, pl.ds(k * LANES, LANES)]
                             * vbuf[r, pl.ds(k * LANES, LANES)])
            pbuf[r, :] = acc
            return 0
        lax.fori_loop(0, BATCH, _edge, 0)
        pltpu.sync_copy(pbuf, out.at[pl.ds(tile_base + j * BATCH, BATCH)])
        return 0
    lax.fori_loop(0, NB, _batch, 0)


def _make_score():
    return pl.kernel(
        _score_body,
        out_type=jax.ShapeDtypeStruct((EPAD, LANES), jnp.float32),
        mesh=_sc_mesh(),
        scratch_types=[
            pltpu.VMEM((NB, BATCH), jnp.int32),
            pltpu.VMEM((NB, BATCH), jnp.int32),
            pltpu.VMEM((BATCH, D), jnp.float32),
            pltpu.VMEM((BATCH, D), jnp.float32),
            pltpu.VMEM((BATCH, LANES), jnp.float32),
            pltpu.SemaphoreType.DMA,
            pltpu.SemaphoreType.DMA,
        ],
    )


_RBLK = 5056


def _reduce_tc_body(p_ref, m_ref, o_ref):
    o_ref[...] = jnp.dot(p_ref[...], m_ref[...],
                         preferred_element_type=jnp.float32)


def _reduce_tc(p, m):
    rows = EPAD // 8
    p2 = p.reshape(rows, 128)
    return pl.pallas_call(
        _reduce_tc_body,
        grid=(rows // _RBLK,),
        in_specs=[
            pl.BlockSpec((_RBLK, 128), lambda i: (i, 0)),
            pl.BlockSpec((128, 8), lambda i: (0, 0)),
        ],
        out_specs=pl.BlockSpec((_RBLK, 8), lambda i: (i, 0)),
        out_shape=jax.ShapeDtypeStruct((rows, 8), jnp.float32),
    )(p2, m).reshape(EPAD)


def kernel(x, block0_edge_index, block1_edge_index, block2_edge_index,
           pos_edge_index, neg_edge_index, W1, b1, W2, b2, W3, b3):
    segsum = _make_segsum()
    score = _make_score()

    e0, e1, e2 = (_pad_edges(block0_edge_index), _pad_edges(block1_edge_index),
                  _pad_edges(block2_edge_index))
    z128 = jnp.zeros((NPAD, D), jnp.float32)
    ones = jnp.ones((N, D), jnp.float32)
    d0 = segsum(ones, e0[0], e0[1], z128)
    d1 = segsum(ones, e1[0], e1[1], z128)
    d2 = segsum(ones, e2[0], e2[1], z128)

    h = x
    for (src, dst), dp, W, b in ((e0, d0, W1, b1), (e1, d1, W2, b2),
                                 (e2, d2, W3, b3)):
        s_part = segsum(h, src, dst, z128)
        h = _layer_tc(s_part, dp, W, b)

    pu, pv = _pad_edges(pos_edge_index, dst_pad=0)
    nu, nv = _pad_edges(neg_edge_index, dst_pad=0)
    m = (jnp.arange(128, dtype=jnp.int32)[:, None] // LANES
         == jnp.arange(8, dtype=jnp.int32)[None, :]).astype(jnp.float32)
    pos = _reduce_tc(score(h, pu, pv), m)[:E].reshape(E, 1)
    neg = _reduce_tc(score(h, nu, nv), m)[:E].reshape(E, 1)
    return (pos, neg)

# --- scband reference (transcript-rebuilt; emitter-appended) ---
"""Pipeline reference for scband-pred-model-13511967113603 (READ-ONLY COPY).

The authoritative reference and input builder live on the scoring server;
editing this copy changes nothing except your own understanding.
"""

import jax, jax.numpy as jnp
import numpy as np

N_NODES = 10000
N_EDGES = 320000
IN_FEATS = 128
HID_FEATS = 128
OUT_FEATS = 128


def setup_inputs(seed: int = 0) -> dict:
    key = jax.random.key(seed)
    ks = jax.random.split(key, 16)
    x = jax.random.normal(ks[0], (N_NODES, IN_FEATS), dtype=jnp.float32)
    block0_edge_index = jax.random.randint(ks[1], (2, N_EDGES), 0, N_NODES, dtype=jnp.int32)
    block1_edge_index = jax.random.randint(ks[2], (2, N_EDGES), 0, N_NODES, dtype=jnp.int32)
    block2_edge_index = jax.random.randint(ks[3], (2, N_EDGES), 0, N_NODES, dtype=jnp.int32)
    pos_edge_index = jax.random.randint(ks[4], (2, N_EDGES), 0, N_NODES, dtype=jnp.int32)
    neg_edge_index = jax.random.randint(ks[5], (2, N_EDGES), 0, N_NODES, dtype=jnp.int32)
    # GraphConv weights (glorot-ish) and biases for the 3 layers
    W1 = jax.random.normal(ks[6], (IN_FEATS, HID_FEATS), dtype=jnp.float32) * (1.0 / np.sqrt(IN_FEATS))
    b1 = jnp.zeros((HID_FEATS,), dtype=jnp.float32)
    W2 = jax.random.normal(ks[7], (HID_FEATS, HID_FEATS), dtype=jnp.float32) * (1.0 / np.sqrt(HID_FEATS))
    b2 = jnp.zeros((HID_FEATS,), dtype=jnp.float32)
    W3 = jax.random.normal(ks[8], (HID_FEATS, OUT_FEATS), dtype=jnp.float32) * (1.0 / np.sqrt(HID_FEATS))
    b3 = jnp.zeros((OUT_FEATS,), dtype=jnp.float32)
    return {
        "x": x,
        "block0_edge_index": block0_edge_index,
        "block1_edge_index": block1_edge_index,
        "block2_edge_index": block2_edge_index,
        "pos_edge_index": pos_edge_index,
        "neg_edge_index": neg_edge_index,
        "W1": W1, "b1": b1, "W2": W2, "b2": b2, "W3": W3, "b3": b3,
    }


def _graph_conv_right(h, edge_index, W, b):
    # DGL GraphConv(norm='right'): aggregate neighbor messages by sum over
    # incoming edges, divide by in-degree of dst, then linear transform + bias.
    src = edge_index[0]
    dst = edge_index[1]
    msg = jnp.take(h, src, axis=0)  # gather (SparseCore-friendly)
    agg = jax.ops.segment_sum(msg, dst, num_segments=N_NODES)  # scatter-add
    deg = jax.ops.segment_sum(jnp.ones((edge_index.shape[1],), jnp.float32), dst, num_segments=N_NODES)
    agg = agg / jnp.maximum(deg, 1.0)[:, None]
    return agg @ W + b


def _edge_dot_score(h, edge_index):
    # dgl u_dot_v: score[e] = <h[src_e], h[dst_e]>, shape [E, 1]
    hu = jnp.take(h, edge_index[0], axis=0)
    hv = jnp.take(h, edge_index[1], axis=0)
    return jnp.sum(hu * hv, axis=-1, keepdims=True)


def reference(x, block0_edge_index, block1_edge_index, block2_edge_index,
              pos_edge_index, neg_edge_index, W1, b1, W2, b2, W3, b3):
    # NodeEmbeddingGraphSage: 3 hetero GraphConv layers (single relation) with ReLU
    h = jax.nn.relu(_graph_conv_right(x, block0_edge_index, W1, b1))
    h = jax.nn.relu(_graph_conv_right(h, block1_edge_index, W2, b2))
    h = jax.nn.relu(_graph_conv_right(h, block2_edge_index, W3, b3))
    # ScorePredictor on positive and negative edge subgraphs
    pos_score = _edge_dot_score(h, pos_edge_index)
    neg_score = _edge_dot_score(h, neg_edge_index)
    return (pos_score, neg_score)

if __name__ == "__main__":
    import jax
    _d = setup_inputs()
    print(jax.jit(kernel)(*tuple(_d.values())))

</pallas_src>

<mosaic_0001>
#map = affine_map<(d0, d1) -> (0, 0)>
#map1 = affine_map<(d0, d1) -> (0, 0, 0, 0)>
#map2 = affine_map<(d0, d1) -> (0, 0, 0)>
module attributes {stable_mosaic.version = 14 : i64} {
  func.func @_segsum_body(%arg0: i32, %arg1: i32, %arg2: memref<10000x128xf32, #tpu.memory_space<hbm>>, %arg3: memref<2x16x79x128xi32, #tpu.memory_space<hbm>>, %arg4: memref<2x16x79x128xi32, #tpu.memory_space<hbm>>, %arg5: memref<10112x128xf32, #tpu.memory_space<hbm>>, %arg6: memref<2x10112x128xf32, #tpu.memory_space<hbm>>, %arg7: memref<79x128xi32, #tpu.memory_space<vmem>>, %arg8: memref<128xi32, #tpu.memory_space<vmem>>, %arg9: memref<128x128xf32, #tpu.memory_space<vmem>>, %arg10: memref<10112x128xf32, #tpu.memory_space<vmem_shared>>, %arg11: memref<!tpu.dma_semaphore, #tpu.memory_space<semaphore_mem>>) attributes {dimension_semantics = [#tpu.dimension_semantics<core_parallel>, #tpu.dimension_semantics<subcore_parallel>], iteration_bounds = array<i64: 2, 16>, scalar_prefetch = 0 : i64, scratch_operands = 5 : i64, tpu.core_type = #tpu.core_type<sc_vector_subcore>, window_params = [{transform_indices = #map}, {transform_indices = #map1}, {transform_indices = #map1}, {transform_indices = #map}, {transform_indices = #map2}]} {
    "tpu.region"() ({
      %run_scoped3A = tpu.sem_alloc : memref<!tpu.dma_semaphore, #tpu.memory_space<semaphore_mem>>
      %dma_start3A = arith.constant 0 : i32
      %dma_start3A_14 = arith.constant 0 : i32
      %dma_start3A_15 = tpu.memref_slice %arg3[%arg0, %arg1, %dma_start3A, %dma_start3A_14] : memref<2x16x79x128xi32, #tpu.memory_space<hbm>> -> memref<1x1x79x128xi32, #tpu.memory_space<hbm>>
      %dma_start3A_16 = tpu.memref_squeeze %dma_start3A_15 : memref<1x1x79x128xi32, #tpu.memory_space<hbm>> -> memref<79x128xi32, #tpu.memory_space<hbm>>
      %dma_start3A_17 = arith.constant 0 : i32
      %dma_start3A_18 = arith.constant 0 : i32
      %dma_start3A_19 = tpu.memref_slice %arg3[%arg0, %arg1, %dma_start3A_17, %dma_start3A_18] : memref<2x16x79x128xi32, #tpu.memory_space<hbm>> -> memref<1x1x79x128xi32, #tpu.memory_space<hbm>>
      %dma_start3A_20 = tpu.memref_squeeze %dma_start3A_19 : memref<1x1x79x128xi32, #tpu.memory_space<hbm>> -> memref<79x128xi32, #tpu.memory_space<hbm>>
      tpu.enqueue_dma source(%dma_start3A_20 : memref<79x128xi32, #tpu.memory_space<hbm>>) target(%arg7 : memref<79x128xi32, #tpu.memory_space<vmem>>) target_semaphore(%run_scoped3A : memref<!tpu.dma_semaphore, #tpu.memory_space<semaphore_mem>>)
      %dma_wait3A = arith.constant 0 : i32
      %dma_wait3A_21 = arith.constant 0 : i32
      %dma_wait3A_22 = tpu.memref_slice %arg3[%arg0, %arg1, %dma_wait3A, %dma_wait3A_21] : memref<2x16x79x128xi32, #tpu.memory_space<hbm>> -> memref<1x1x79x128xi32, #tpu.memory_space<hbm>>
      %dma_wait3A_23 = tpu.memref_squeeze %dma_wait3A_22 : memref<1x1x79x128xi32, #tpu.memory_space<hbm>> -> memref<79x128xi32, #tpu.memory_space<hbm>>
      %dma_wait3A_24 = arith.constant 0 : i32
      %dma_wait3A_25 = arith.constant 0 : i32
      %dma_wait3A_26 = tpu.memref_slice %arg3[%arg0, %arg1, %dma_wait3A_24, %dma_wait3A_25] : memref<2x16x79x128xi32, #tpu.memory_space<hbm>> -> memref<1x1x79x128xi32, #tpu.memory_space<hbm>>
      %dma_wait3A_27 = tpu.memref_squeeze %dma_wait3A_26 : memref<1x1x79x128xi32, #tpu.memory_space<hbm>> -> memref<79x128xi32, #tpu.memory_space<hbm>>
      tpu.wait_dma2 semaphore(%run_scoped3A : memref<!tpu.dma_semaphore, #tpu.memory_space<semaphore_mem>>) src(%dma_wait3A_27 : memref<79x128xi32, #tpu.memory_space<hbm>>) dst(%arg7 : memref<79x128xi32, #tpu.memory_space<vmem>>)
      tpu.yield
    }) : () -> ()
    %eq3A = arith.constant 0 : i32
    %eq3A_0 = arith.cmpi eq, %arg1, %eq3A : i32
    %convert_element_type3A = arith.extui %eq3A_0 : i1 to i32
    %cond3A = arith.constant 0 : i32
    %cond3A_1 = arith.cmpi ne, %convert_element_type3A, %cond3A : i32
    scf.if %cond3A_1 {
      "tpu.region"() ({
        %run_scoped3A = tpu.sem_alloc : memref<!tpu.dma_semaphore, #tpu.memory_space<semaphore_mem>>
        tpu.enqueue_dma source(%arg5 : memref<10112x128xf32, #tpu.memory_space<hbm>>) target(%arg10 : memref<10112x128xf32, #tpu.memory_space<vmem_shared>>) target_semaphore(%run_scoped3A : memref<!tpu.dma_semaphore, #tpu.memory_space<semaphore_mem>>)
        tpu.wait_dma2 semaphore(%run_scoped3A : memref<!tpu.dma_semaphore, #tpu.memory_space<semaphore_mem>>) src(%arg5 : memref<10112x128xf32, #tpu.memory_space<hbm>>) dst(%arg10 : memref<10112x128xf32, #tpu.memory_space<vmem_shared>>)
        tpu.yield
      }) : () -> ()
    } else {
    }
    %barrier3A = arith.constant 0 : index
    tpu.barrier barrier_id(%barrier3A)
    %scan3A = arith.constant 0 : i32
    %scan3A_2 = arith.constant 0 : i32
    %scan3A_3 = arith.constant 79 : i32
    %scan3A_4 = arith.addi %scan3A_2, %scan3A_3 : i32
    %scan3A_5 = arith.constant 1 : i32
    %scan3A_6 = scf.for %scan3A_14 = %scan3A_2 to %scan3A_4 step %scan3A_5 iter_args(%scan3A_15 = %scan3A) -> (i32)  : i32 {
      %dma_start3A = arith.constant 0 : i32
      %dma_start3A_16 = tpu.memref_slice %arg7[%scan3A_14, %dma_start3A] : memref<79x128xi32, #tpu.memory_space<vmem>> -> memref<1x128xi32, #tpu.memory_space<vmem>>
      %dma_start3A_17 = tpu.memref_squeeze %dma_start3A_16 : memref<1x128xi32, #tpu.memory_space<vmem>> -> memref<128xi32, #tpu.memory_space<vmem>>
      %dma_start3A_18 = arith.constant 0 : i32
      %dma_start3A_19 = arith.constant 0 : i32
      %dma_start3A_20 = tpu.memref_slice %arg2[%dma_start3A_18, %dma_start3A_19] : memref<10000x128xf32, #tpu.memory_space<hbm>> -> memref<10000x128xf32, #tpu.memory_space<hbm>>
      tpu.enqueue_indirect_dma source(%dma_start3A_20 : memref<10000x128xf32, #tpu.memory_space<hbm>>) target(%arg9 : memref<128x128xf32, #tpu.memory_space<vmem>>) offsets(%dma_start3A_17 : memref<128xi32, #tpu.memory_space<vmem>>) semaphore(%arg11 : memref<!tpu.dma_semaphore, #tpu.memory_space<semaphore_mem>>)
      %dma_wait3A = arith.constant 0 : i32
      %dma_wait3A_21 = tpu.memref_slice %arg7[%scan3A_14, %dma_wait3A] : memref<79x128xi32, #tpu.memory_space<vmem>> -> memref<1x128xi32, #tpu.memory_space<vmem>>
      %dma_wait3A_22 = tpu.memref_squeeze %dma_wait3A_21 : memref<1x128xi32, #tpu.memory_space<vmem>> -> memref<128xi32, #tpu.memory_space<vmem>>
      %dma_wait3A_23 = arith.constant 0 : i32
      %dma_wait3A_24 = arith.constant 0 : i32
      %dma_wait3A_25 = tpu.memref_slice %arg2[%dma_wait3A_23, %dma_wait3A_24] : memref<10000x128xf32, #tpu.memory_space<hbm>> -> memref<10000x128xf32, #tpu.memory_space<hbm>>
      tpu.wait_indirect_dma semaphore(%arg11 : memref<!tpu.dma_semaphore, #tpu.memory_space<semaphore_mem>>) src(%dma_wait3A_25 : memref<10000x128xf32, #tpu.memory_space<hbm>>) dst(%arg9 : memref<128x128xf32, #tpu.memory_space<vmem>>)
      "tpu.region"() ({
        %run_scoped3A = tpu.sem_alloc : memref<!tpu.dma_semaphore, #tpu.memory_space<semaphore_mem>>
        %dma_start3A_27 = arith.constant 0 : i32
        %dma_start3A_28 = tpu.memref_slice %arg4[%arg0, %arg1, %scan3A_14, %dma_start3A_27] : memref<2x16x79x128xi32, #tpu.memory_space<hbm>> -> memref<1x1x1x128xi32, #tpu.memory_space<hbm>>
        %dma_start3A_29 = tpu.memref_squeeze %dma_start3A_28 : memref<1x1x1x128xi32, #tpu.memory_space<hbm>> -> memref<128xi32, #tpu.memory_space<hbm>>
        %dma_start3A_30 = arith.constant 0 : i32
        %dma_start3A_31 = tpu.memref_slice %arg4[%arg0, %arg1, %scan3A_14, %dma_start3A_30] : memref<2x16x79x128xi32, #tpu.memory_space<hbm>> -> memref<1x1x1x128xi32, #tpu.memory_space<hbm>>
        %dma_start3A_32 = tpu.memref_squeeze %dma_start3A_31 : memref<1x1x1x128xi32, #tpu.memory_space<hbm>> -> memref<128xi32, #tpu.memory_space<hbm>>
        tpu.enqueue_dma source(%dma_start3A_32 : memref<128xi32, #tpu.memory_space<hbm>>) target(%arg8 : memref<128xi32, #tpu.memory_space<vmem>>) target_semaphore(%run_scoped3A : memref<!tpu.dma_semaphore, #tpu.memory_space<semaphore_mem>>)
        %dma_wait3A_33 = arith.constant 0 : i32
        %dma_wait3A_34 = tpu.memref_slice %arg4[%arg0, %arg1, %scan3A_14, %dma_wait3A_33] : memref<2x16x79x128xi32, #tpu.memory_space<hbm>> -> memref<1x1x1x128xi32, #tpu.memory_space<hbm>>
        %dma_wait3A_35 = tpu.memref_squeeze %dma_wait3A_34 : memref<1x1x1x128xi32, #tpu.memory_space<hbm>> -> memref<128xi32, #tpu.memory_space<hbm>>
        %dma_wait3A_36 = arith.constant 0 : i32
        %dma_wait3A_37 = tpu.memref_slice %arg4[%arg0, %arg1, %scan3A_14, %dma_wait3A_36] : memref<2x16x79x128xi32, #tpu.memory_space<hbm>> -> memref<1x1x1x128xi32, #tpu.memory_space<hbm>>
        %dma_wait3A_38 = tpu.memref_squeeze %dma_wait3A_37 : memref<1x1x1x128xi32, #tpu.memory_space<hbm>> -> memref<128xi32, #tpu.memory_space<hbm>>
        tpu.wait_dma2 semaphore(%run_scoped3A : memref<!tpu.dma_semaphore, #tpu.memory_space<semaphore_mem>>) src(%dma_wait3A_38 : memref<128xi32, #tpu.memory_space<hbm>>) dst(%arg8 : memref<128xi32, #tpu.memory_space<vmem>>)
        tpu.yield
      }) : () -> ()
      "tpu.region"() ({
        %run_scoped3A = tpu.sem_alloc : memref<!tpu.dma_semaphore, #tpu.memory_space<semaphore_mem>>
        %dma_start3A_27 = arith.constant 0 : i32
        %dma_start3A_28 = arith.constant 0 : i32
        %dma_start3A_29 = tpu.memref_slice %arg10[%dma_start3A_27, %dma_start3A_28] : memref<10112x128xf32, #tpu.memory_space<vmem_shared>> -> memref<10112x128xf32, #tpu.memory_space<vmem_shared>>
        tpu.enqueue_indirect_dma source(%arg9 : memref<128x128xf32, #tpu.memory_space<vmem>>) target(%dma_start3A_29 : memref<10112x128xf32, #tpu.memory_space<vmem_shared>>) offsets(%arg8 : memref<128xi32, #tpu.memory_space<vmem>>) semaphore(%run_scoped3A : memref<!tpu.dma_semaphore, #tpu.memory_space<semaphore_mem>>) {add = true}
        %dma_wait3A_30 = arith.constant 0 : i32
        %dma_wait3A_31 = arith.constant 0 : i32
        %dma_wait3A_32 = tpu.memref_slice %arg10[%dma_wait3A_30, %dma_wait3A_31] : memref<10112x128xf32, #tpu.memory_space<vmem_shared>> -> memref<10112x128xf32, #tpu.memory_space<vmem_shared>>
        tpu.wait_indirect_dma semaphore(%run_scoped3A : memref<!tpu.dma_semaphore, #tpu.memory_space<semaphore_mem>>) src(%arg9 : memref<128x128xf32, #tpu.memory_space<vmem>>) dst(%dma_wait3A_32 : memref<10112x128xf32, #tpu.memory_space<vmem_shared>>)
        tpu.yield
      }) : () -> ()
      %scan3A_26 = arith.constant 0 : i32
      scf.yield %scan3A_26 : i32
    }
    %scan3A_7 = arith.constant 79 : i32
    %barrier3A_8 = arith.constant 0 : index
    tpu.barrier barrier_id(%barrier3A_8)
    %eq3A_9 = arith.constant 0 : i32
    %eq3A_10 = arith.cmpi eq, %arg1, %eq3A_9 : i32
    %convert_element_type3A_11 = arith.extui %eq3A_10 : i1 to i32
    %cond3A_12 = arith.constant 0 : i32
    %cond3A_13 = arith.cmpi ne, %convert_element_type3A_11, %cond3A_12 : i32
    scf.if %cond3A_13 {
      "tpu.region"() ({
        %run_scoped3A = tpu.sem_alloc : memref<!tpu.dma_semaphore, #tpu.memory_space<semaphore_mem>>
        %dma_start3A = arith.constant 0 : i32
        %dma_start3A_14 = arith.constant 0 : i32
        %dma_start3A_15 = tpu.memref_slice %arg6[%arg0, %dma_start3A, %dma_start3A_14] : memref<2x10112x128xf32, #tpu.memory_space<hbm>> -> memref<1x10112x128xf32, #tpu.memory_space<hbm>>
        %dma_start3A_16 = tpu.memref_squeeze %dma_start3A_15 : memref<1x10112x128xf32, #tpu.memory_space<hbm>> -> memref<10112x128xf32, #tpu.memory_space<hbm>>
        tpu.enqueue_dma source(%arg10 : memref<10112x128xf32, #tpu.memory_space<vmem_shared>>) target(%dma_start3A_16 : memref<10112x128xf32, #tpu.memory_space<hbm>>) target_semaphore(%run_scoped3A : memref<!tpu.dma_semaphore, #tpu.memory_space<semaphore_mem>>)
        %dma_wait3A = arith.constant 0 : i32
        %dma_wait3A_17 = arith.constant 0 : i32
        %dma_wait3A_18 = tpu.memref_slice %arg6[%arg0, %dma_wait3A, %dma_wait3A_17] : memref<2x10112x128xf32, #tpu.memory_space<hbm>> -> memref<1x10112x128xf32, #tpu.memory_space<hbm>>
        %dma_wait3A_19 = tpu.memref_squeeze %dma_wait3A_18 : memref<1x10112x128xf32, #tpu.memory_space<hbm>> -> memref<10112x128xf32, #tpu.memory_space<hbm>>
        tpu.wait_dma2 semaphore(%run_scoped3A : memref<!tpu.dma_semaphore, #tpu.memory_space<semaphore_mem>>) src(%arg10 : memref<10112x128xf32, #tpu.memory_space<vmem_shared>>) dst(%dma_wait3A_19 : memref<10112x128xf32, #tpu.memory_space<hbm>>)
        tpu.yield
      }) : () -> ()
    } else {
    }
    return
  }
}

#map = affine_map<(d0, d1) -> (0, 0)>
#map1 = affine_map<(d0, d1) -> (0, 0, 0, 0)>
#map2 = affine_map<(d0, d1) -> (0, 0, 0)>
module attributes {stable_mosaic.version = 14 : i64} {
  func.func @_segsum_body(%arg0: i32, %arg1: i32, %arg2: memref<10000x128xf32, #tpu.memory_space<hbm>>, %arg3: memref<2x16x79x128xi32, #tpu.memory_space<hbm>>, %arg4: memref<2x16x79x128xi32, #tpu.memory_space<hbm>>, %arg5: memref<10112x128xf32, #tpu.memory_space<hbm>>, %arg6: memref<2x10112x128xf32, #tpu.memory_space<hbm>>, %arg7: memref<79x128xi32, #tpu.memory_space<vmem>>, %arg8: memref<128xi32, #tpu.memory_space<vmem>>, %arg9: memref<128x128xf32, #tpu.memory_space<vmem>>, %arg10: memref<10112x128xf32, #tpu.memory_space<vmem_shared>>, %arg11: memref<!tpu.dma_semaphore, #tpu.memory_space<semaphore_mem>>) attributes {dimension_semantics = [#tpu.dimension_semantics<core_parallel>, #tpu.dimension_semantics<subcore_parallel>], iteration_bounds = array<i64: 2, 16>, scalar_prefetch = 0 : i64, scratch_operands = 5 : i64, tpu.core_type = #tpu.core_type<sc_vector_subcore>, window_params = [{transform_indices = #map}, {transform_indices = #map1}, {transform_indices = #map1}, {transform_indices = #map}, {transform_indices = #map2}]} {
    "tpu.region"() ({
      %run_scoped3A = tpu.sem_alloc : memref<!tpu.dma_semaphore, #tpu.memory_space<semaphore_mem>>
      %dma_start3A = arith.constant 0 : i32
      %dma_start3A_14 = arith.constant 0 : i32
      %dma_start3A_15 = tpu.memref_slice %arg3[%arg0, %arg1, %dma_start3A, %dma_start3A_14] : memref<2x16x79x128xi32, #tpu.memory_space<hbm>> -> memref<1x1x79x128xi32, #tpu.memory_space<hbm>>
      %dma_start3A_16 = tpu.memref_squeeze %dma_start3A_15 : memref<1x1x79x128xi32, #tpu.memory_space<hbm>> -> memref<79x128xi32, #tpu.memory_space<hbm>>
      %dma_start3A_17 = arith.constant 0 : i32
      %dma_start3A_18 = arith.constant 0 : i32
      %dma_start3A_19 = tpu.memref_slice %arg3[%arg0, %arg1, %dma_start3A_17, %dma_start3A_18] : memref<2x16x79x128xi32, #tpu.memory_space<hbm>> -> memref<1x1x79x128xi32, #tpu.memory_space<hbm>>
      %dma_start3A_20 = tpu.memref_squeeze %dma_start3A_19 : memref<1x1x79x128xi32, #tpu.memory_space<hbm>> -> memref<79x128xi32, #tpu.memory_space<hbm>>
      tpu.enqueue_dma source(%dma_start3A_20 : memref<79x128xi32, #tpu.memory_space<hbm>>) target(%arg7 : memref<79x128xi32, #tpu.memory_space<vmem>>) target_semaphore(%run_scoped3A : memref<!tpu.dma_semaphore, #tpu.memory_space<semaphore_mem>>)
      %dma_wait3A = arith.constant 0 : i32
      %dma_wait3A_21 = arith.constant 0 : i32
      %dma_wait3A_22 = tpu.memref_slice %arg3[%arg0, %arg1, %dma_wait3A, %dma_wait3A_21] : memref<2x16x79x128xi32, #tpu.memory_space<hbm>> -> memref<1x1x79x128xi32, #tpu.memory_space<hbm>>
      %dma_wait3A_23 = tpu.memref_squeeze %dma_wait3A_22 : memref<1x1x79x128xi32, #tpu.memory_space<hbm>> -> memref<79x128xi32, #tpu.memory_space<hbm>>
      %dma_wait3A_24 = arith.constant 0 : i32
      %dma_wait3A_25 = arith.constant 0 : i32
      %dma_wait3A_26 = tpu.memref_slice %arg3[%arg0, %arg1, %dma_wait3A_24, %dma_wait3A_25] : memref<2x16x79x128xi32, #tpu.memory_space<hbm>> -> memref<1x1x79x128xi32, #tpu.memory_space<hbm>>
      %dma_wait3A_27 = tpu.memref_squeeze %dma_wait3A_26 : memref<1x1x79x128xi32, #tpu.memory_space<hbm>> -> memref<79x128xi32, #tpu.memory_space<hbm>>
      tpu.wait_dma2 semaphore(%run_scoped3A : memref<!tpu.dma_semaphore, #tpu.memory_space<semaphore_mem>>) src(%dma_wait3A_27 : memref<79x128xi32, #tpu.memory_space<hbm>>) dst(%arg7 : memref<79x128xi32, #tpu.memory_space<vmem>>)
      tpu.yield
    }) : () -> ()
    %eq3A = arith.constant 0 : i32
    %eq3A_0 = arith.cmpi eq, %arg1, %eq3A : i32
    %convert_element_type3A = arith.extui %eq3A_0 : i1 to i32
    %cond3A = arith.constant 0 : i32
    %cond3A_1 = arith.cmpi ne, %convert_element_type3A, %cond3A : i32
    scf.if %cond3A_1 {
      "tpu.region"() ({
        %run_scoped3A = tpu.sem_alloc : memref<!tpu.dma_semaphore, #tpu.memory_space<semaphore_mem>>
        tpu.enqueue_dma source(%arg5 : memref<10112x128xf32, #tpu.memory_space<hbm>>) target(%arg10 : memref<10112x128xf32, #tpu.memory_space<vmem_shared>>) target_semaphore(%run_scoped3A : memref<!tpu.dma_semaphore, #tpu.memory_space<semaphore_mem>>)
        tpu.wait_dma2 semaphore(%run_scoped3A : memref<!tpu.dma_semaphore, #tpu.memory_space<semaphore_mem>>) src(%arg5 : memref<10112x128xf32, #tpu.memory_space<hbm>>) dst(%arg10 : memref<10112x128xf32, #tpu.memory_space<vmem_shared>>)
        tpu.yield
      }) : () -> ()
    } else {
    }
    %barrier3A = arith.constant 0 : index
    tpu.barrier barrier_id(%barrier3A)
    %scan3A = arith.constant 0 : i32
    %scan3A_2 = arith.constant 0 : i32
    %scan3A_3 = arith.constant 79 : i32
    %scan3A_4 = arith.addi %scan3A_2, %scan3A_3 : i32
    %scan3A_5 = arith.constant 1 : i32
    %scan3A_6 = scf.for %scan3A_14 = %scan3A_2 to %scan3A_4 step %scan3A_5 iter_args(%scan3A_15 = %scan3A) -> (i32)  : i32 {
      %dma_start3A = arith.constant 0 : i32
      %dma_start3A_16 = tpu.memref_slice %arg7[%scan3A_14, %dma_start3A] : memref<79x128xi32, #tpu.memory_space<vmem>> -> memref<1x128xi32, #tpu.memory_space<vmem>>
      %dma_start3A_17 = tpu.memref_squeeze %dma_start3A_16 : memref<1x128xi32, #tpu.memory_space<vmem>> -> memref<128xi32, #tpu.memory_space<vmem>>
      %dma_start3A_18 = arith.constant 0 : i32
      %dma_start3A_19 = arith.constant 0 : i32
      %dma_start3A_20 = tpu.memref_slice %arg2[%dma_start3A_18, %dma_start3A_19] : memref<10000x128xf32, #tpu.memory_space<hbm>> -> memref<10000x128xf32, #tpu.memory_space<hbm>>
      tpu.enqueue_indirect_dma source(%dma_start3A_20 : memref<10000x128xf32, #tpu.memory_space<hbm>>) target(%arg9 : memref<128x128xf32, #tpu.memory_space<vmem>>) offsets(%dma_start3A_17 : memref<128xi32, #tpu.memory_space<vmem>>) semaphore(%arg11 : memref<!tpu.dma_semaphore, #tpu.memory_space<semaphore_mem>>)
      %dma_wait3A = arith.constant 0 : i32
      %dma_wait3A_21 = tpu.memref_slice %arg7[%scan3A_14, %dma_wait3A] : memref<79x128xi32, #tpu.memory_space<vmem>> -> memref<1x128xi32, #tpu.memory_space<vmem>>
      %dma_wait3A_22 = tpu.memref_squeeze %dma_wait3A_21 : memref<1x128xi32, #tpu.memory_space<vmem>> -> memref<128xi32, #tpu.memory_space<vmem>>
      %dma_wait3A_23 = arith.constant 0 : i32
      %dma_wait3A_24 = arith.constant 0 : i32
      %dma_wait3A_25 = tpu.memref_slice %arg2[%dma_wait3A_23, %dma_wait3A_24] : memref<10000x128xf32, #tpu.memory_space<hbm>> -> memref<10000x128xf32, #tpu.memory_space<hbm>>
      tpu.wait_indirect_dma semaphore(%arg11 : memref<!tpu.dma_semaphore, #tpu.memory_space<semaphore_mem>>) src(%dma_wait3A_25 : memref<10000x128xf32, #tpu.memory_space<hbm>>) dst(%arg9 : memref<128x128xf32, #tpu.memory_space<vmem>>)
      "tpu.region"() ({
        %run_scoped3A = tpu.sem_alloc : memref<!tpu.dma_semaphore, #tpu.memory_space<semaphore_mem>>
        %dma_start3A_27 = arith.constant 0 : i32
        %dma_start3A_28 = tpu.memref_slice %arg4[%arg0, %arg1, %scan3A_14, %dma_start3A_27] : memref<2x16x79x128xi32, #tpu.memory_space<hbm>> -> memref<1x1x1x128xi32, #tpu.memory_space<hbm>>
        %dma_start3A_29 = tpu.memref_squeeze %dma_start3A_28 : memref<1x1x1x128xi32, #tpu.memory_space<hbm>> -> memref<128xi32, #tpu.memory_space<hbm>>
        %dma_start3A_30 = arith.constant 0 : i32
        %dma_start3A_31 = tpu.memref_slice %arg4[%arg0, %arg1, %scan3A_14, %dma_start3A_30] : memref<2x16x79x128xi32, #tpu.memory_space<hbm>> -> memref<1x1x1x128xi32, #tpu.memory_space<hbm>>
        %dma_start3A_32 = tpu.memref_squeeze %dma_start3A_31 : memref<1x1x1x128xi32, #tpu.memory_space<hbm>> -> memref<128xi32, #tpu.memory_space<hbm>>
        tpu.enqueue_dma source(%dma_start3A_32 : memref<128xi32, #tpu.memory_space<hbm>>) target(%arg8 : memref<128xi32, #tpu.memory_space<vmem>>) target_semaphore(%run_scoped3A : memref<!tpu.dma_semaphore, #tpu.memory_space<semaphore_mem>>)
        %dma_wait3A_33 = arith.constant 0 : i32
        %dma_wait3A_34 = tpu.memref_slice %arg4[%arg0, %arg1, %scan3A_14, %dma_wait3A_33] : memref<2x16x79x128xi32, #tpu.memory_space<hbm>> -> memref<1x1x1x128xi32, #tpu.memory_space<hbm>>
        %dma_wait3A_35 = tpu.memref_squeeze %dma_wait3A_34 : memref<1x1x1x128xi32, #tpu.memory_space<hbm>> -> memref<128xi32, #tpu.memory_space<hbm>>
        %dma_wait3A_36 = arith.constant 0 : i32
        %dma_wait3A_37 = tpu.memref_slice %arg4[%arg0, %arg1, %scan3A_14, %dma_wait3A_36] : memref<2x16x79x128xi32, #tpu.memory_space<hbm>> -> memref<1x1x1x128xi32, #tpu.memory_space<hbm>>
        %dma_wait3A_38 = tpu.memref_squeeze %dma_wait3A_37 : memref<1x1x1x128xi32, #tpu.memory_space<hbm>> -> memref<128xi32, #tpu.memory_space<hbm>>
        tpu.wait_dma2 semaphore(%run_scoped3A : memref<!tpu.dma_semaphore, #tpu.memory_space<semaphore_mem>>) src(%dma_wait3A_38 : memref<128xi32, #tpu.memory_space<hbm>>) dst(%arg8 : memref<128xi32, #tpu.memory_space<vmem>>)
        tpu.yield
      }) : () -> ()
      "tpu.region"() ({
        %run_scoped3A = tpu.sem_alloc : memref<!tpu.dma_semaphore, #tpu.memory_space<semaphore_mem>>
        %dma_start3A_27 = arith.constant 0 : i32
        %dma_start3A_28 = arith.constant 0 : i32
        %dma_start3A_29 = tpu.memref_slice %arg10[%dma_start3A_27, %dma_start3A_28] : memref<10112x128xf32, #tpu.memory_space<vmem_shared>> -> memref<10112x128xf32, #tpu.memory_space<vmem_shared>>
        tpu.enqueue_indirect_dma source(%arg9 : memref<128x128xf32, #tpu.memory_space<vmem>>) target(%dma_start3A_29 : memref<10112x128xf32, #tpu.memory_space<vmem_shared>>) offsets(%arg8 : memref<128xi32, #tpu.memory_space<vmem>>) semaphore(%run_scoped3A : memref<!tpu.dma_semaphore, #tpu.memory_space<semaphore_mem>>) {add = true}
        %dma_wait3A_30 = arith.constant 0 : i32
        %dma_wait3A_31 = arith.constant 0 : i32
        %dma_wait3A_32 = tpu.memref_slice %arg10[%dma_wait3A_30, %dma_wait3A_31] : memref<10112x128xf32, #tpu.memory_space<vmem_shared>> -> memref<10112x128xf32, #tpu.memory_space<vmem_shared>>
        tpu.wait_indirect_dma semaphore(%run_scoped3A : memref<!tpu.dma_semaphore, #tpu.memory_space<semaphore_mem>>) src(%arg9 : memref<128x128xf32, #tpu.memory_space<vmem>>) dst(%dma_wait3A_32 : memref<10112x128xf32, #tpu.memory_space<vmem_shared>>)
        tpu.yield
      }) : () -> ()
      %scan3A_26 = arith.constant 0 : i32
      scf.yield %scan3A_26 : i32
    }
    %scan3A_7 = arith.constant 79 : i32
    %barrier3A_8 = arith.constant 0 : index
    tpu.barrier barrier_id(%barrier3A_8)
    %eq3A_9 = arith.constant 0 : i32
    %eq3A_10 = arith.cmpi eq, %arg1, %eq3A_9 : i32
    %convert_element_type3A_11 = arith.extui %eq3A_10 : i1 to i32
    %cond3A_12 = arith.constant 0 : i32
    %cond3A_13 = arith.cmpi ne, %convert_element_type3A_11, %cond3A_12 : i32
    scf.if %cond3A_13 {
      "tpu.region"() ({
        %run_scoped3A = tpu.sem_alloc : memref<!tpu.dma_semaphore, #tpu.memory_space<semaphore_mem>>
        %dma_start3A = arith.constant 0 : i32
        %dma_start3A_14 = arith.constant 0 : i32
        %dma_start3A_15 = tpu.memref_slice %arg6[%arg0, %dma_start3A, %dma_start3A_14] : memref<2x10112x128xf32, #tpu.memory_space<hbm>> -> memref<1x10112x128xf32, #tpu.memory_space<hbm>>
        %dma_start3A_16 = tpu.memref_squeeze %dma_start3A_15 : memref<1x10112x128xf32, #tpu.memory_space<hbm>> -> memref<10112x128xf32, #tpu.memory_space<hbm>>
        tpu.enqueue_dma source(%arg10 : memref<10112x128xf32, #tpu.memory_space<vmem_shared>>) target(%dma_start3A_16 : memref<10112x128xf32, #tpu.memory_space<hbm>>) target_semaphore(%run_scoped3A : memref<!tpu.dma_semaphore, #tpu.memory_space<semaphore_mem>>)
        %dma_wait3A = arith.constant 0 : i32
        %dma_wait3A_17 = arith.constant 0 : i32
        %dma_wait3A_18 = tpu.memref_slice %arg6[%arg0, %dma_wait3A, %dma_wait3A_17] : memref<2x10112x128xf32, #tpu.memory_space<hbm>> -> memref<1x10112x128xf32, #tpu.memory_space<hbm>>
        %dma_wait3A_19 = tpu.memref_squeeze %dma_wait3A_18 : memref<1x10112x128xf32, #tpu.memory_space<hbm>> -> memref<10112x128xf32, #tpu.memory_space<hbm>>
        tpu.wait_dma2 semaphore(%run_scoped3A : memref<!tpu.dma_semaphore, #tpu.memory_space<semaphore_mem>>) src(%arg10 : memref<10112x128xf32, #tpu.memory_space<vmem_shared>>) dst(%dma_wait3A_19 : memref<10112x128xf32, #tpu.memory_space<hbm>>)
        tpu.yield
      }) : () -> ()
    } else {
    }
    return
  }
}

#map = affine_map<(d0, d1) -> (0, 0)>
#map1 = affine_map<(d0, d1) -> (0, 0, 0, 0)>
#map2 = affine_map<(d0, d1) -> (0, 0, 0)>
module attributes {stable_mosaic.version = 14 : i64} {
  func.func @_segsum_body(%arg0: i32, %arg1: i32, %arg2: memref<10000x128xf32, #tpu.memory_space<hbm>>, %arg3: memref<2x16x79x128xi32, #tpu.memory_space<hbm>>, %arg4: memref<2x16x79x128xi32, #tpu.memory_space<hbm>>, %arg5: memref<10112x128xf32, #tpu.memory_space<hbm>>, %arg6: memref<2x10112x128xf32, #tpu.memory_space<hbm>>, %arg7: memref<79x128xi32, #tpu.memory_space<vmem>>, %arg8: memref<128xi32, #tpu.memory_space<vmem>>, %arg9: memref<128x128xf32, #tpu.memory_space<vmem>>, %arg10: memref<10112x128xf32, #tpu.memory_space<vmem_shared>>, %arg11: memref<!tpu.dma_semaphore, #tpu.memory_space<semaphore_mem>>) attributes {dimension_semantics = [#tpu.dimension_semantics<core_parallel>, #tpu.dimension_semantics<subcore_parallel>], iteration_bounds = array<i64: 2, 16>, scalar_prefetch = 0 : i64, scratch_operands = 5 : i64, tpu.core_type = #tpu.core_type<sc_vector_subcore>, window_params = [{transform_indices = #map}, {transform_indices = #map1}, {transform_indices = #map1}, {transform_indices = #map}, {transform_indices = #map2}]} {
    "tpu.region"() ({
      %run_scoped3A = tpu.sem_alloc : memref<!tpu.dma_semaphore, #tpu.memory_space<semaphore_mem>>
      %dma_start3A = arith.constant 0 : i32
      %dma_start3A_14 = arith.constant 0 : i32
      %dma_start3A_15 = tpu.memref_slice %arg3[%arg0, %arg1, %dma_start3A, %dma_start3A_14] : memref<2x16x79x128xi32, #tpu.memory_space<hbm>> -> memref<1x1x79x128xi32, #tpu.memory_space<hbm>>
      %dma_start3A_16 = tpu.memref_squeeze %dma_start3A_15 : memref<1x1x79x128xi32, #tpu.memory_space<hbm>> -> memref<79x128xi32, #tpu.memory_space<hbm>>
      %dma_start3A_17 = arith.constant 0 : i32
      %dma_start3A_18 = arith.constant 0 : i32
      %dma_start3A_19 = tpu.memref_slice %arg3[%arg0, %arg1, %dma_start3A_17, %dma_start3A_18] : memref<2x16x79x128xi32, #tpu.memory_space<hbm>> -> memref<1x1x79x128xi32, #tpu.memory_space<hbm>>
      %dma_start3A_20 = tpu.memref_squeeze %dma_start3A_19 : memref<1x1x79x128xi32, #tpu.memory_space<hbm>> -> memref<79x128xi32, #tpu.memory_space<hbm>>
      tpu.enqueue_dma source(%dma_start3A_20 : memref<79x128xi32, #tpu.memory_space<hbm>>) target(%arg7 : memref<79x128xi32, #tpu.memory_space<vmem>>) target_semaphore(%run_scoped3A : memref<!tpu.dma_semaphore, #tpu.memory_space<semaphore_mem>>)
      %dma_wait3A = arith.constant 0 : i32
      %dma_wait3A_21 = arith.constant 0 : i32
      %dma_wait3A_22 = tpu.memref_slice %arg3[%arg0, %arg1, %dma_wait3A, %dma_wait3A_21] : memref<2x16x79x128xi32, #tpu.memory_space<hbm>> -> memref<1x1x79x128xi32, #tpu.memory_space<hbm>>
      %dma_wait3A_23 = tpu.memref_squeeze %dma_wait3A_22 : memref<1x1x79x128xi32, #tpu.memory_space<hbm>> -> memref<79x128xi32, #tpu.memory_space<hbm>>
      %dma_wait3A_24 = arith.constant 0 : i32
      %dma_wait3A_25 = arith.constant 0 : i32
      %dma_wait3A_26 = tpu.memref_slice %arg3[%arg0, %arg1, %dma_wait3A_24, %dma_wait3A_25] : memref<2x16x79x128xi32, #tpu.memory_space<hbm>> -> memref<1x1x79x128xi32, #tpu.memory_space<hbm>>
      %dma_wait3A_27 = tpu.memref_squeeze %dma_wait3A_26 : memref<1x1x79x128xi32, #tpu.memory_space<hbm>> -> memref<79x128xi32, #tpu.memory_space<hbm>>
      tpu.wait_dma2 semaphore(%run_scoped3A : memref<!tpu.dma_semaphore, #tpu.memory_space<semaphore_mem>>) src(%dma_wait3A_27 : memref<79x128xi32, #tpu.memory_space<hbm>>) dst(%arg7 : memref<79x128xi32, #tpu.memory_space<vmem>>)
      tpu.yield
    }) : () -> ()
    %eq3A = arith.constant 0 : i32
    %eq3A_0 = arith.cmpi eq, %arg1, %eq3A : i32
    %convert_element_type3A = arith.extui %eq3A_0 : i1 to i32
    %cond3A = arith.constant 0 : i32
    %cond3A_1 = arith.cmpi ne, %convert_element_type3A, %cond3A : i32
    scf.if %cond3A_1 {
      "tpu.region"() ({
        %run_scoped3A = tpu.sem_alloc : memref<!tpu.dma_semaphore, #tpu.memory_space<semaphore_mem>>
        tpu.enqueue_dma source(%arg5 : memref<10112x128xf32, #tpu.memory_space<hbm>>) target(%arg10 : memref<10112x128xf32, #tpu.memory_space<vmem_shared>>) target_semaphore(%run_scoped3A : memref<!tpu.dma_semaphore, #tpu.memory_space<semaphore_mem>>)
        tpu.wait_dma2 semaphore(%run_scoped3A : memref<!tpu.dma_semaphore, #tpu.memory_space<semaphore_mem>>) src(%arg5 : memref<10112x128xf32, #tpu.memory_space<hbm>>) dst(%arg10 : memref<10112x128xf32, #tpu.memory_space<vmem_shared>>)
        tpu.yield
      }) : () -> ()
    } else {
    }
    %barrier3A = arith.constant 0 : index
    tpu.barrier barrier_id(%barrier3A)
    %scan3A = arith.constant 0 : i32
    %scan3A_2 = arith.constant 0 : i32
    %scan3A_3 = arith.constant 79 : i32
    %scan3A_4 = arith.addi %scan3A_2, %scan3A_3 : i32
    %scan3A_5 = arith.constant 1 : i32
    %scan3A_6 = scf.for %scan3A_14 = %scan3A_2 to %scan3A_4 step %scan3A_5 iter_args(%scan3A_15 = %scan3A) -> (i32)  : i32 {
      %dma_start3A = arith.constant 0 : i32
      %dma_start3A_16 = tpu.memref_slice %arg7[%scan3A_14, %dma_start3A] : memref<79x128xi32, #tpu.memory_space<vmem>> -> memref<1x128xi32, #tpu.memory_space<vmem>>
      %dma_start3A_17 = tpu.memref_squeeze %dma_start3A_16 : memref<1x128xi32, #tpu.memory_space<vmem>> -> memref<128xi32, #tpu.memory_space<vmem>>
      %dma_start3A_18 = arith.constant 0 : i32
      %dma_start3A_19 = arith.constant 0 : i32
      %dma_start3A_20 = tpu.memref_slice %arg2[%dma_start3A_18, %dma_start3A_19] : memref<10000x128xf32, #tpu.memory_space<hbm>> -> memref<10000x128xf32, #tpu.memory_space<hbm>>
      tpu.enqueue_indirect_dma source(%dma_start3A_20 : memref<10000x128xf32, #tpu.memory_space<hbm>>) target(%arg9 : memref<128x128xf32, #tpu.memory_space<vmem>>) offsets(%dma_start3A_17 : memref<128xi32, #tpu.memory_space<vmem>>) semaphore(%arg11 : memref<!tpu.dma_semaphore, #tpu.memory_space<semaphore_mem>>)
      %dma_wait3A = arith.constant 0 : i32
      %dma_wait3A_21 = tpu.memref_slice %arg7[%scan3A_14, %dma_wait3A] : memref<79x128xi32, #tpu.memory_space<vmem>> -> memref<1x128xi32, #tpu.memory_space<vmem>>
      %dma_wait3A_22 = tpu.memref_squeeze %dma_wait3A_21 : memref<1x128xi32, #tpu.memory_space<vmem>> -> memref<128xi32, #tpu.memory_space<vmem>>
      %dma_wait3A_23 = arith.constant 0 : i32
      %dma_wait3A_24 = arith.constant 0 : i32
      %dma_wait3A_25 = tpu.memref_slice %arg2[%dma_wait3A_23, %dma_wait3A_24] : memref<10000x128xf32, #tpu.memory_space<hbm>> -> memref<10000x128xf32, #tpu.memory_space<hbm>>
      tpu.wait_indirect_dma semaphore(%arg11 : memref<!tpu.dma_semaphore, #tpu.memory_space<semaphore_mem>>) src(%dma_wait3A_25 : memref<10000x128xf32, #tpu.memory_space<hbm>>) dst(%arg9 : memref<128x128xf32, #tpu.memory_space<vmem>>)
      "tpu.region"() ({
        %run_scoped3A = tpu.sem_alloc : memref<!tpu.dma_semaphore, #tpu.memory_space<semaphore_mem>>
        %dma_start3A_27 = arith.constant 0 : i32
        %dma_start3A_28 = tpu.memref_slice %arg4[%arg0, %arg1, %scan3A_14, %dma_start3A_27] : memref<2x16x79x128xi32, #tpu.memory_space<hbm>> -> memref<1x1x1x128xi32, #tpu.memory_space<hbm>>
        %dma_start3A_29 = tpu.memref_squeeze %dma_start3A_28 : memref<1x1x1x128xi32, #tpu.memory_space<hbm>> -> memref<128xi32, #tpu.memory_space<hbm>>
        %dma_start3A_30 = arith.constant 0 : i32
        %dma_start3A_31 = tpu.memref_slice %arg4[%arg0, %arg1, %scan3A_14, %dma_start3A_30] : memref<2x16x79x128xi32, #tpu.memory_space<hbm>> -> memref<1x1x1x128xi32, #tpu.memory_space<hbm>>
        %dma_start3A_32 = tpu.memref_squeeze %dma_start3A_31 : memref<1x1x1x128xi32, #tpu.memory_space<hbm>> -> memref<128xi32, #tpu.memory_space<hbm>>
        tpu.enqueue_dma source(%dma_start3A_32 : memref<128xi32, #tpu.memory_space<hbm>>) target(%arg8 : memref<128xi32, #tpu.memory_space<vmem>>) target_semaphore(%run_scoped3A : memref<!tpu.dma_semaphore, #tpu.memory_space<semaphore_mem>>)
        %dma_wait3A_33 = arith.constant 0 : i32
        %dma_wait3A_34 = tpu.memref_slice %arg4[%arg0, %arg1, %scan3A_14, %dma_wait3A_33] : memref<2x16x79x128xi32, #tpu.memory_space<hbm>> -> memref<1x1x1x128xi32, #tpu.memory_space<hbm>>
        %dma_wait3A_35 = tpu.memref_squeeze %dma_wait3A_34 : memref<1x1x1x128xi32, #tpu.memory_space<hbm>> -> memref<128xi32, #tpu.memory_space<hbm>>
        %dma_wait3A_36 = arith.constant 0 : i32
        %dma_wait3A_37 = tpu.memref_slice %arg4[%arg0, %arg1, %scan3A_14, %dma_wait3A_36] : memref<2x16x79x128xi32, #tpu.memory_space<hbm>> -> memref<1x1x1x128xi32, #tpu.memory_space<hbm>>
        %dma_wait3A_38 = tpu.memref_squeeze %dma_wait3A_37 : memref<1x1x1x128xi32, #tpu.memory_space<hbm>> -> memref<128xi32, #tpu.memory_space<hbm>>
        tpu.wait_dma2 semaphore(%run_scoped3A : memref<!tpu.dma_semaphore, #tpu.memory_space<semaphore_mem>>) src(%dma_wait3A_38 : memref<128xi32, #tpu.memory_space<hbm>>) dst(%arg8 : memref<128xi32, #tpu.memory_space<vmem>>)
        tpu.yield
      }) : () -> ()
      "tpu.region"() ({
        %run_scoped3A = tpu.sem_alloc : memref<!tpu.dma_semaphore, #tpu.memory_space<semaphore_mem>>
        %dma_start3A_27 = arith.constant 0 : i32
        %dma_start3A_28 = arith.constant 0 : i32
        %dma_start3A_29 = tpu.memref_slice %arg10[%dma_start3A_27, %dma_start3A_28] : memref<10112x128xf32, #tpu.memory_space<vmem_shared>> -> memref<10112x128xf32, #tpu.memory_space<vmem_shared>>
        tpu.enqueue_indirect_dma source(%arg9 : memref<128x128xf32, #tpu.memory_space<vmem>>) target(%dma_start3A_29 : memref<10112x128xf32, #tpu.memory_space<vmem_shared>>) offsets(%arg8 : memref<128xi32, #tpu.memory_space<vmem>>) semaphore(%run_scoped3A : memref<!tpu.dma_semaphore, #tpu.memory_space<semaphore_mem>>) {add = true}
        %dma_wait3A_30 = arith.constant 0 : i32
        %dma_wait3A_31 = arith.constant 0 : i32
        %dma_wait3A_32 = tpu.memref_slice %arg10[%dma_wait3A_30, %dma_wait3A_31] : memref<10112x128xf32, #tpu.memory_space<vmem_shared>> -> memref<10112x128xf32, #tpu.memory_space<vmem_shared>>
        tpu.wait_indirect_dma semaphore(%run_scoped3A : memref<!tpu.dma_semaphore, #tpu.memory_space<semaphore_mem>>) src(%arg9 : memref<128x128xf32, #tpu.memory_space<vmem>>) dst(%dma_wait3A_32 : memref<10112x128xf32, #tpu.memory_space<vmem_shared>>)
        tpu.yield
      }) : () -> ()
      %scan3A_26 = arith.constant 0 : i32
      scf.yield %scan3A_26 : i32
    }
    %scan3A_7 = arith.constant 79 : i32
    %barrier3A_8 = arith.constant 0 : index
    tpu.barrier barrier_id(%barrier3A_8)
    %eq3A_9 = arith.constant 0 : i32
    %eq3A_10 = arith.cmpi eq, %arg1, %eq3A_9 : i32
    %convert_element_type3A_11 = arith.extui %eq3A_10 : i1 to i32
    %cond3A_12 = arith.constant 0 : i32
    %cond3A_13 = arith.cmpi ne, %convert_element_type3A_11, %cond3A_12 : i32
    scf.if %cond3A_13 {
      "tpu.region"() ({
        %run_scoped3A = tpu.sem_alloc : memref<!tpu.dma_semaphore, #tpu.memory_space<semaphore_mem>>
        %dma_start3A = arith.constant 0 : i32
        %dma_start3A_14 = arith.constant 0 : i32
        %dma_start3A_15 = tpu.memref_slice %arg6[%arg0, %dma_start3A, %dma_start3A_14] : memref<2x10112x128xf32, #tpu.memory_space<hbm>> -> memref<1x10112x128xf32, #tpu.memory_space<hbm>>
        %dma_start3A_16 = tpu.memref_squeeze %dma_start3A_15 : memref<1x10112x128xf32, #tpu.memory_space<hbm>> -> memref<10112x128xf32, #tpu.memory_space<hbm>>
        tpu.enqueue_dma source(%arg10 : memref<10112x128xf32, #tpu.memory_space<vmem_shared>>) target(%dma_start3A_16 : memref<10112x128xf32, #tpu.memory_space<hbm>>) target_semaphore(%run_scoped3A : memref<!tpu.dma_semaphore, #tpu.memory_space<semaphore_mem>>)
        %dma_wait3A = arith.constant 0 : i32
        %dma_wait3A_17 = arith.constant 0 : i32
        %dma_wait3A_18 = tpu.memref_slice %arg6[%arg0, %dma_wait3A, %dma_wait3A_17] : memref<2x10112x128xf32, #tpu.memory_space<hbm>> -> memref<1x10112x128xf32, #tpu.memory_space<hbm>>
        %dma_wait3A_19 = tpu.memref_squeeze %dma_wait3A_18 : memref<1x10112x128xf32, #tpu.memory_space<hbm>> -> memref<10112x128xf32, #tpu.memory_space<hbm>>
        tpu.wait_dma2 semaphore(%run_scoped3A : memref<!tpu.dma_semaphore, #tpu.memory_space<semaphore_mem>>) src(%arg10 : memref<10112x128xf32, #tpu.memory_space<vmem_shared>>) dst(%dma_wait3A_19 : memref<10112x128xf32, #tpu.memory_space<hbm>>)
        tpu.yield
      }) : () -> ()
    } else {
    }
    return
  }
}

#map = affine_map<(d0, d1) -> (0, 0)>
#map1 = affine_map<(d0, d1) -> (0, 0, 0, 0)>
#map2 = affine_map<(d0, d1) -> (0, 0, 0)>
module attributes {stable_mosaic.version = 14 : i64} {
  func.func @_segsum_body(%arg0: i32, %arg1: i32, %arg2: memref<10000x128xf32, #tpu.memory_space<hbm>>, %arg3: memref<2x16x79x128xi32, #tpu.memory_space<hbm>>, %arg4: memref<2x16x79x128xi32, #tpu.memory_space<hbm>>, %arg5: memref<10112x128xf32, #tpu.memory_space<hbm>>, %arg6: memref<2x10112x128xf32, #tpu.memory_space<hbm>>, %arg7: memref<79x128xi32, #tpu.memory_space<vmem>>, %arg8: memref<128xi32, #tpu.memory_space<vmem>>, %arg9: memref<128x128xf32, #tpu.memory_space<vmem>>, %arg10: memref<10112x128xf32, #tpu.memory_space<vmem_shared>>, %arg11: memref<!tpu.dma_semaphore, #tpu.memory_space<semaphore_mem>>) attributes {dimension_semantics = [#tpu.dimension_semantics<core_parallel>, #tpu.dimension_semantics<subcore_parallel>], iteration_bounds = array<i64: 2, 16>, scalar_prefetch = 0 : i64, scratch_operands = 5 : i64, tpu.core_type = #tpu.core_type<sc_vector_subcore>, window_params = [{transform_indices = #map}, {transform_indices = #map1}, {transform_indices = #map1}, {transform_indices = #map}, {transform_indices = #map2}]} {
    "tpu.region"() ({
      %run_scoped3A = tpu.sem_alloc : memref<!tpu.dma_semaphore, #tpu.memory_space<semaphore_mem>>
      %dma_start3A = arith.constant 0 : i32
      %dma_start3A_14 = arith.constant 0 : i32
      %dma_start3A_15 = tpu.memref_slice %arg3[%arg0, %arg1, %dma_start3A, %dma_start3A_14] : memref<2x16x79x128xi32, #tpu.memory_space<hbm>> -> memref<1x1x79x128xi32, #tpu.memory_space<hbm>>
      %dma_start3A_16 = tpu.memref_squeeze %dma_start3A_15 : memref<1x1x79x128xi32, #tpu.memory_space<hbm>> -> memref<79x128xi32, #tpu.memory_space<hbm>>
      %dma_start3A_17 = arith.constant 0 : i32
      %dma_start3A_18 = arith.constant 0 : i32
      %dma_start3A_19 = tpu.memref_slice %arg3[%arg0, %arg1, %dma_start3A_17, %dma_start3A_18] : memref<2x16x79x128xi32, #tpu.memory_space<hbm>> -> memref<1x1x79x128xi32, #tpu.memory_space<hbm>>
      %dma_start3A_20 = tpu.memref_squeeze %dma_start3A_19 : memref<1x1x79x128xi32, #tpu.memory_space<hbm>> -> memref<79x128xi32, #tpu.memory_space<hbm>>
      tpu.enqueue_dma source(%dma_start3A_20 : memref<79x128xi32, #tpu.memory_space<hbm>>) target(%arg7 : memref<79x128xi32, #tpu.memory_space<vmem>>) target_semaphore(%run_scoped3A : memref<!tpu.dma_semaphore, #tpu.memory_space<semaphore_mem>>)
      %dma_wait3A = arith.constant 0 : i32
      %dma_wait3A_21 = arith.constant 0 : i32
      %dma_wait3A_22 = tpu.memref_slice %arg3[%arg0, %arg1, %dma_wait3A, %dma_wait3A_21] : memref<2x16x79x128xi32, #tpu.memory_space<hbm>> -> memref<1x1x79x128xi32, #tpu.memory_space<hbm>>
      %dma_wait3A_23 = tpu.memref_squeeze %dma_wait3A_22 : memref<1x1x79x128xi32, #tpu.memory_space<hbm>> -> memref<79x128xi32, #tpu.memory_space<hbm>>
      %dma_wait3A_24 = arith.constant 0 : i32
      %dma_wait3A_25 = arith.constant 0 : i32
      %dma_wait3A_26 = tpu.memref_slice %arg3[%arg0, %arg1, %dma_wait3A_24, %dma_wait3A_25] : memref<2x16x79x128xi32, #tpu.memory_space<hbm>> -> memref<1x1x79x128xi32, #tpu.memory_space<hbm>>
      %dma_wait3A_27 = tpu.memref_squeeze %dma_wait3A_26 : memref<1x1x79x128xi32, #tpu.memory_space<hbm>> -> memref<79x128xi32, #tpu.memory_space<hbm>>
      tpu.wait_dma2 semaphore(%run_scoped3A : memref<!tpu.dma_semaphore, #tpu.memory_space<semaphore_mem>>) src(%dma_wait3A_27 : memref<79x128xi32, #tpu.memory_space<hbm>>) dst(%arg7 : memref<79x128xi32, #tpu.memory_space<vmem>>)
      tpu.yield
    }) : () -> ()
    %eq3A = arith.constant 0 : i32
    %eq3A_0 = arith.cmpi eq, %arg1, %eq3A : i32
    %convert_element_type3A = arith.extui %eq3A_0 : i1 to i32
    %cond3A = arith.constant 0 : i32
    %cond3A_1 = arith.cmpi ne, %convert_element_type3A, %cond3A : i32
    scf.if %cond3A_1 {
      "tpu.region"() ({
        %run_scoped3A = tpu.sem_alloc : memref<!tpu.dma_semaphore, #tpu.memory_space<semaphore_mem>>
        tpu.enqueue_dma source(%arg5 : memref<10112x128xf32, #tpu.memory_space<hbm>>) target(%arg10 : memref<10112x128xf32, #tpu.memory_space<vmem_shared>>) target_semaphore(%run_scoped3A : memref<!tpu.dma_semaphore, #tpu.memory_space<semaphore_mem>>)
        tpu.wait_dma2 semaphore(%run_scoped3A : memref<!tpu.dma_semaphore, #tpu.memory_space<semaphore_mem>>) src(%arg5 : memref<10112x128xf32, #tpu.memory_space<hbm>>) dst(%arg10 : memref<10112x128xf32, #tpu.memory_space<vmem_shared>>)
        tpu.yield
      }) : () -> ()
    } else {
    }
    %barrier3A = arith.constant 0 : index
    tpu.barrier barrier_id(%barrier3A)
    %scan3A = arith.constant 0 : i32
    %scan3A_2 = arith.constant 0 : i32
    %scan3A_3 = arith.constant 79 : i32
    %scan3A_4 = arith.addi %scan3A_2, %scan3A_3 : i32
    %scan3A_5 = arith.constant 1 : i32
    %scan3A_6 = scf.for %scan3A_14 = %scan3A_2 to %scan3A_4 step %scan3A_5 iter_args(%scan3A_15 = %scan3A) -> (i32)  : i32 {
      %dma_start3A = arith.constant 0 : i32
      %dma_start3A_16 = tpu.memref_slice %arg7[%scan3A_14, %dma_start3A] : memref<79x128xi32, #tpu.memory_space<vmem>> -> memref<1x128xi32, #tpu.memory_space<vmem>>
      %dma_start3A_17 = tpu.memref_squeeze %dma_start3A_16 : memref<1x128xi32, #tpu.memory_space<vmem>> -> memref<128xi32, #tpu.memory_space<vmem>>
      %dma_start3A_18 = arith.constant 0 : i32
      %dma_start3A_19 = arith.constant 0 : i32
      %dma_start3A_20 = tpu.memref_slice %arg2[%dma_start3A_18, %dma_start3A_19] : memref<10000x128xf32, #tpu.memory_space<hbm>> -> memref<10000x128xf32, #tpu.memory_space<hbm>>
      tpu.enqueue_indirect_dma source(%dma_start3A_20 : memref<10000x128xf32, #tpu.memory_space<hbm>>) target(%arg9 : memref<128x128xf32, #tpu.memory_space<vmem>>) offsets(%dma_start3A_17 : memref<128xi32, #tpu.memory_space<vmem>>) semaphore(%arg11 : memref<!tpu.dma_semaphore, #tpu.memory_space<semaphore_mem>>)
      %dma_wait3A = arith.constant 0 : i32
      %dma_wait3A_21 = tpu.memref_slice %arg7[%scan3A_14, %dma_wait3A] : memref<79x128xi32, #tpu.memory_space<vmem>> -> memref<1x128xi32, #tpu.memory_space<vmem>>
      %dma_wait3A_22 = tpu.memref_squeeze %dma_wait3A_21 : memref<1x128xi32, #tpu.memory_space<vmem>> -> memref<128xi32, #tpu.memory_space<vmem>>
      %dma_wait3A_23 = arith.constant 0 : i32
      %dma_wait3A_24 = arith.constant 0 : i32
      %dma_wait3A_25 = tpu.memref_slice %arg2[%dma_wait3A_23, %dma_wait3A_24] : memref<10000x128xf32, #tpu.memory_space<hbm>> -> memref<10000x128xf32, #tpu.memory_space<hbm>>
      tpu.wait_indirect_dma semaphore(%arg11 : memref<!tpu.dma_semaphore, #tpu.memory_space<semaphore_mem>>) src(%dma_wait3A_25 : memref<10000x128xf32, #tpu.memory_space<hbm>>) dst(%arg9 : memref<128x128xf32, #tpu.memory_space<vmem>>)
      "tpu.region"() ({
        %run_scoped3A = tpu.sem_alloc : memref<!tpu.dma_semaphore, #tpu.memory_space<semaphore_mem>>
        %dma_start3A_27 = arith.constant 0 : i32
        %dma_start3A_28 = tpu.memref_slice %arg4[%arg0, %arg1, %scan3A_14, %dma_start3A_27] : memref<2x16x79x128xi32, #tpu.memory_space<hbm>> -> memref<1x1x1x128xi32, #tpu.memory_space<hbm>>
        %dma_start3A_29 = tpu.memref_squeeze %dma_start3A_28 : memref<1x1x1x128xi32, #tpu.memory_space<hbm>> -> memref<128xi32, #tpu.memory_space<hbm>>
        %dma_start3A_30 = arith.constant 0 : i32
        %dma_start3A_31 = tpu.memref_slice %arg4[%arg0, %arg1, %scan3A_14, %dma_start3A_30] : memref<2x16x79x128xi32, #tpu.memory_space<hbm>> -> memref<1x1x1x128xi32, #tpu.memory_space<hbm>>
        %dma_start3A_32 = tpu.memref_squeeze %dma_start3A_31 : memref<1x1x1x128xi32, #tpu.memory_space<hbm>> -> memref<128xi32, #tpu.memory_space<hbm>>
        tpu.enqueue_dma source(%dma_start3A_32 : memref<128xi32, #tpu.memory_space<hbm>>) target(%arg8 : memref<128xi32, #tpu.memory_space<vmem>>) target_semaphore(%run_scoped3A : memref<!tpu.dma_semaphore, #tpu.memory_space<semaphore_mem>>)
        %dma_wait3A_33 = arith.constant 0 : i32
        %dma_wait3A_34 = tpu.memref_slice %arg4[%arg0, %arg1, %scan3A_14, %dma_wait3A_33] : memref<2x16x79x128xi32, #tpu.memory_space<hbm>> -> memref<1x1x1x128xi32, #tpu.memory_space<hbm>>
        %dma_wait3A_35 = tpu.memref_squeeze %dma_wait3A_34 : memref<1x1x1x128xi32, #tpu.memory_space<hbm>> -> memref<128xi32, #tpu.memory_space<hbm>>
        %dma_wait3A_36 = arith.constant 0 : i32
        %dma_wait3A_37 = tpu.memref_slice %arg4[%arg0, %arg1, %scan3A_14, %dma_wait3A_36] : memref<2x16x79x128xi32, #tpu.memory_space<hbm>> -> memref<1x1x1x128xi32, #tpu.memory_space<hbm>>
        %dma_wait3A_38 = tpu.memref_squeeze %dma_wait3A_37 : memref<1x1x1x128xi32, #tpu.memory_space<hbm>> -> memref<128xi32, #tpu.memory_space<hbm>>
        tpu.wait_dma2 semaphore(%run_scoped3A : memref<!tpu.dma_semaphore, #tpu.memory_space<semaphore_mem>>) src(%dma_wait3A_38 : memref<128xi32, #tpu.memory_space<hbm>>) dst(%arg8 : memref<128xi32, #tpu.memory_space<vmem>>)
        tpu.yield
      }) : () -> ()
      "tpu.region"() ({
        %run_scoped3A = tpu.sem_alloc : memref<!tpu.dma_semaphore, #tpu.memory_space<semaphore_mem>>
        %dma_start3A_27 = arith.constant 0 : i32
        %dma_start3A_28 = arith.constant 0 : i32
        %dma_start3A_29 = tpu.memref_slice %arg10[%dma_start3A_27, %dma_start3A_28] : memref<10112x128xf32, #tpu.memory_space<vmem_shared>> -> memref<10112x128xf32, #tpu.memory_space<vmem_shared>>
        tpu.enqueue_indirect_dma source(%arg9 : memref<128x128xf32, #tpu.memory_space<vmem>>) target(%dma_start3A_29 : memref<10112x128xf32, #tpu.memory_space<vmem_shared>>) offsets(%arg8 : memref<128xi32, #tpu.memory_space<vmem>>) semaphore(%run_scoped3A : memref<!tpu.dma_semaphore, #tpu.memory_space<semaphore_mem>>) {add = true}
        %dma_wait3A_30 = arith.constant 0 : i32
        %dma_wait3A_31 = arith.constant 0 : i32
        %dma_wait3A_32 = tpu.memref_slice %arg10[%dma_wait3A_30, %dma_wait3A_31] : memref<10112x128xf32, #tpu.memory_space<vmem_shared>> -> memref<10112x128xf32, #tpu.memory_space<vmem_shared>>
        tpu.wait_indirect_dma semaphore(%run_scoped3A : memref<!tpu.dma_semaphore, #tpu.memory_space<semaphore_mem>>) src(%arg9 : memref<128x128xf32, #tpu.memory_space<vmem>>) dst(%dma_wait3A_32 : memref<10112x128xf32, #tpu.memory_space<vmem_shared>>)
        tpu.yield
      }) : () -> ()
      %scan3A_26 = arith.constant 0 : i32
      scf.yield %scan3A_26 : i32
    }
    %scan3A_7 = arith.constant 79 : i32
    %barrier3A_8 = arith.constant 0 : index
    tpu.barrier barrier_id(%barrier3A_8)
    %eq3A_9 = arith.constant 0 : i32
    %eq3A_10 = arith.cmpi eq, %arg1, %eq3A_9 : i32
    %convert_element_type3A_11 = arith.extui %eq3A_10 : i1 to i32
    %cond3A_12 = arith.constant 0 : i32
    %cond3A_13 = arith.cmpi ne, %convert_element_type3A_11, %cond3A_12 : i32
    scf.if %cond3A_13 {
      "tpu.region"() ({
        %run_scoped3A = tpu.sem_alloc : memref<!tpu.dma_semaphore, #tpu.memory_space<semaphore_mem>>
        %dma_start3A = arith.constant 0 : i32
        %dma_start3A_14 = arith.constant 0 : i32
        %dma_start3A_15 = tpu.memref_slice %arg6[%arg0, %dma_start3A, %dma_start3A_14] : memref<2x10112x128xf32, #tpu.memory_space<hbm>> -> memref<1x10112x128xf32, #tpu.memory_space<hbm>>
        %dma_start3A_16 = tpu.memref_squeeze %dma_start3A_15 : memref<1x10112x128xf32, #tpu.memory_space<hbm>> -> memref<10112x128xf32, #tpu.memory_space<hbm>>
        tpu.enqueue_dma source(%arg10 : memref<10112x128xf32, #tpu.memory_space<vmem_shared>>) target(%dma_start3A_16 : memref<10112x128xf32, #tpu.memory_space<hbm>>) target_semaphore(%run_scoped3A : memref<!tpu.dma_semaphore, #tpu.memory_space<semaphore_mem>>)
        %dma_wait3A = arith.constant 0 : i32
        %dma_wait3A_17 = arith.constant 0 : i32
        %dma_wait3A_18 = tpu.memref_slice %arg6[%arg0, %dma_wait3A, %dma_wait3A_17] : memref<2x10112x128xf32, #tpu.memory_space<hbm>> -> memref<1x10112x128xf32, #tpu.memory_space<hbm>>
        %dma_wait3A_19 = tpu.memref_squeeze %dma_wait3A_18 : memref<1x10112x128xf32, #tpu.memory_space<hbm>> -> memref<10112x128xf32, #tpu.memory_space<hbm>>
        tpu.wait_dma2 semaphore(%run_scoped3A : memref<!tpu.dma_semaphore, #tpu.memory_space<semaphore_mem>>) src(%arg10 : memref<10112x128xf32, #tpu.memory_space<vmem_shared>>) dst(%dma_wait3A_19 : memref<10112x128xf32, #tpu.memory_space<hbm>>)
        tpu.yield
      }) : () -> ()
    } else {
    }
    return
  }
}

#map = affine_map<(d0, d1) -> (0, 0)>
#map1 = affine_map<(d0, d1) -> (0, 0, 0, 0)>
#map2 = affine_map<(d0, d1) -> (0, 0, 0)>
module attributes {stable_mosaic.version = 14 : i64} {
  func.func @_segsum_body(%arg0: i32, %arg1: i32, %arg2: memref<10000x128xf32, #tpu.memory_space<hbm>>, %arg3: memref<2x16x79x128xi32, #tpu.memory_space<hbm>>, %arg4: memref<2x16x79x128xi32, #tpu.memory_space<hbm>>, %arg5: memref<10112x128xf32, #tpu.memory_space<hbm>>, %arg6: memref<2x10112x128xf32, #tpu.memory_space<hbm>>, %arg7: memref<79x128xi32, #tpu.memory_space<vmem>>, %arg8: memref<128xi32, #tpu.memory_space<vmem>>, %arg9: memref<128x128xf32, #tpu.memory_space<vmem>>, %arg10: memref<10112x128xf32, #tpu.memory_space<vmem_shared>>, %arg11: memref<!tpu.dma_semaphore, #tpu.memory_space<semaphore_mem>>) attributes {dimension_semantics = [#tpu.dimension_semantics<core_parallel>, #tpu.dimension_semantics<subcore_parallel>], iteration_bounds = array<i64: 2, 16>, scalar_prefetch = 0 : i64, scratch_operands = 5 : i64, tpu.core_type = #tpu.core_type<sc_vector_subcore>, window_params = [{transform_indices = #map}, {transform_indices = #map1}, {transform_indices = #map1}, {transform_indices = #map}, {transform_indices = #map2}]} {
    "tpu.region"() ({
      %run_scoped3A = tpu.sem_alloc : memref<!tpu.dma_semaphore, #tpu.memory_space<semaphore_mem>>
      %dma_start3A = arith.constant 0 : i32
      %dma_start3A_14 = arith.constant 0 : i32
      %dma_start3A_15 = tpu.memref_slice %arg3[%arg0, %arg1, %dma_start3A, %dma_start3A_14] : memref<2x16x79x128xi32, #tpu.memory_space<hbm>> -> memref<1x1x79x128xi32, #tpu.memory_space<hbm>>
      %dma_start3A_16 = tpu.memref_squeeze %dma_start3A_15 : memref<1x1x79x128xi32, #tpu.memory_space<hbm>> -> memref<79x128xi32, #tpu.memory_space<hbm>>
      %dma_start3A_17 = arith.constant 0 : i32
      %dma_start3A_18 = arith.constant 0 : i32
      %dma_start3A_19 = tpu.memref_slice %arg3[%arg0, %arg1, %dma_start3A_17, %dma_start3A_18] : memref<2x16x79x128xi32, #tpu.memory_space<hbm>> -> memref<1x1x79x128xi32, #tpu.memory_space<hbm>>
      %dma_start3A_20 = tpu.memref_squeeze %dma_start3A_19 : memref<1x1x79x128xi32, #tpu.memory_space<hbm>> -> memref<79x128xi32, #tpu.memory_space<hbm>>
      tpu.enqueue_dma source(%dma_start3A_20 : memref<79x128xi32, #tpu.memory_space<hbm>>) target(%arg7 : memref<79x128xi32, #tpu.memory_space<vmem>>) target_semaphore(%run_scoped3A : memref<!tpu.dma_semaphore, #tpu.memory_space<semaphore_mem>>)
      %dma_wait3A = arith.constant 0 : i32
      %dma_wait3A_21 = arith.constant 0 : i32
      %dma_wait3A_22 = tpu.memref_slice %arg3[%arg0, %arg1, %dma_wait3A, %dma_wait3A_21] : memref<2x16x79x128xi32, #tpu.memory_space<hbm>> -> memref<1x1x79x128xi32, #tpu.memory_space<hbm>>
      %dma_wait3A_23 = tpu.memref_squeeze %dma_wait3A_22 : memref<1x1x79x128xi32, #tpu.memory_space<hbm>> -> memref<79x128xi32, #tpu.memory_space<hbm>>
      %dma_wait3A_24 = arith.constant 0 : i32
      %dma_wait3A_25 = arith.constant 0 : i32
      %dma_wait3A_26 = tpu.memref_slice %arg3[%arg0, %arg1, %dma_wait3A_24, %dma_wait3A_25] : memref<2x16x79x128xi32, #tpu.memory_space<hbm>> -> memref<1x1x79x128xi32, #tpu.memory_space<hbm>>
      %dma_wait3A_27 = tpu.memref_squeeze %dma_wait3A_26 : memref<1x1x79x128xi32, #tpu.memory_space<hbm>> -> memref<79x128xi32, #tpu.memory_space<hbm>>
      tpu.wait_dma2 semaphore(%run_scoped3A : memref<!tpu.dma_semaphore, #tpu.memory_space<semaphore_mem>>) src(%dma_wait3A_27 : memref<79x128xi32, #tpu.memory_space<hbm>>) dst(%arg7 : memref<79x128xi32, #tpu.memory_space<vmem>>)
      tpu.yield
    }) : () -> ()
    %eq3A = arith.constant 0 : i32
    %eq3A_0 = arith.cmpi eq, %arg1, %eq3A : i32
    %convert_element_type3A = arith.extui %eq3A_0 : i1 to i32
    %cond3A = arith.constant 0 : i32
    %cond3A_1 = arith.cmpi ne, %convert_element_type3A, %cond3A : i32
    scf.if %cond3A_1 {
      "tpu.region"() ({
        %run_scoped3A = tpu.sem_alloc : memref<!tpu.dma_semaphore, #tpu.memory_space<semaphore_mem>>
        tpu.enqueue_dma source(%arg5 : memref<10112x128xf32, #tpu.memory_space<hbm>>) target(%arg10 : memref<10112x128xf32, #tpu.memory_space<vmem_shared>>) target_semaphore(%run_scoped3A : memref<!tpu.dma_semaphore, #tpu.memory_space<semaphore_mem>>)
        tpu.wait_dma2 semaphore(%run_scoped3A : memref<!tpu.dma_semaphore, #tpu.memory_space<semaphore_mem>>) src(%arg5 : memref<10112x128xf32, #tpu.memory_space<hbm>>) dst(%arg10 : memref<10112x128xf32, #tpu.memory_space<vmem_shared>>)
        tpu.yield
      }) : () -> ()
    } else {
    }
    %barrier3A = arith.constant 0 : index
    tpu.barrier barrier_id(%barrier3A)
    %scan3A = arith.constant 0 : i32
    %scan3A_2 = arith.constant 0 : i32
    %scan3A_3 = arith.constant 79 : i32
    %scan3A_4 = arith.addi %scan3A_2, %scan3A_3 : i32
    %scan3A_5 = arith.constant 1 : i32
    %scan3A_6 = scf.for %scan3A_14 = %scan3A_2 to %scan3A_4 step %scan3A_5 iter_args(%scan3A_15 = %scan3A) -> (i32)  : i32 {
      %dma_start3A = arith.constant 0 : i32
      %dma_start3A_16 = tpu.memref_slice %arg7[%scan3A_14, %dma_start3A] : memref<79x128xi32, #tpu.memory_space<vmem>> -> memref<1x128xi32, #tpu.memory_space<vmem>>
      %dma_start3A_17 = tpu.memref_squeeze %dma_start3A_16 : memref<1x128xi32, #tpu.memory_space<vmem>> -> memref<128xi32, #tpu.memory_space<vmem>>
      %dma_start3A_18 = arith.constant 0 : i32
      %dma_start3A_19 = arith.constant 0 : i32
      %dma_start3A_20 = tpu.memref_slice %arg2[%dma_start3A_18, %dma_start3A_19] : memref<10000x128xf32, #tpu.memory_space<hbm>> -> memref<10000x128xf32, #tpu.memory_space<hbm>>
      tpu.enqueue_indirect_dma source(%dma_start3A_20 : memref<10000x128xf32, #tpu.memory_space<hbm>>) target(%arg9 : memref<128x128xf32, #tpu.memory_space<vmem>>) offsets(%dma_start3A_17 : memref<128xi32, #tpu.memory_space<vmem>>) semaphore(%arg11 : memref<!tpu.dma_semaphore, #tpu.memory_space<semaphore_mem>>)
      %dma_wait3A = arith.constant 0 : i32
      %dma_wait3A_21 = tpu.memref_slice %arg7[%scan3A_14, %dma_wait3A] : memref<79x128xi32, #tpu.memory_space<vmem>> -> memref<1x128xi32, #tpu.memory_space<vmem>>
      %dma_wait3A_22 = tpu.memref_squeeze %dma_wait3A_21 : memref<1x128xi32, #tpu.memory_space<vmem>> -> memref<128xi32, #tpu.memory_space<vmem>>
      %dma_wait3A_23 = arith.constant 0 : i32
      %dma_wait3A_24 = arith.constant 0 : i32
      %dma_wait3A_25 = tpu.memref_slice %arg2[%dma_wait3A_23, %dma_wait3A_24] : memref<10000x128xf32, #tpu.memory_space<hbm>> -> memref<10000x128xf32, #tpu.memory_space<hbm>>
      tpu.wait_indirect_dma semaphore(%arg11 : memref<!tpu.dma_semaphore, #tpu.memory_space<semaphore_mem>>) src(%dma_wait3A_25 : memref<10000x128xf32, #tpu.memory_space<hbm>>) dst(%arg9 : memref<128x128xf32, #tpu.memory_space<vmem>>)
      "tpu.region"() ({
        %run_scoped3A = tpu.sem_alloc : memref<!tpu.dma_semaphore, #tpu.memory_space<semaphore_mem>>
        %dma_start3A_27 = arith.constant 0 : i32
        %dma_start3A_28 = tpu.memref_slice %arg4[%arg0, %arg1, %scan3A_14, %dma_start3A_27] : memref<2x16x79x128xi32, #tpu.memory_space<hbm>> -> memref<1x1x1x128xi32, #tpu.memory_space<hbm>>
        %dma_start3A_29 = tpu.memref_squeeze %dma_start3A_28 : memref<1x1x1x128xi32, #tpu.memory_space<hbm>> -> memref<128xi32, #tpu.memory_space<hbm>>
        %dma_start3A_30 = arith.constant 0 : i32
        %dma_start3A_31 = tpu.memref_slice %arg4[%arg0, %arg1, %scan3A_14, %dma_start3A_30] : memref<2x16x79x128xi32, #tpu.memory_space<hbm>> -> memref<1x1x1x128xi32, #tpu.memory_space<hbm>>
        %dma_start3A_32 = tpu.memref_squeeze %dma_start3A_31 : memref<1x1x1x128xi32, #tpu.memory_space<hbm>> -> memref<128xi32, #tpu.memory_space<hbm>>
        tpu.enqueue_dma source(%dma_start3A_32 : memref<128xi32, #tpu.memory_space<hbm>>) target(%arg8 : memref<128xi32, #tpu.memory_space<vmem>>) target_semaphore(%run_scoped3A : memref<!tpu.dma_semaphore, #tpu.memory_space<semaphore_mem>>)
        %dma_wait3A_33 = arith.constant 0 : i32
        %dma_wait3A_34 = tpu.memref_slice %arg4[%arg0, %arg1, %scan3A_14, %dma_wait3A_33] : memref<2x16x79x128xi32, #tpu.memory_space<hbm>> -> memref<1x1x1x128xi32, #tpu.memory_space<hbm>>
        %dma_wait3A_35 = tpu.memref_squeeze %dma_wait3A_34 : memref<1x1x1x128xi32, #tpu.memory_space<hbm>> -> memref<128xi32, #tpu.memory_space<hbm>>
        %dma_wait3A_36 = arith.constant 0 : i32
        %dma_wait3A_37 = tpu.memref_slice %arg4[%arg0, %arg1, %scan3A_14, %dma_wait3A_36] : memref<2x16x79x128xi32, #tpu.memory_space<hbm>> -> memref<1x1x1x128xi32, #tpu.memory_space<hbm>>
        %dma_wait3A_38 = tpu.memref_squeeze %dma_wait3A_37 : memref<1x1x1x128xi32, #tpu.memory_space<hbm>> -> memref<128xi32, #tpu.memory_space<hbm>>
        tpu.wait_dma2 semaphore(%run_scoped3A : memref<!tpu.dma_semaphore, #tpu.memory_space<semaphore_mem>>) src(%dma_wait3A_38 : memref<128xi32, #tpu.memory_space<hbm>>) dst(%arg8 : memref<128xi32, #tpu.memory_space<vmem>>)
        tpu.yield
      }) : () -> ()
      "tpu.region"() ({
        %run_scoped3A = tpu.sem_alloc : memref<!tpu.dma_semaphore, #tpu.memory_space<semaphore_mem>>
        %dma_start3A_27 = arith.constant 0 : i32
        %dma_start3A_28 = arith.constant 0 : i32
        %dma_start3A_29 = tpu.memref_slice %arg10[%dma_start3A_27, %dma_start3A_28] : memref<10112x128xf32, #tpu.memory_space<vmem_shared>> -> memref<10112x128xf32, #tpu.memory_space<vmem_shared>>
        tpu.enqueue_indirect_dma source(%arg9 : memref<128x128xf32, #tpu.memory_space<vmem>>) target(%dma_start3A_29 : memref<10112x128xf32, #tpu.memory_space<vmem_shared>>) offsets(%arg8 : memref<128xi32, #tpu.memory_space<vmem>>) semaphore(%run_scoped3A : memref<!tpu.dma_semaphore, #tpu.memory_space<semaphore_mem>>) {add = true}
        %dma_wait3A_30 = arith.constant 0 : i32
        %dma_wait3A_31 = arith.constant 0 : i32
        %dma_wait3A_32 = tpu.memref_slice %arg10[%dma_wait3A_30, %dma_wait3A_31] : memref<10112x128xf32, #tpu.memory_space<vmem_shared>> -> memref<10112x128xf32, #tpu.memory_space<vmem_shared>>
        tpu.wait_indirect_dma semaphore(%run_scoped3A : memref<!tpu.dma_semaphore, #tpu.memory_space<semaphore_mem>>) src(%arg9 : memref<128x128xf32, #tpu.memory_space<vmem>>) dst(%dma_wait3A_32 : memref<10112x128xf32, #tpu.memory_space<vmem_shared>>)
        tpu.yield
      }) : () -> ()
      %scan3A_26 = arith.constant 0 : i32
      scf.yield %scan3A_26 : i32
    }
    %scan3A_7 = arith.constant 79 : i32
    %barrier3A_8 = arith.constant 0 : index
    tpu.barrier barrier_id(%barrier3A_8)
    %eq3A_9 = arith.constant 0 : i32
    %eq3A_10 = arith.cmpi eq, %arg1, %eq3A_9 : i32
    %convert_element_type3A_11 = arith.extui %eq3A_10 : i1 to i32
    %cond3A_12 = arith.constant 0 : i32
    %cond3A_13 = arith.cmpi ne, %convert_element_type3A_11, %cond3A_12 : i32
    scf.if %cond3A_13 {
      "tpu.region"() ({
        %run_scoped3A = tpu.sem_alloc : memref<!tpu.dma_semaphore, #tpu.memory_space<semaphore_mem>>
        %dma_start3A = arith.constant 0 : i32
        %dma_start3A_14 = arith.constant 0 : i32
        %dma_start3A_15 = tpu.memref_slice %arg6[%arg0, %dma_start3A, %dma_start3A_14] : memref<2x10112x128xf32, #tpu.memory_space<hbm>> -> memref<1x10112x128xf32, #tpu.memory_space<hbm>>
        %dma_start3A_16 = tpu.memref_squeeze %dma_start3A_15 : memref<1x10112x128xf32, #tpu.memory_space<hbm>> -> memref<10112x128xf32, #tpu.memory_space<hbm>>
        tpu.enqueue_dma source(%arg10 : memref<10112x128xf32, #tpu.memory_space<vmem_shared>>) target(%dma_start3A_16 : memref<10112x128xf32, #tpu.memory_space<hbm>>) target_semaphore(%run_scoped3A : memref<!tpu.dma_semaphore, #tpu.memory_space<semaphore_mem>>)
        %dma_wait3A = arith.constant 0 : i32
        %dma_wait3A_17 = arith.constant 0 : i32
        %dma_wait3A_18 = tpu.memref_slice %arg6[%arg0, %dma_wait3A, %dma_wait3A_17] : memref<2x10112x128xf32, #tpu.memory_space<hbm>> -> memref<1x10112x128xf32, #tpu.memory_space<hbm>>
        %dma_wait3A_19 = tpu.memref_squeeze %dma_wait3A_18 : memref<1x10112x128xf32, #tpu.memory_space<hbm>> -> memref<10112x128xf32, #tpu.memory_space<hbm>>
        tpu.wait_dma2 semaphore(%run_scoped3A : memref<!tpu.dma_semaphore, #tpu.memory_space<semaphore_mem>>) src(%arg10 : memref<10112x128xf32, #tpu.memory_space<vmem_shared>>) dst(%dma_wait3A_19 : memref<10112x128xf32, #tpu.memory_space<hbm>>)
        tpu.yield
      }) : () -> ()
    } else {
    }
    return
  }
}

#map = affine_map<(d0, d1) -> (0, 0)>
#map1 = affine_map<(d0, d1) -> (0, 0, 0, 0)>
#map2 = affine_map<(d0, d1) -> (0, 0, 0)>
module attributes {stable_mosaic.version = 14 : i64} {
  func.func @_segsum_body(%arg0: i32, %arg1: i32, %arg2: memref<10000x128xf32, #tpu.memory_space<hbm>>, %arg3: memref<2x16x79x128xi32, #tpu.memory_space<hbm>>, %arg4: memref<2x16x79x128xi32, #tpu.memory_space<hbm>>, %arg5: memref<10112x128xf32, #tpu.memory_space<hbm>>, %arg6: memref<2x10112x128xf32, #tpu.memory_space<hbm>>, %arg7: memref<79x128xi32, #tpu.memory_space<vmem>>, %arg8: memref<128xi32, #tpu.memory_space<vmem>>, %arg9: memref<128x128xf32, #tpu.memory_space<vmem>>, %arg10: memref<10112x128xf32, #tpu.memory_space<vmem_shared>>, %arg11: memref<!tpu.dma_semaphore, #tpu.memory_space<semaphore_mem>>) attributes {dimension_semantics = [#tpu.dimension_semantics<core_parallel>, #tpu.dimension_semantics<subcore_parallel>], iteration_bounds = array<i64: 2, 16>, scalar_prefetch = 0 : i64, scratch_operands = 5 : i64, tpu.core_type = #tpu.core_type<sc_vector_subcore>, window_params = [{transform_indices = #map}, {transform_indices = #map1}, {transform_indices = #map1}, {transform_indices = #map}, {transform_indices = #map2}]} {
    "tpu.region"() ({
      %run_scoped3A = tpu.sem_alloc : memref<!tpu.dma_semaphore, #tpu.memory_space<semaphore_mem>>
      %dma_start3A = arith.constant 0 : i32
      %dma_start3A_14 = arith.constant 0 : i32
      %dma_start3A_15 = tpu.memref_slice %arg3[%arg0, %arg1, %dma_start3A, %dma_start3A_14] : memref<2x16x79x128xi32, #tpu.memory_space<hbm>> -> memref<1x1x79x128xi32, #tpu.memory_space<hbm>>
      %dma_start3A_16 = tpu.memref_squeeze %dma_start3A_15 : memref<1x1x79x128xi32, #tpu.memory_space<hbm>> -> memref<79x128xi32, #tpu.memory_space<hbm>>
      %dma_start3A_17 = arith.constant 0 : i32
      %dma_start3A_18 = arith.constant 0 : i32
      %dma_start3A_19 = tpu.memref_slice %arg3[%arg0, %arg1, %dma_start3A_17, %dma_start3A_18] : memref<2x16x79x128xi32, #tpu.memory_space<hbm>> -> memref<1x1x79x128xi32, #tpu.memory_space<hbm>>
      %dma_start3A_20 = tpu.memref_squeeze %dma_start3A_19 : memref<1x1x79x128xi32, #tpu.memory_space<hbm>> -> memref<79x128xi32, #tpu.memory_space<hbm>>
      tpu.enqueue_dma source(%dma_start3A_20 : memref<79x128xi32, #tpu.memory_space<hbm>>) target(%arg7 : memref<79x128xi32, #tpu.memory_space<vmem>>) target_semaphore(%run_scoped3A : memref<!tpu.dma_semaphore, #tpu.memory_space<semaphore_mem>>)
      %dma_wait3A = arith.constant 0 : i32
      %dma_wait3A_21 = arith.constant 0 : i32
      %dma_wait3A_22 = tpu.memref_slice %arg3[%arg0, %arg1, %dma_wait3A, %dma_wait3A_21] : memref<2x16x79x128xi32, #tpu.memory_space<hbm>> -> memref<1x1x79x128xi32, #tpu.memory_space<hbm>>
      %dma_wait3A_23 = tpu.memref_squeeze %dma_wait3A_22 : memref<1x1x79x128xi32, #tpu.memory_space<hbm>> -> memref<79x128xi32, #tpu.memory_space<hbm>>
      %dma_wait3A_24 = arith.constant 0 : i32
      %dma_wait3A_25 = arith.constant 0 : i32
      %dma_wait3A_26 = tpu.memref_slice %arg3[%arg0, %arg1, %dma_wait3A_24, %dma_wait3A_25] : memref<2x16x79x128xi32, #tpu.memory_space<hbm>> -> memref<1x1x79x128xi32, #tpu.memory_space<hbm>>
      %dma_wait3A_27 = tpu.memref_squeeze %dma_wait3A_26 : memref<1x1x79x128xi32, #tpu.memory_space<hbm>> -> memref<79x128xi32, #tpu.memory_space<hbm>>
      tpu.wait_dma2 semaphore(%run_scoped3A : memref<!tpu.dma_semaphore, #tpu.memory_space<semaphore_mem>>) src(%dma_wait3A_27 : memref<79x128xi32, #tpu.memory_space<hbm>>) dst(%arg7 : memref<79x128xi32, #tpu.memory_space<vmem>>)
      tpu.yield
    }) : () -> ()
    %eq3A = arith.constant 0 : i32
    %eq3A_0 = arith.cmpi eq, %arg1, %eq3A : i32
    %convert_element_type3A = arith.extui %eq3A_0 : i1 to i32
    %cond3A = arith.constant 0 : i32
    %cond3A_1 = arith.cmpi ne, %convert_element_type3A, %cond3A : i32
    scf.if %cond3A_1 {
      "tpu.region"() ({
        %run_scoped3A = tpu.sem_alloc : memref<!tpu.dma_semaphore, #tpu.memory_space<semaphore_mem>>
        tpu.enqueue_dma source(%arg5 : memref<10112x128xf32, #tpu.memory_space<hbm>>) target(%arg10 : memref<10112x128xf32, #tpu.memory_space<vmem_shared>>) target_semaphore(%run_scoped3A : memref<!tpu.dma_semaphore, #tpu.memory_space<semaphore_mem>>)
        tpu.wait_dma2 semaphore(%run_scoped3A : memref<!tpu.dma_semaphore, #tpu.memory_space<semaphore_mem>>) src(%arg5 : memref<10112x128xf32, #tpu.memory_space<hbm>>) dst(%arg10 : memref<10112x128xf32, #tpu.memory_space<vmem_shared>>)
        tpu.yield
      }) : () -> ()
    } else {
    }
    %barrier3A = arith.constant 0 : index
    tpu.barrier barrier_id(%barrier3A)
    %scan3A = arith.constant 0 : i32
    %scan3A_2 = arith.constant 0 : i32
    %scan3A_3 = arith.constant 79 : i32
    %scan3A_4 = arith.addi %scan3A_2, %scan3A_3 : i32
    %scan3A_5 = arith.constant 1 : i32
    %scan3A_6 = scf.for %scan3A_14 = %scan3A_2 to %scan3A_4 step %scan3A_5 iter_args(%scan3A_15 = %scan3A) -> (i32)  : i32 {
      %dma_start3A = arith.constant 0 : i32
      %dma_start3A_16 = tpu.memref_slice %arg7[%scan3A_14, %dma_start3A] : memref<79x128xi32, #tpu.memory_space<vmem>> -> memref<1x128xi32, #tpu.memory_space<vmem>>
      %dma_start3A_17 = tpu.memref_squeeze %dma_start3A_16 : memref<1x128xi32, #tpu.memory_space<vmem>> -> memref<128xi32, #tpu.memory_space<vmem>>
      %dma_start3A_18 = arith.constant 0 : i32
      %dma_start3A_19 = arith.constant 0 : i32
      %dma_start3A_20 = tpu.memref_slice %arg2[%dma_start3A_18, %dma_start3A_19] : memref<10000x128xf32, #tpu.memory_space<hbm>> -> memref<10000x128xf32, #tpu.memory_space<hbm>>
      tpu.enqueue_indirect_dma source(%dma_start3A_20 : memref<10000x128xf32, #tpu.memory_space<hbm>>) target(%arg9 : memref<128x128xf32, #tpu.memory_space<vmem>>) offsets(%dma_start3A_17 : memref<128xi32, #tpu.memory_space<vmem>>) semaphore(%arg11 : memref<!tpu.dma_semaphore, #tpu.memory_space<semaphore_mem>>)
      %dma_wait3A = arith.constant 0 : i32
      %dma_wait3A_21 = tpu.memref_slice %arg7[%scan3A_14, %dma_wait3A] : memref<79x128xi32, #tpu.memory_space<vmem>> -> memref<1x128xi32, #tpu.memory_space<vmem>>
      %dma_wait3A_22 = tpu.memref_squeeze %dma_wait3A_21 : memref<1x128xi32, #tpu.memory_space<vmem>> -> memref<128xi32, #tpu.memory_space<vmem>>
      %dma_wait3A_23 = arith.constant 0 : i32
      %dma_wait3A_24 = arith.constant 0 : i32
      %dma_wait3A_25 = tpu.memref_slice %arg2[%dma_wait3A_23, %dma_wait3A_24] : memref<10000x128xf32, #tpu.memory_space<hbm>> -> memref<10000x128xf32, #tpu.memory_space<hbm>>
      tpu.wait_indirect_dma semaphore(%arg11 : memref<!tpu.dma_semaphore, #tpu.memory_space<semaphore_mem>>) src(%dma_wait3A_25 : memref<10000x128xf32, #tpu.memory_space<hbm>>) dst(%arg9 : memref<128x128xf32, #tpu.memory_space<vmem>>)
      "tpu.region"() ({
        %run_scoped3A = tpu.sem_alloc : memref<!tpu.dma_semaphore, #tpu.memory_space<semaphore_mem>>
        %dma_start3A_27 = arith.constant 0 : i32
        %dma_start3A_28 = tpu.memref_slice %arg4[%arg0, %arg1, %scan3A_14, %dma_start3A_27] : memref<2x16x79x128xi32, #tpu.memory_space<hbm>> -> memref<1x1x1x128xi32, #tpu.memory_space<hbm>>
        %dma_start3A_29 = tpu.memref_squeeze %dma_start3A_28 : memref<1x1x1x128xi32, #tpu.memory_space<hbm>> -> memref<128xi32, #tpu.memory_space<hbm>>
        %dma_start3A_30 = arith.constant 0 : i32
        %dma_start3A_31 = tpu.memref_slice %arg4[%arg0, %arg1, %scan3A_14, %dma_start3A_30] : memref<2x16x79x128xi32, #tpu.memory_space<hbm>> -> memref<1x1x1x128xi32, #tpu.memory_space<hbm>>
        %dma_start3A_32 = tpu.memref_squeeze %dma_start3A_31 : memref<1x1x1x128xi32, #tpu.memory_space<hbm>> -> memref<128xi32, #tpu.memory_space<hbm>>
        tpu.enqueue_dma source(%dma_start3A_32 : memref<128xi32, #tpu.memory_space<hbm>>) target(%arg8 : memref<128xi32, #tpu.memory_space<vmem>>) target_semaphore(%run_scoped3A : memref<!tpu.dma_semaphore, #tpu.memory_space<semaphore_mem>>)
        %dma_wait3A_33 = arith.constant 0 : i32
        %dma_wait3A_34 = tpu.memref_slice %arg4[%arg0, %arg1, %scan3A_14, %dma_wait3A_33] : memref<2x16x79x128xi32, #tpu.memory_space<hbm>> -> memref<1x1x1x128xi32, #tpu.memory_space<hbm>>
        %dma_wait3A_35 = tpu.memref_squeeze %dma_wait3A_34 : memref<1x1x1x128xi32, #tpu.memory_space<hbm>> -> memref<128xi32, #tpu.memory_space<hbm>>
        %dma_wait3A_36 = arith.constant 0 : i32
        %dma_wait3A_37 = tpu.memref_slice %arg4[%arg0, %arg1, %scan3A_14, %dma_wait3A_36] : memref<2x16x79x128xi32, #tpu.memory_space<hbm>> -> memref<1x1x1x128xi32, #tpu.memory_space<hbm>>
        %dma_wait3A_38 = tpu.memref_squeeze %dma_wait3A_37 : memref<1x1x1x128xi32, #tpu.memory_space<hbm>> -> memref<128xi32, #tpu.memory_space<hbm>>
        tpu.wait_dma2 semaphore(%run_scoped3A : memref<!tpu.dma_semaphore, #tpu.memory_space<semaphore_mem>>) src(%dma_wait3A_38 : memref<128xi32, #tpu.memory_space<hbm>>) dst(%arg8 : memref<128xi32, #tpu.memory_space<vmem>>)
        tpu.yield
      }) : () -> ()
      "tpu.region"() ({
        %run_scoped3A = tpu.sem_alloc : memref<!tpu.dma_semaphore, #tpu.memory_space<semaphore_mem>>
        %dma_start3A_27 = arith.constant 0 : i32
        %dma_start3A_28 = arith.constant 0 : i32
        %dma_start3A_29 = tpu.memref_slice %arg10[%dma_start3A_27, %dma_start3A_28] : memref<10112x128xf32, #tpu.memory_space<vmem_shared>> -> memref<10112x128xf32, #tpu.memory_space<vmem_shared>>
        tpu.enqueue_indirect_dma source(%arg9 : memref<128x128xf32, #tpu.memory_space<vmem>>) target(%dma_start3A_29 : memref<10112x128xf32, #tpu.memory_space<vmem_shared>>) offsets(%arg8 : memref<128xi32, #tpu.memory_space<vmem>>) semaphore(%run_scoped3A : memref<!tpu.dma_semaphore, #tpu.memory_space<semaphore_mem>>) {add = true}
        %dma_wait3A_30 = arith.constant 0 : i32
        %dma_wait3A_31 = arith.constant 0 : i32
        %dma_wait3A_32 = tpu.memref_slice %arg10[%dma_wait3A_30, %dma_wait3A_31] : memref<10112x128xf32, #tpu.memory_space<vmem_shared>> -> memref<10112x128xf32, #tpu.memory_space<vmem_shared>>
        tpu.wait_indirect_dma semaphore(%run_scoped3A : memref<!tpu.dma_semaphore, #tpu.memory_space<semaphore_mem>>) src(%arg9 : memref<128x128xf32, #tpu.memory_space<vmem>>) dst(%dma_wait3A_32 : memref<10112x128xf32, #tpu.memory_space<vmem_shared>>)
        tpu.yield
      }) : () -> ()
      %scan3A_26 = arith.constant 0 : i32
      scf.yield %scan3A_26 : i32
    }
    %scan3A_7 = arith.constant 79 : i32
    %barrier3A_8 = arith.constant 0 : index
    tpu.barrier barrier_id(%barrier3A_8)
    %eq3A_9 = arith.constant 0 : i32
    %eq3A_10 = arith.cmpi eq, %arg1, %eq3A_9 : i32
    %convert_element_type3A_11 = arith.extui %eq3A_10 : i1 to i32
    %cond3A_12 = arith.constant 0 : i32
    %cond3A_13 = arith.cmpi ne, %convert_element_type3A_11, %cond3A_12 : i32
    scf.if %cond3A_13 {
      "tpu.region"() ({
        %run_scoped3A = tpu.sem_alloc : memref<!tpu.dma_semaphore, #tpu.memory_space<semaphore_mem>>
        %dma_start3A = arith.constant 0 : i32
        %dma_start3A_14 = arith.constant 0 : i32
        %dma_start3A_15 = tpu.memref_slice %arg6[%arg0, %dma_start3A, %dma_start3A_14] : memref<2x10112x128xf32, #tpu.memory_space<hbm>> -> memref<1x10112x128xf32, #tpu.memory_space<hbm>>
        %dma_start3A_16 = tpu.memref_squeeze %dma_start3A_15 : memref<1x10112x128xf32, #tpu.memory_space<hbm>> -> memref<10112x128xf32, #tpu.memory_space<hbm>>
        tpu.enqueue_dma source(%arg10 : memref<10112x128xf32, #tpu.memory_space<vmem_shared>>) target(%dma_start3A_16 : memref<10112x128xf32, #tpu.memory_space<hbm>>) target_semaphore(%run_scoped3A : memref<!tpu.dma_semaphore, #tpu.memory_space<semaphore_mem>>)
        %dma_wait3A = arith.constant 0 : i32
        %dma_wait3A_17 = arith.constant 0 : i32
        %dma_wait3A_18 = tpu.memref_slice %arg6[%arg0, %dma_wait3A, %dma_wait3A_17] : memref<2x10112x128xf32, #tpu.memory_space<hbm>> -> memref<1x10112x128xf32, #tpu.memory_space<hbm>>
        %dma_wait3A_19 = tpu.memref_squeeze %dma_wait3A_18 : memref<1x10112x128xf32, #tpu.memory_space<hbm>> -> memref<10112x128xf32, #tpu.memory_space<hbm>>
        tpu.wait_dma2 semaphore(%run_scoped3A : memref<!tpu.dma_semaphore, #tpu.memory_space<semaphore_mem>>) src(%arg10 : memref<10112x128xf32, #tpu.memory_space<vmem_shared>>) dst(%dma_wait3A_19 : memref<10112x128xf32, #tpu.memory_space<hbm>>)
        tpu.yield
      }) : () -> ()
    } else {
    }
    return
  }
}

#map = affine_map<(d0, d1) -> (0, 0)>
#map1 = affine_map<(d0, d1) -> (0, 0, 0, 0)>
module attributes {stable_mosaic.version = 14 : i64} {
  func.func @_score_body(%arg0: i32, %arg1: i32, %arg2: memref<10000x128xf32, #tpu.memory_space<hbm>>, %arg3: memref<2x16x79x128xi32, #tpu.memory_space<hbm>>, %arg4: memref<2x16x79x128xi32, #tpu.memory_space<hbm>>, %arg5: memref<323584x16xf32, #tpu.memory_space<hbm>>, %arg6: memref<79x128xi32, #tpu.memory_space<vmem>>, %arg7: memref<79x128xi32, #tpu.memory_space<vmem>>, %arg8: memref<128x128xf32, #tpu.memory_space<vmem>>, %arg9: memref<128x128xf32, #tpu.memory_space<vmem>>, %arg10: memref<128x16xf32, #tpu.memory_space<vmem>>, %arg11: memref<!tpu.dma_semaphore, #tpu.memory_space<semaphore_mem>>, %arg12: memref<!tpu.dma_semaphore, #tpu.memory_space<semaphore_mem>>) attributes {dimension_semantics = [#tpu.dimension_semantics<core_parallel>, #tpu.dimension_semantics<subcore_parallel>], iteration_bounds = array<i64: 2, 16>, scalar_prefetch = 0 : i64, scratch_operands = 7 : i64, tpu.core_type = #tpu.core_type<sc_vector_subcore>, window_params = [{transform_indices = #map}, {transform_indices = #map1}, {transform_indices = #map1}, {transform_indices = #map}]} {
    "tpu.region"() ({
      %run_scoped3A = tpu.sem_alloc : memref<!tpu.dma_semaphore, #tpu.memory_space<semaphore_mem>>
      %dma_start3A = arith.constant 0 : i32
      %dma_start3A_9 = arith.constant 0 : i32
      %dma_start3A_10 = tpu.memref_slice %arg3[%arg0, %arg1, %dma_start3A, %dma_start3A_9] : memref<2x16x79x128xi32, #tpu.memory_space<hbm>> -> memref<1x1x79x128xi32, #tpu.memory_space<hbm>>
      %dma_start3A_11 = tpu.memref_squeeze %dma_start3A_10 : memref<1x1x79x128xi32, #tpu.memory_space<hbm>> -> memref<79x128xi32, #tpu.memory_space<hbm>>
      %dma_start3A_12 = arith.constant 0 : i32
      %dma_start3A_13 = arith.constant 0 : i32
      %dma_start3A_14 = tpu.memref_slice %arg3[%arg0, %arg1, %dma_start3A_12, %dma_start3A_13] : memref<2x16x79x128xi32, #tpu.memory_space<hbm>> -> memref<1x1x79x128xi32, #tpu.memory_space<hbm>>
      %dma_start3A_15 = tpu.memref_squeeze %dma_start3A_14 : memref<1x1x79x128xi32, #tpu.memory_space<hbm>> -> memref<79x128xi32, #tpu.memory_space<hbm>>
      tpu.enqueue_dma source(%dma_start3A_15 : memref<79x128xi32, #tpu.memory_space<hbm>>) target(%arg6 : memref<79x128xi32, #tpu.memory_space<vmem>>) target_semaphore(%run_scoped3A : memref<!tpu.dma_semaphore, #tpu.memory_space<semaphore_mem>>)
      %dma_wait3A = arith.constant 0 : i32
      %dma_wait3A_16 = arith.constant 0 : i32
      %dma_wait3A_17 = tpu.memref_slice %arg3[%arg0, %arg1, %dma_wait3A, %dma_wait3A_16] : memref<2x16x79x128xi32, #tpu.memory_space<hbm>> -> memref<1x1x79x128xi32, #tpu.memory_space<hbm>>
      %dma_wait3A_18 = tpu.memref_squeeze %dma_wait3A_17 : memref<1x1x79x128xi32, #tpu.memory_space<hbm>> -> memref<79x128xi32, #tpu.memory_space<hbm>>
      %dma_wait3A_19 = arith.constant 0 : i32
      %dma_wait3A_20 = arith.constant 0 : i32
      %dma_wait3A_21 = tpu.memref_slice %arg3[%arg0, %arg1, %dma_wait3A_19, %dma_wait3A_20] : memref<2x16x79x128xi32, #tpu.memory_space<hbm>> -> memref<1x1x79x128xi32, #tpu.memory_space<hbm>>
      %dma_wait3A_22 = tpu.memref_squeeze %dma_wait3A_21 : memref<1x1x79x128xi32, #tpu.memory_space<hbm>> -> memref<79x128xi32, #tpu.memory_space<hbm>>
      tpu.wait_dma2 semaphore(%run_scoped3A : memref<!tpu.dma_semaphore, #tpu.memory_space<semaphore_mem>>) src(%dma_wait3A_22 : memref<79x128xi32, #tpu.memory_space<hbm>>) dst(%arg6 : memref<79x128xi32, #tpu.memory_space<vmem>>)
      tpu.yield
    }) : () -> ()
    "tpu.region"() ({
      %run_scoped3A = tpu.sem_alloc : memref<!tpu.dma_semaphore, #tpu.memory_space<semaphore_mem>>
      %dma_start3A = arith.constant 0 : i32
      %dma_start3A_9 = arith.constant 0 : i32
      %dma_start3A_10 = tpu.memref_slice %arg4[%arg0, %arg1, %dma_start3A, %dma_start3A_9] : memref<2x16x79x128xi32, #tpu.memory_space<hbm>> -> memref<1x1x79x128xi32, #tpu.memory_space<hbm>>
      %dma_start3A_11 = tpu.memref_squeeze %dma_start3A_10 : memref<1x1x79x128xi32, #tpu.memory_space<hbm>> -> memref<79x128xi32, #tpu.memory_space<hbm>>
      %dma_start3A_12 = arith.constant 0 : i32
      %dma_start3A_13 = arith.constant 0 : i32
      %dma_start3A_14 = tpu.memref_slice %arg4[%arg0, %arg1, %dma_start3A_12, %dma_start3A_13] : memref<2x16x79x128xi32, #tpu.memory_space<hbm>> -> memref<1x1x79x128xi32, #tpu.memory_space<hbm>>
      %dma_start3A_15 = tpu.memref_squeeze %dma_start3A_14 : memref<1x1x79x128xi32, #tpu.memory_space<hbm>> -> memref<79x128xi32, #tpu.memory_space<hbm>>
      tpu.enqueue_dma source(%dma_start3A_15 : memref<79x128xi32, #tpu.memory_space<hbm>>) target(%arg7 : memref<79x128xi32, #tpu.memory_space<vmem>>) target_semaphore(%run_scoped3A : memref<!tpu.dma_semaphore, #tpu.memory_space<semaphore_mem>>)
      %dma_wait3A = arith.constant 0 : i32
      %dma_wait3A_16 = arith.constant 0 : i32
      %dma_wait3A_17 = tpu.memref_slice %arg4[%arg0, %arg1, %dma_wait3A, %dma_wait3A_16] : memref<2x16x79x128xi32, #tpu.memory_space<hbm>> -> memref<1x1x79x128xi32, #tpu.memory_space<hbm>>
      %dma_wait3A_18 = tpu.memref_squeeze %dma_wait3A_17 : memref<1x1x79x128xi32, #tpu.memory_space<hbm>> -> memref<79x128xi32, #tpu.memory_space<hbm>>
      %dma_wait3A_19 = arith.constant 0 : i32
      %dma_wait3A_20 = arith.constant 0 : i32
      %dma_wait3A_21 = tpu.memref_slice %arg4[%arg0, %arg1, %dma_wait3A_19, %dma_wait3A_20] : memref<2x16x79x128xi32, #tpu.memory_space<hbm>> -> memref<1x1x79x128xi32, #tpu.memory_space<hbm>>
      %dma_wait3A_22 = tpu.memref_squeeze %dma_wait3A_21 : memref<1x1x79x128xi32, #tpu.memory_space<hbm>> -> memref<79x128xi32, #tpu.memory_space<hbm>>
      tpu.wait_dma2 semaphore(%run_scoped3A : memref<!tpu.dma_semaphore, #tpu.memory_space<semaphore_mem>>) src(%dma_wait3A_22 : memref<79x128xi32, #tpu.memory_space<hbm>>) dst(%arg7 : memref<79x128xi32, #tpu.memory_space<vmem>>)
      tpu.yield
    }) : () -> ()
    %mul3A = arith.constant 16 : i32
    %mul3A_0 = arith.muli %arg0, %mul3A : i32
    %add3A = arith.addi %mul3A_0, %arg1 : i32
    %mul3A_1 = arith.constant 10112 : i32
    %mul3A_2 = arith.muli %add3A, %mul3A_1 : i32
    %scan3A = arith.constant 0 : i32
    %scan3A_3 = arith.constant 0 : i32
    %scan3A_4 = arith.constant 79 : i32
    %scan3A_5 = arith.addi %scan3A_3, %scan3A_4 : i32
    %scan3A_6 = arith.constant 1 : i32
    %scan3A_7 = scf.for %scan3A_9 = %scan3A_3 to %scan3A_5 step %scan3A_6 iter_args(%scan3A_10 = %scan3A) -> (i32)  : i32 {
      %dma_start3A = arith.constant 0 : i32
      %dma_start3A_11 = tpu.memref_slice %arg6[%scan3A_9, %dma_start3A] : memref<79x128xi32, #tpu.memory_space<vmem>> -> memref<1x128xi32, #tpu.memory_space<vmem>>
      %dma_start3A_12 = tpu.memref_squeeze %dma_start3A_11 : memref<1x128xi32, #tpu.memory_space<vmem>> -> memref<128xi32, #tpu.memory_space<vmem>>
      %dma_start3A_13 = arith.constant 0 : i32
      %dma_start3A_14 = arith.constant 0 : i32
      %dma_start3A_15 = tpu.memref_slice %arg2[%dma_start3A_13, %dma_start3A_14] : memref<10000x128xf32, #tpu.memory_space<hbm>> -> memref<10000x128xf32, #tpu.memory_space<hbm>>
      tpu.enqueue_indirect_dma source(%dma_start3A_15 : memref<10000x128xf32, #tpu.memory_space<hbm>>) target(%arg8 : memref<128x128xf32, #tpu.memory_space<vmem>>) offsets(%dma_start3A_12 : memref<128xi32, #tpu.memory_space<vmem>>) semaphore(%arg11 : memref<!tpu.dma_semaphore, #tpu.memory_space<semaphore_mem>>)
      %dma_start3A_16 = arith.constant 0 : i32
      %dma_start3A_17 = tpu.memref_slice %arg7[%scan3A_9, %dma_start3A_16] : memref<79x128xi32, #tpu.memory_space<vmem>> -> memref<1x128xi32, #tpu.memory_space<vmem>>
      %dma_start3A_18 = tpu.memref_squeeze %dma_start3A_17 : memref<1x128xi32, #tpu.memory_space<vmem>> -> memref<128xi32, #tpu.memory_space<vmem>>
      %dma_start3A_19 = arith.constant 0 : i32
      %dma_start3A_20 = arith.constant 0 : i32
      %dma_start3A_21 = tpu.memref_slice %arg2[%dma_start3A_19, %dma_start3A_20] : memref<10000x128xf32, #tpu.memory_space<hbm>> -> memref<10000x128xf32, #tpu.memory_space<hbm>>
      tpu.enqueue_indirect_dma source(%dma_start3A_21 : memref<10000x128xf32, #tpu.memory_space<hbm>>) target(%arg9 : memref<128x128xf32, #tpu.memory_space<vmem>>) offsets(%dma_start3A_18 : memref<128xi32, #tpu.memory_space<vmem>>) semaphore(%arg12 : memref<!tpu.dma_semaphore, #tpu.memory_space<semaphore_mem>>)
      %dma_wait3A = arith.constant 0 : i32
      %dma_wait3A_22 = tpu.memref_slice %arg6[%scan3A_9, %dma_wait3A] : memref<79x128xi32, #tpu.memory_space<vmem>> -> memref<1x128xi32, #tpu.memory_space<vmem>>
      %dma_wait3A_23 = tpu.memref_squeeze %dma_wait3A_22 : memref<1x128xi32, #tpu.memory_space<vmem>> -> memref<128xi32, #tpu.memory_space<vmem>>
      %dma_wait3A_24 = arith.constant 0 : i32
      %dma_wait3A_25 = arith.constant 0 : i32
      %dma_wait3A_26 = tpu.memref_slice %arg2[%dma_wait3A_24, %dma_wait3A_25] : memref<10000x128xf32, #tpu.memory_space<hbm>> -> memref<10000x128xf32, #tpu.memory_space<hbm>>
      tpu.wait_indirect_dma semaphore(%arg11 : memref<!tpu.dma_semaphore, #tpu.memory_space<semaphore_mem>>) src(%dma_wait3A_26 : memref<10000x128xf32, #tpu.memory_space<hbm>>) dst(%arg8 : memref<128x128xf32, #tpu.memory_space<vmem>>)
      %dma_wait3A_27 = arith.constant 0 : i32
      %dma_wait3A_28 = tpu.memref_slice %arg7[%scan3A_9, %dma_wait3A_27] : memref<79x128xi32, #tpu.memory_space<vmem>> -> memref<1x128xi32, #tpu.memory_space<vmem>>
      %dma_wait3A_29 = tpu.memref_squeeze %dma_wait3A_28 : memref<1x128xi32, #tpu.memory_space<vmem>> -> memref<128xi32, #tpu.memory_space<vmem>>
      %dma_wait3A_30 = arith.constant 0 : i32
      %dma_wait3A_31 = arith.constant 0 : i32
      %dma_wait3A_32 = tpu.memref_slice %arg2[%dma_wait3A_30, %dma_wait3A_31] : memref<10000x128xf32, #tpu.memory_space<hbm>> -> memref<10000x128xf32, #tpu.memory_space<hbm>>
      tpu.wait_indirect_dma semaphore(%arg12 : memref<!tpu.dma_semaphore, #tpu.memory_space<semaphore_mem>>) src(%dma_wait3A_32 : memref<10000x128xf32, #tpu.memory_space<hbm>>) dst(%arg9 : memref<128x128xf32, #tpu.memory_space<vmem>>)
      %scan3A_33 = arith.constant 0 : i32
      %scan3A_34 = arith.constant 0 : i32
      %scan3A_35 = arith.constant 128 : i32
      %scan3A_36 = arith.addi %scan3A_34, %scan3A_35 : i32
      %scan3A_37 = arith.constant 1 : i32
      %scan3A_38 = scf.for %scan3A_44 = %scan3A_34 to %scan3A_36 step %scan3A_37 iter_args(%scan3A_45 = %scan3A_33) -> (i32)  : i32 {
        %get3A = arith.index_cast %scan3A_44 : i32 to index
        %get3A_46 = arith.constant 0 : index
        %get3A_47 = tpu.vector_load %arg8[%get3A, %get3A_46] {strides = array<i32>} : memref<128x128xf32, #tpu.memory_space<vmem>>, vector<1x16xf32>,
        %get3A_48 = vector.shape_cast %get3A_47 : vector<1x16xf32> to vector<16xf32>
        %get3A_49 = arith.index_cast %scan3A_44 : i32 to index
        %get3A_50 = arith.constant 0 : index
        %get3A_51 = tpu.vector_load %arg9[%get3A_49, %get3A_50] {strides = array<i32>} : memref<128x128xf32, #tpu.memory_space<vmem>>, vector<1x16xf32>,
        %get3A_52 = vector.shape_cast %get3A_51 : vector<1x16xf32> to vector<16xf32>
        %mul3A_53 = arith.mulf %get3A_48, %get3A_52 : vector<16xf32>
        %get3A_54 = arith.index_cast %scan3A_44 : i32 to index
        %get3A_55 = arith.constant 16 : index
        %get3A_56 = tpu.vector_load %arg8[%get3A_54, %get3A_55] {strides = array<i32>} : memref<128x128xf32, #tpu.memory_space<vmem>>, vector<1x16xf32>,
        %get3A_57 = vector.shape_cast %get3A_56 : vector<1x16xf32> to vector<16xf32>
        %get3A_58 = arith.index_cast %scan3A_44 : i32 to index
        %get3A_59 = arith.constant 16 : index
        %get3A_60 = tpu.vector_load %arg9[%get3A_58, %get3A_59] {strides = array<i32>} : memref<128x128xf32, #tpu.memory_space<vmem>>, vector<1x16xf32>,
        %get3A_61 = vector.shape_cast %get3A_60 : vector<1x16xf32> to vector<16xf32>
        %mul3A_62 = arith.mulf %get3A_57, %get3A_61 : vector<16xf32>
        %add3A_63 = arith.addf %mul3A_53, %mul3A_62 : vector<16xf32>
        %get3A_64 = arith.index_cast %scan3A_44 : i32 to index
        %get3A_65 = arith.constant 32 : index
        %get3A_66 = tpu.vector_load %arg8[%get3A_64, %get3A_65] {strides = array<i32>} : memref<128x128xf32, #tpu.memory_space<vmem>>, vector<1x16xf32>,
        %get3A_67 = vector.shape_cast %get3A_66 : vector<1x16xf32> to vector<16xf32>
        %get3A_68 = arith.index_cast %scan3A_44 : i32 to index
        %get3A_69 = arith.constant 32 : index
        %get3A_70 = tpu.vector_load %arg9[%get3A_68, %get3A_69] {strides = array<i32>} : memref<128x128xf32, #tpu.memory_space<vmem>>, vector<1x16xf32>,
        %get3A_71 = vector.shape_cast %get3A_70 : vector<1x16xf32> to vector<16xf32>
        %mul3A_72 = arith.mulf %get3A_67, %get3A_71 : vector<16xf32>
        %add3A_73 = arith.addf %add3A_63, %mul3A_72 : vector<16xf32>
        %get3A_74 = arith.index_cast %scan3A_44 : i32 to index
        %get3A_75 = arith.constant 48 : index
        %get3A_76 = tpu.vector_load %arg8[%get3A_74, %get3A_75] {strides = array<i32>} : memref<128x128xf32, #tpu.memory_space<vmem>>, vector<1x16xf32>,
        %get3A_77 = vector.shape_cast %get3A_76 : vector<1x16xf32> to vector<16xf32>
        %get3A_78 = arith.index_cast %scan3A_44 : i32 to index
        %get3A_79 = arith.constant 48 : index
        %get3A_80 = tpu.vector_load %arg9[%get3A_78, %get3A_79] {strides = array<i32>} : memref<128x128xf32, #tpu.memory_space<vmem>>, vector<1x16xf32>,
        %get3A_81 = vector.shape_cast %get3A_80 : vector<1x16xf32> to vector<16xf32>
        %mul3A_82 = arith.mulf %get3A_77, %get3A_81 : vector<16xf32>
        %add3A_83 = arith.addf %add3A_73, %mul3A_82 : vector<16xf32>
        %get3A_84 = arith.index_cast %scan3A_44 : i32 to index
        %get3A_85 = arith.constant 64 : index
        %get3A_86 = tpu.vector_load %arg8[%get3A_84, %get3A_85] {strides = array<i32>} : memref<128x128xf32, #tpu.memory_space<vmem>>, vector<1x16xf32>,
        %get3A_87 = vector.shape_cast %get3A_86 : vector<1x16xf32> to vector<16xf32>
        %get3A_88 = arith.index_cast %scan3A_44 : i32 to index
        %get3A_89 = arith.constant 64 : index
        %get3A_90 = tpu.vector_load %arg9[%get3A_88, %get3A_89] {strides = array<i32>} : memref<128x128xf32, #tpu.memory_space<vmem>>, vector<1x16xf32>,
        %get3A_91 = vector.shape_cast %get3A_90 : vector<1x16xf32> to vector<16xf32>
        %mul3A_92 = arith.mulf %get3A_87, %get3A_91 : vector<16xf32>
        %add3A_93 = arith.addf %add3A_83, %mul3A_92 : vector<16xf32>
        %get3A_94 = arith.index_cast %scan3A_44 : i32 to index
        %get3A_95 = arith.constant 80 : index
        %get3A_96 = tpu.vector_load %arg8[%get3A_94, %get3A_95] {strides = array<i32>} : memref<128x128xf32, #tpu.memory_space<vmem>>, vector<1x16xf32>,
        %get3A_97 = vector.shape_cast %get3A_96 : vector<1x16xf32> to vector<16xf32>
        %get3A_98 = arith.index_cast %scan3A_44 : i32 to index
        %get3A_99 = arith.constant 80 : index
        %get3A_100 = tpu.vector_load %arg9[%get3A_98, %get3A_99] {strides = array<i32>} : memref<128x128xf32, #tpu.memory_space<vmem>>, vector<1x16xf32>,
        %get3A_101 = vector.shape_cast %get3A_100 : vector<1x16xf32> to vector<16xf32>
        %mul3A_102 = arith.mulf %get3A_97, %get3A_101 : vector<16xf32>
        %add3A_103 = arith.addf %add3A_93, %mul3A_102 : vector<16xf32>
        %get3A_104 = arith.index_cast %scan3A_44 : i32 to index
        %get3A_105 = arith.constant 96 : index
        %get3A_106 = tpu.vector_load %arg8[%get3A_104, %get3A_105] {strides = array<i32>} : memref<128x128xf32, #tpu.memory_space<vmem>>, vector<1x16xf32>,
        %get3A_107 = vector.shape_cast %get3A_106 : vector<1x16xf32> to vector<16xf32>
        %get3A_108 = arith.index_cast %scan3A_44 : i32 to index
        %get3A_109 = arith.constant 96 : index
        %get3A_110 = tpu.vector_load %arg9[%get3A_108, %get3A_109] {strides = array<i32>} : memref<128x128xf32, #tpu.memory_space<vmem>>, vector<1x16xf32>,
        %get3A_111 = vector.shape_cast %get3A_110 : vector<1x16xf32> to vector<16xf32>
        %mul3A_112 = arith.mulf %get3A_107, %get3A_111 : vector<16xf32>
        %add3A_113 = arith.addf %add3A_103, %mul3A_112 : vector<16xf32>
        %get3A_114 = arith.index_cast %scan3A_44 : i32 to index
        %get3A_115 = arith.constant 112 : index
        %get3A_116 = tpu.vector_load %arg8[%get3A_114, %get3A_115] {strides = array<i32>} : memref<128x128xf32, #tpu.memory_space<vmem>>, vector<1x16xf32>,
        %get3A_117 = vector.shape_cast %get3A_116 : vector<1x16xf32> to vector<16xf32>
        %get3A_118 = arith.index_cast %scan3A_44 : i32 to index
        %get3A_119 = arith.constant 112 : index
        %get3A_120 = tpu.vector_load %arg9[%get3A_118, %get3A_119] {strides = array<i32>} : memref<128x128xf32, #tpu.memory_space<vmem>>, vector<1x16xf32>,
        %get3A_121 = vector.shape_cast %get3A_120 : vector<1x16xf32> to vector<16xf32>
        %mul3A_122 = arith.mulf %get3A_117, %get3A_121 : vector<16xf32>
        %add3A_123 = arith.addf %add3A_113, %mul3A_122 : vector<16xf32>
        %swap3A = arith.index_cast %scan3A_44 : i32 to index
        %swap3A_124 = arith.constant 0 : index
        %swap3A_125 = tpu.vector_load %arg10[%swap3A, %swap3A_124] {strides = array<i32>} : memref<128x16xf32, #tpu.memory_space<vmem>>, vector<1x16xf32>,
        %swap3A_126 = vector.shape_cast %swap3A_125 : vector<1x16xf32> to vector<16xf32>
        %swap3A_127 = vector.shape_cast %add3A_123 : vector<16xf32> to vector<1x16xf32>
        tpu.vector_store %arg10[%swap3A, %swap3A_124], %swap3A_127 {strides = array<i32>} : memref<128x16xf32, #tpu.memory_space<vmem>>, vector<1x16xf32>,
        %scan3A_128 = arith.constant 0 : i32
        scf.yield %scan3A_128 : i32
      }
      %scan3A_39 = arith.constant 128 : i32
      %mul3A_40 = arith.constant 128 : i32
      %mul3A_41 = arith.muli %scan3A_9, %mul3A_40 : i32
      %add3A_42 = arith.addi %mul3A_2, %mul3A_41 : i32
      "tpu.region"() ({
        %run_scoped3A = tpu.sem_alloc : memref<!tpu.dma_semaphore, #tpu.memory_space<semaphore_mem>>
        %dma_start3A_44 = arith.constant 0 : i32
        %dma_start3A_45 = tpu.memref_slice %arg5[%add3A_42, %dma_start3A_44] : memref<323584x16xf32, #tpu.memory_space<hbm>> -> memref<128x16xf32, #tpu.memory_space<hbm>>
        %dma_start3A_46 = arith.constant 0 : i32
        %dma_start3A_47 = tpu.memref_slice %arg5[%add3A_42, %dma_start3A_46] : memref<323584x16xf32, #tpu.memory_space<hbm>> -> memref<128x16xf32, #tpu.memory_space<hbm>>
        tpu.enqueue_dma source(%arg10 : memref<128x16xf32, #tpu.memory_space<vmem>>) target(%dma_start3A_47 : memref<128x16xf32, #tpu.memory_space<hbm>>) target_semaphore(%run_scoped3A : memref<!tpu.dma_semaphore, #tpu.memory_space<semaphore_mem>>)
        %dma_wait3A_48 = arith.constant 0 : i32
        %dma_wait3A_49 = tpu.memref_slice %arg5[%add3A_42, %dma_wait3A_48] : memref<323584x16xf32, #tpu.memory_space<hbm>> -> memref<128x16xf32, #tpu.memory_space<hbm>>
        %dma_wait3A_50 = arith.constant 0 : i32
        %dma_wait3A_51 = tpu.memref_slice %arg5[%add3A_42, %dma_wait3A_50] : memref<323584x16xf32, #tpu.memory_space<hbm>> -> memref<128x16xf32, #tpu.memory_space<hbm>>
        tpu.wait_dma2 semaphore(%run_scoped3A : memref<!tpu.dma_semaphore, #tpu.memory_space<semaphore_mem>>) src(%arg10 : memref<128x16xf32, #tpu.memory_space<vmem>>) dst(%dma_wait3A_51 : memref<128x16xf32, #tpu.memory_space<hbm>>)
        tpu.yield
      }) : () -> ()
      %scan3A_43 = arith.constant 0 : i32
      scf.yield %scan3A_43 : i32
    }
    %scan3A_8 = arith.constant 79 : i32
    return
  }
}

#map = affine_map<(d0, d1) -> (0, 0)>
#map1 = affine_map<(d0, d1) -> (0, 0, 0, 0)>
module attributes {stable_mosaic.version = 14 : i64} {
  func.func @_score_body(%arg0: i32, %arg1: i32, %arg2: memref<10000x128xf32, #tpu.memory_space<hbm>>, %arg3: memref<2x16x79x128xi32, #tpu.memory_space<hbm>>, %arg4: memref<2x16x79x128xi32, #tpu.memory_space<hbm>>, %arg5: memref<323584x16xf32, #tpu.memory_space<hbm>>, %arg6: memref<79x128xi32, #tpu.memory_space<vmem>>, %arg7: memref<79x128xi32, #tpu.memory_space<vmem>>, %arg8: memref<128x128xf32, #tpu.memory_space<vmem>>, %arg9: memref<128x128xf32, #tpu.memory_space<vmem>>, %arg10: memref<128x16xf32, #tpu.memory_space<vmem>>, %arg11: memref<!tpu.dma_semaphore, #tpu.memory_space<semaphore_mem>>, %arg12: memref<!tpu.dma_semaphore, #tpu.memory_space<semaphore_mem>>) attributes {dimension_semantics = [#tpu.dimension_semantics<core_parallel>, #tpu.dimension_semantics<subcore_parallel>], iteration_bounds = array<i64: 2, 16>, scalar_prefetch = 0 : i64, scratch_operands = 7 : i64, tpu.core_type = #tpu.core_type<sc_vector_subcore>, window_params = [{transform_indices = #map}, {transform_indices = #map1}, {transform_indices = #map1}, {transform_indices = #map}]} {
    "tpu.region"() ({
      %run_scoped3A = tpu.sem_alloc : memref<!tpu.dma_semaphore, #tpu.memory_space<semaphore_mem>>
      %dma_start3A = arith.constant 0 : i32
      %dma_start3A_9 = arith.constant 0 : i32
      %dma_start3A_10 = tpu.memref_slice %arg3[%arg0, %arg1, %dma_start3A, %dma_start3A_9] : memref<2x16x79x128xi32, #tpu.memory_space<hbm>> -> memref<1x1x79x128xi32, #tpu.memory_space<hbm>>
      %dma_start3A_11 = tpu.memref_squeeze %dma_start3A_10 : memref<1x1x79x128xi32, #tpu.memory_space<hbm>> -> memref<79x128xi32, #tpu.memory_space<hbm>>
      %dma_start3A_12 = arith.constant 0 : i32
      %dma_start3A_13 = arith.constant 0 : i32
      %dma_start3A_14 = tpu.memref_slice %arg3[%arg0, %arg1, %dma_start3A_12, %dma_start3A_13] : memref<2x16x79x128xi32, #tpu.memory_space<hbm>> -> memref<1x1x79x128xi32, #tpu.memory_space<hbm>>
      %dma_start3A_15 = tpu.memref_squeeze %dma_start3A_14 : memref<1x1x79x128xi32, #tpu.memory_space<hbm>> -> memref<79x128xi32, #tpu.memory_space<hbm>>
      tpu.enqueue_dma source(%dma_start3A_15 : memref<79x128xi32, #tpu.memory_space<hbm>>) target(%arg6 : memref<79x128xi32, #tpu.memory_space<vmem>>) target_semaphore(%run_scoped3A : memref<!tpu.dma_semaphore, #tpu.memory_space<semaphore_mem>>)
      %dma_wait3A = arith.constant 0 : i32
      %dma_wait3A_16 = arith.constant 0 : i32
      %dma_wait3A_17 = tpu.memref_slice %arg3[%arg0, %arg1, %dma_wait3A, %dma_wait3A_16] : memref<2x16x79x128xi32, #tpu.memory_space<hbm>> -> memref<1x1x79x128xi32, #tpu.memory_space<hbm>>
      %dma_wait3A_18 = tpu.memref_squeeze %dma_wait3A_17 : memref<1x1x79x128xi32, #tpu.memory_space<hbm>> -> memref<79x128xi32, #tpu.memory_space<hbm>>
      %dma_wait3A_19 = arith.constant 0 : i32
      %dma_wait3A_20 = arith.constant 0 : i32
      %dma_wait3A_21 = tpu.memref_slice %arg3[%arg0, %arg1, %dma_wait3A_19, %dma_wait3A_20] : memref<2x16x79x128xi32, #tpu.memory_space<hbm>> -> memref<1x1x79x128xi32, #tpu.memory_space<hbm>>
      %dma_wait3A_22 = tpu.memref_squeeze %dma_wait3A_21 : memref<1x1x79x128xi32, #tpu.memory_space<hbm>> -> memref<79x128xi32, #tpu.memory_space<hbm>>
      tpu.wait_dma2 semaphore(%run_scoped3A : memref<!tpu.dma_semaphore, #tpu.memory_space<semaphore_mem>>) src(%dma_wait3A_22 : memref<79x128xi32, #tpu.memory_space<hbm>>) dst(%arg6 : memref<79x128xi32, #tpu.memory_space<vmem>>)
      tpu.yield
    }) : () -> ()
    "tpu.region"() ({
      %run_scoped3A = tpu.sem_alloc : memref<!tpu.dma_semaphore, #tpu.memory_space<semaphore_mem>>
      %dma_start3A = arith.constant 0 : i32
      %dma_start3A_9 = arith.constant 0 : i32
      %dma_start3A_10 = tpu.memref_slice %arg4[%arg0, %arg1, %dma_start3A, %dma_start3A_9] : memref<2x16x79x128xi32, #tpu.memory_space<hbm>> -> memref<1x1x79x128xi32, #tpu.memory_space<hbm>>
      %dma_start3A_11 = tpu.memref_squeeze %dma_start3A_10 : memref<1x1x79x128xi32, #tpu.memory_space<hbm>> -> memref<79x128xi32, #tpu.memory_space<hbm>>
      %dma_start3A_12 = arith.constant 0 : i32
      %dma_start3A_13 = arith.constant 0 : i32
      %dma_start3A_14 = tpu.memref_slice %arg4[%arg0, %arg1, %dma_start3A_12, %dma_start3A_13] : memref<2x16x79x128xi32, #tpu.memory_space<hbm>> -> memref<1x1x79x128xi32, #tpu.memory_space<hbm>>
      %dma_start3A_15 = tpu.memref_squeeze %dma_start3A_14 : memref<1x1x79x128xi32, #tpu.memory_space<hbm>> -> memref<79x128xi32, #tpu.memory_space<hbm>>
      tpu.enqueue_dma source(%dma_start3A_15 : memref<79x128xi32, #tpu.memory_space<hbm>>) target(%arg7 : memref<79x128xi32, #tpu.memory_space<vmem>>) target_semaphore(%run_scoped3A : memref<!tpu.dma_semaphore, #tpu.memory_space<semaphore_mem>>)
      %dma_wait3A = arith.constant 0 : i32
      %dma_wait3A_16 = arith.constant 0 : i32
      %dma_wait3A_17 = tpu.memref_slice %arg4[%arg0, %arg1, %dma_wait3A, %dma_wait3A_16] : memref<2x16x79x128xi32, #tpu.memory_space<hbm>> -> memref<1x1x79x128xi32, #tpu.memory_space<hbm>>
      %dma_wait3A_18 = tpu.memref_squeeze %dma_wait3A_17 : memref<1x1x79x128xi32, #tpu.memory_space<hbm>> -> memref<79x128xi32, #tpu.memory_space<hbm>>
      %dma_wait3A_19 = arith.constant 0 : i32
      %dma_wait3A_20 = arith.constant 0 : i32
      %dma_wait3A_21 = tpu.memref_slice %arg4[%arg0, %arg1, %dma_wait3A_19, %dma_wait3A_20] : memref<2x16x79x128xi32, #tpu.memory_space<hbm>> -> memref<1x1x79x128xi32, #tpu.memory_space<hbm>>
      %dma_wait3A_22 = tpu.memref_squeeze %dma_wait3A_21 : memref<1x1x79x128xi32, #tpu.memory_space<hbm>> -> memref<79x128xi32, #tpu.memory_space<hbm>>
      tpu.wait_dma2 semaphore(%run_scoped3A : memref<!tpu.dma_semaphore, #tpu.memory_space<semaphore_mem>>) src(%dma_wait3A_22 : memref<79x128xi32, #tpu.memory_space<hbm>>) dst(%arg7 : memref<79x128xi32, #tpu.memory_space<vmem>>)
      tpu.yield
    }) : () -> ()
    %mul3A = arith.constant 16 : i32
    %mul3A_0 = arith.muli %arg0, %mul3A : i32
    %add3A = arith.addi %mul3A_0, %arg1 : i32
    %mul3A_1 = arith.constant 10112 : i32
    %mul3A_2 = arith.muli %add3A, %mul3A_1 : i32
    %scan3A = arith.constant 0 : i32
    %scan3A_3 = arith.constant 0 : i32
    %scan3A_4 = arith.constant 79 : i32
    %scan3A_5 = arith.addi %scan3A_3, %scan3A_4 : i32
    %scan3A_6 = arith.constant 1 : i32
    %scan3A_7 = scf.for %scan3A_9 = %scan3A_3 to %scan3A_5 step %scan3A_6 iter_args(%scan3A_10 = %scan3A) -> (i32)  : i32 {
      %dma_start3A = arith.constant 0 : i32
      %dma_start3A_11 = tpu.memref_slice %arg6[%scan3A_9, %dma_start3A] : memref<79x128xi32, #tpu.memory_space<vmem>> -> memref<1x128xi32, #tpu.memory_space<vmem>>
      %dma_start3A_12 = tpu.memref_squeeze %dma_start3A_11 : memref<1x128xi32, #tpu.memory_space<vmem>> -> memref<128xi32, #tpu.memory_space<vmem>>
      %dma_start3A_13 = arith.constant 0 : i32
      %dma_start3A_14 = arith.constant 0 : i32
      %dma_start3A_15 = tpu.memref_slice %arg2[%dma_start3A_13, %dma_start3A_14] : memref<10000x128xf32, #tpu.memory_space<hbm>> -> memref<10000x128xf32, #tpu.memory_space<hbm>>
      tpu.enqueue_indirect_dma source(%dma_start3A_15 : memref<10000x128xf32, #tpu.memory_space<hbm>>) target(%arg8 : memref<128x128xf32, #tpu.memory_space<vmem>>) offsets(%dma_start3A_12 : memref<128xi32, #tpu.memory_space<vmem>>) semaphore(%arg11 : memref<!tpu.dma_semaphore, #tpu.memory_space<semaphore_mem>>)
      %dma_start3A_16 = arith.constant 0 : i32
      %dma_start3A_17 = tpu.memref_slice %arg7[%scan3A_9, %dma_start3A_16] : memref<79x128xi32, #tpu.memory_space<vmem>> -> memref<1x128xi32, #tpu.memory_space<vmem>>
      %dma_start3A_18 = tpu.memref_squeeze %dma_start3A_17 : memref<1x128xi32, #tpu.memory_space<vmem>> -> memref<128xi32, #tpu.memory_space<vmem>>
      %dma_start3A_19 = arith.constant 0 : i32
      %dma_start3A_20 = arith.constant 0 : i32
      %dma_start3A_21 = tpu.memref_slice %arg2[%dma_start3A_19, %dma_start3A_20] : memref<10000x128xf32, #tpu.memory_space<hbm>> -> memref<10000x128xf32, #tpu.memory_space<hbm>>
      tpu.enqueue_indirect_dma source(%dma_start3A_21 : memref<10000x128xf32, #tpu.memory_space<hbm>>) target(%arg9 : memref<128x128xf32, #tpu.memory_space<vmem>>) offsets(%dma_start3A_18 : memref<128xi32, #tpu.memory_space<vmem>>) semaphore(%arg12 : memref<!tpu.dma_semaphore, #tpu.memory_space<semaphore_mem>>)
      %dma_wait3A = arith.constant 0 : i32
      %dma_wait3A_22 = tpu.memref_slice %arg6[%scan3A_9, %dma_wait3A] : memref<79x128xi32, #tpu.memory_space<vmem>> -> memref<1x128xi32, #tpu.memory_space<vmem>>
      %dma_wait3A_23 = tpu.memref_squeeze %dma_wait3A_22 : memref<1x128xi32, #tpu.memory_space<vmem>> -> memref<128xi32, #tpu.memory_space<vmem>>
      %dma_wait3A_24 = arith.constant 0 : i32
      %dma_wait3A_25 = arith.constant 0 : i32
      %dma_wait3A_26 = tpu.memref_slice %arg2[%dma_wait3A_24, %dma_wait3A_25] : memref<10000x128xf32, #tpu.memory_space<hbm>> -> memref<10000x128xf32, #tpu.memory_space<hbm>>
      tpu.wait_indirect_dma semaphore(%arg11 : memref<!tpu.dma_semaphore, #tpu.memory_space<semaphore_mem>>) src(%dma_wait3A_26 : memref<10000x128xf32, #tpu.memory_space<hbm>>) dst(%arg8 : memref<128x128xf32, #tpu.memory_space<vmem>>)
      %dma_wait3A_27 = arith.constant 0 : i32
      %dma_wait3A_28 = tpu.memref_slice %arg7[%scan3A_9, %dma_wait3A_27] : memref<79x128xi32, #tpu.memory_space<vmem>> -> memref<1x128xi32, #tpu.memory_space<vmem>>
      %dma_wait3A_29 = tpu.memref_squeeze %dma_wait3A_28 : memref<1x128xi32, #tpu.memory_space<vmem>> -> memref<128xi32, #tpu.memory_space<vmem>>
      %dma_wait3A_30 = arith.constant 0 : i32
      %dma_wait3A_31 = arith.constant 0 : i32
      %dma_wait3A_32 = tpu.memref_slice %arg2[%dma_wait3A_30, %dma_wait3A_31] : memref<10000x128xf32, #tpu.memory_space<hbm>> -> memref<10000x128xf32, #tpu.memory_space<hbm>>
      tpu.wait_indirect_dma semaphore(%arg12 : memref<!tpu.dma_semaphore, #tpu.memory_space<semaphore_mem>>) src(%dma_wait3A_32 : memref<10000x128xf32, #tpu.memory_space<hbm>>) dst(%arg9 : memref<128x128xf32, #tpu.memory_space<vmem>>)
      %scan3A_33 = arith.constant 0 : i32
      %scan3A_34 = arith.constant 0 : i32
      %scan3A_35 = arith.constant 128 : i32
      %scan3A_36 = arith.addi %scan3A_34, %scan3A_35 : i32
      %scan3A_37 = arith.constant 1 : i32
      %scan3A_38 = scf.for %scan3A_44 = %scan3A_34 to %scan3A_36 step %scan3A_37 iter_args(%scan3A_45 = %scan3A_33) -> (i32)  : i32 {
        %get3A = arith.index_cast %scan3A_44 : i32 to index
        %get3A_46 = arith.constant 0 : index
        %get3A_47 = tpu.vector_load %arg8[%get3A, %get3A_46] {strides = array<i32>} : memref<128x128xf32, #tpu.memory_space<vmem>>, vector<1x16xf32>,
        %get3A_48 = vector.shape_cast %get3A_47 : vector<1x16xf32> to vector<16xf32>
        %get3A_49 = arith.index_cast %scan3A_44 : i32 to index
        %get3A_50 = arith.constant 0 : index
        %get3A_51 = tpu.vector_load %arg9[%get3A_49, %get3A_50] {strides = array<i32>} : memref<128x128xf32, #tpu.memory_space<vmem>>, vector<1x16xf32>,
        %get3A_52 = vector.shape_cast %get3A_51 : vector<1x16xf32> to vector<16xf32>
        %mul3A_53 = arith.mulf %get3A_48, %get3A_52 : vector<16xf32>
        %get3A_54 = arith.index_cast %scan3A_44 : i32 to index
        %get3A_55 = arith.constant 16 : index
        %get3A_56 = tpu.vector_load %arg8[%get3A_54, %get3A_55] {strides = array<i32>} : memref<128x128xf32, #tpu.memory_space<vmem>>, vector<1x16xf32>,
        %get3A_57 = vector.shape_cast %get3A_56 : vector<1x16xf32> to vector<16xf32>
        %get3A_58 = arith.index_cast %scan3A_44 : i32 to index
        %get3A_59 = arith.constant 16 : index
        %get3A_60 = tpu.vector_load %arg9[%get3A_58, %get3A_59] {strides = array<i32>} : memref<128x128xf32, #tpu.memory_space<vmem>>, vector<1x16xf32>,
        %get3A_61 = vector.shape_cast %get3A_60 : vector<1x16xf32> to vector<16xf32>
        %mul3A_62 = arith.mulf %get3A_57, %get3A_61 : vector<16xf32>
        %add3A_63 = arith.addf %mul3A_53, %mul3A_62 : vector<16xf32>
        %get3A_64 = arith.index_cast %scan3A_44 : i32 to index
        %get3A_65 = arith.constant 32 : index
        %get3A_66 = tpu.vector_load %arg8[%get3A_64, %get3A_65] {strides = array<i32>} : memref<128x128xf32, #tpu.memory_space<vmem>>, vector<1x16xf32>,
        %get3A_67 = vector.shape_cast %get3A_66 : vector<1x16xf32> to vector<16xf32>
        %get3A_68 = arith.index_cast %scan3A_44 : i32 to index
        %get3A_69 = arith.constant 32 : index
        %get3A_70 = tpu.vector_load %arg9[%get3A_68, %get3A_69] {strides = array<i32>} : memref<128x128xf32, #tpu.memory_space<vmem>>, vector<1x16xf32>,
        %get3A_71 = vector.shape_cast %get3A_70 : vector<1x16xf32> to vector<16xf32>
        %mul3A_72 = arith.mulf %get3A_67, %get3A_71 : vector<16xf32>
        %add3A_73 = arith.addf %add3A_63, %mul3A_72 : vector<16xf32>
        %get3A_74 = arith.index_cast %scan3A_44 : i32 to index
        %get3A_75 = arith.constant 48 : index
        %get3A_76 = tpu.vector_load %arg8[%get3A_74, %get3A_75] {strides = array<i32>} : memref<128x128xf32, #tpu.memory_space<vmem>>, vector<1x16xf32>,
        %get3A_77 = vector.shape_cast %get3A_76 : vector<1x16xf32> to vector<16xf32>
        %get3A_78 = arith.index_cast %scan3A_44 : i32 to index
        %get3A_79 = arith.constant 48 : index
        %get3A_80 = tpu.vector_load %arg9[%get3A_78, %get3A_79] {strides = array<i32>} : memref<128x128xf32, #tpu.memory_space<vmem>>, vector<1x16xf32>,
        %get3A_81 = vector.shape_cast %get3A_80 : vector<1x16xf32> to vector<16xf32>
        %mul3A_82 = arith.mulf %get3A_77, %get3A_81 : vector<16xf32>
        %add3A_83 = arith.addf %add3A_73, %mul3A_82 : vector<16xf32>
        %get3A_84 = arith.index_cast %scan3A_44 : i32 to index
        %get3A_85 = arith.constant 64 : index
        %get3A_86 = tpu.vector_load %arg8[%get3A_84, %get3A_85] {strides = array<i32>} : memref<128x128xf32, #tpu.memory_space<vmem>>, vector<1x16xf32>,
        %get3A_87 = vector.shape_cast %get3A_86 : vector<1x16xf32> to vector<16xf32>
        %get3A_88 = arith.index_cast %scan3A_44 : i32 to index
        %get3A_89 = arith.constant 64 : index
        %get3A_90 = tpu.vector_load %arg9[%get3A_88, %get3A_89] {strides = array<i32>} : memref<128x128xf32, #tpu.memory_space<vmem>>, vector<1x16xf32>,
        %get3A_91 = vector.shape_cast %get3A_90 : vector<1x16xf32> to vector<16xf32>
        %mul3A_92 = arith.mulf %get3A_87, %get3A_91 : vector<16xf32>
        %add3A_93 = arith.addf %add3A_83, %mul3A_92 : vector<16xf32>
        %get3A_94 = arith.index_cast %scan3A_44 : i32 to index
        %get3A_95 = arith.constant 80 : index
        %get3A_96 = tpu.vector_load %arg8[%get3A_94, %get3A_95] {strides = array<i32>} : memref<128x128xf32, #tpu.memory_space<vmem>>, vector<1x16xf32>,
        %get3A_97 = vector.shape_cast %get3A_96 : vector<1x16xf32> to vector<16xf32>
        %get3A_98 = arith.index_cast %scan3A_44 : i32 to index
        %get3A_99 = arith.constant 80 : index
        %get3A_100 = tpu.vector_load %arg9[%get3A_98, %get3A_99] {strides = array<i32>} : memref<128x128xf32, #tpu.memory_space<vmem>>, vector<1x16xf32>,
        %get3A_101 = vector.shape_cast %get3A_100 : vector<1x16xf32> to vector<16xf32>
        %mul3A_102 = arith.mulf %get3A_97, %get3A_101 : vector<16xf32>
        %add3A_103 = arith.addf %add3A_93, %mul3A_102 : vector<16xf32>
        %get3A_104 = arith.index_cast %scan3A_44 : i32 to index
        %get3A_105 = arith.constant 96 : index
        %get3A_106 = tpu.vector_load %arg8[%get3A_104, %get3A_105] {strides = array<i32>} : memref<128x128xf32, #tpu.memory_space<vmem>>, vector<1x16xf32>,
        %get3A_107 = vector.shape_cast %get3A_106 : vector<1x16xf32> to vector<16xf32>
        %get3A_108 = arith.index_cast %scan3A_44 : i32 to index
        %get3A_109 = arith.constant 96 : index
        %get3A_110 = tpu.vector_load %arg9[%get3A_108, %get3A_109] {strides = array<i32>} : memref<128x128xf32, #tpu.memory_space<vmem>>, vector<1x16xf32>,
        %get3A_111 = vector.shape_cast %get3A_110 : vector<1x16xf32> to vector<16xf32>
        %mul3A_112 = arith.mulf %get3A_107, %get3A_111 : vector<16xf32>
        %add3A_113 = arith.addf %add3A_103, %mul3A_112 : vector<16xf32>
        %get3A_114 = arith.index_cast %scan3A_44 : i32 to index
        %get3A_115 = arith.constant 112 : index
        %get3A_116 = tpu.vector_load %arg8[%get3A_114, %get3A_115] {strides = array<i32>} : memref<128x128xf32, #tpu.memory_space<vmem>>, vector<1x16xf32>,
        %get3A_117 = vector.shape_cast %get3A_116 : vector<1x16xf32> to vector<16xf32>
        %get3A_118 = arith.index_cast %scan3A_44 : i32 to index
        %get3A_119 = arith.constant 112 : index
        %get3A_120 = tpu.vector_load %arg9[%get3A_118, %get3A_119] {strides = array<i32>} : memref<128x128xf32, #tpu.memory_space<vmem>>, vector<1x16xf32>,
        %get3A_121 = vector.shape_cast %get3A_120 : vector<1x16xf32> to vector<16xf32>
        %mul3A_122 = arith.mulf %get3A_117, %get3A_121 : vector<16xf32>
        %add3A_123 = arith.addf %add3A_113, %mul3A_122 : vector<16xf32>
        %swap3A = arith.index_cast %scan3A_44 : i32 to index
        %swap3A_124 = arith.constant 0 : index
        %swap3A_125 = tpu.vector_load %arg10[%swap3A, %swap3A_124] {strides = array<i32>} : memref<128x16xf32, #tpu.memory_space<vmem>>, vector<1x16xf32>,
        %swap3A_126 = vector.shape_cast %swap3A_125 : vector<1x16xf32> to vector<16xf32>
        %swap3A_127 = vector.shape_cast %add3A_123 : vector<16xf32> to vector<1x16xf32>
        tpu.vector_store %arg10[%swap3A, %swap3A_124], %swap3A_127 {strides = array<i32>} : memref<128x16xf32, #tpu.memory_space<vmem>>, vector<1x16xf32>,
        %scan3A_128 = arith.constant 0 : i32
        scf.yield %scan3A_128 : i32
      }
      %scan3A_39 = arith.constant 128 : i32
      %mul3A_40 = arith.constant 128 : i32
      %mul3A_41 = arith.muli %scan3A_9, %mul3A_40 : i32
      %add3A_42 = arith.addi %mul3A_2, %mul3A_41 : i32
      "tpu.region"() ({
        %run_scoped3A = tpu.sem_alloc : memref<!tpu.dma_semaphore, #tpu.memory_space<semaphore_mem>>
        %dma_start3A_44 = arith.constant 0 : i32
        %dma_start3A_45 = tpu.memref_slice %arg5[%add3A_42, %dma_start3A_44] : memref<323584x16xf32, #tpu.memory_space<hbm>> -> memref<128x16xf32, #tpu.memory_space<hbm>>
        %dma_start3A_46 = arith.constant 0 : i32
        %dma_start3A_47 = tpu.memref_slice %arg5[%add3A_42, %dma_start3A_46] : memref<323584x16xf32, #tpu.memory_space<hbm>> -> memref<128x16xf32, #tpu.memory_space<hbm>>
        tpu.enqueue_dma source(%arg10 : memref<128x16xf32, #tpu.memory_space<vmem>>) target(%dma_start3A_47 : memref<128x16xf32, #tpu.memory_space<hbm>>) target_semaphore(%run_scoped3A : memref<!tpu.dma_semaphore, #tpu.memory_space<semaphore_mem>>)
        %dma_wait3A_48 = arith.constant 0 : i32
        %dma_wait3A_49 = tpu.memref_slice %arg5[%add3A_42, %dma_wait3A_48] : memref<323584x16xf32, #tpu.memory_space<hbm>> -> memref<128x16xf32, #tpu.memory_space<hbm>>
        %dma_wait3A_50 = arith.constant 0 : i32
        %dma_wait3A_51 = tpu.memref_slice %arg5[%add3A_42, %dma_wait3A_50] : memref<323584x16xf32, #tpu.memory_space<hbm>> -> memref<128x16xf32, #tpu.memory_space<hbm>>
        tpu.wait_dma2 semaphore(%run_scoped3A : memref<!tpu.dma_semaphore, #tpu.memory_space<semaphore_mem>>) src(%arg10 : memref<128x16xf32, #tpu.memory_space<vmem>>) dst(%dma_wait3A_51 : memref<128x16xf32, #tpu.memory_space<hbm>>)
        tpu.yield
      }) : () -> ()
      %scan3A_43 = arith.constant 0 : i32
      scf.yield %scan3A_43 : i32
    }
    %scan3A_8 = arith.constant 79 : i32
    return
  }
}

module attributes {stable_mosaic.version = 14 : i64} {
  func.func @_layer_tc_body(%arg0: i32, %arg1: memref<2x400x128xf32, #tpu.memory_space<vmem>>, %arg2: memref<2x400x128xf32, #tpu.memory_space<vmem>>, %arg3: memref<128x128xf32, #tpu.memory_space<vmem>>, %arg4: memref<1x128xf32, #tpu.memory_space<vmem>>, %arg5: memref<400x128xf32, #tpu.memory_space<vmem>>) attributes {dimension_semantics = [#tpu.dimension_semantics<arbitrary>], iteration_bounds = array<i64: 25>, scalar_prefetch = 0 : i64, scratch_operands = 0 : i64, tpu.core_type = #tpu.core_type<tc>, window_params = [{transform_indices = @transform_0, window_bounds = array<i64: 2, 400, 128>}, {transform_indices = @transform_1, window_bounds = array<i64: 2, 400, 128>}, {pipeline_mode = #tpu.pipeline_mode<synchronous>, transform_indices = @transform_2, window_bounds = array<i64: 128, 128>}, {pipeline_mode = #tpu.pipeline_mode<synchronous>, transform_indices = @transform_3, window_bounds = array<i64: 1, 128>}, {transform_indices = @transform_4, window_bounds = array<i64: 400, 128>}]} {
    %get3A = arith.constant 0 : index
    %get3A_0 = arith.constant 0 : index
    %get3A_1 = arith.constant 0 : index
    %get3A_2 = vector.load %arg1[%get3A, %get3A_0, %get3A_1] : memref<2x400x128xf32, #tpu.memory_space<vmem>>, vector<1x400x128xf32>
    %get3A_3 = vector.shape_cast %get3A_2 : vector<1x400x128xf32> to vector<400x128xf32>
    %get3A_4 = arith.constant 1 : index
    %get3A_5 = arith.constant 0 : index
    %get3A_6 = arith.constant 0 : index
    %get3A_7 = vector.load %arg1[%get3A_4, %get3A_5, %get3A_6] : memref<2x400x128xf32, #tpu.memory_space<vmem>>, vector<1x400x128xf32>
    %get3A_8 = vector.shape_cast %get3A_7 : vector<1x400x128xf32> to vector<400x128xf32>
    %add3A = arith.addf %get3A_3, %get3A_8 : vector<400x128xf32>
    %get3A_9 = arith.constant 0 : index
    %get3A_10 = arith.constant 0 : index
    %get3A_11 = arith.constant 0 : index
    %get3A_12 = vector.load %arg2[%get3A_9, %get3A_10, %get3A_11] : memref<2x400x128xf32, #tpu.memory_space<vmem>>, vector<1x400x128xf32>
    %get3A_13 = vector.shape_cast %get3A_12 : vector<1x400x128xf32> to vector<400x128xf32>
    %get3A_14 = arith.constant 1 : index
    %get3A_15 = arith.constant 0 : index
    %get3A_16 = arith.constant 0 : index
    %get3A_17 = vector.load %arg2[%get3A_14, %get3A_15, %get3A_16] : memref<2x400x128xf32, #tpu.memory_space<vmem>>, vector<1x400x128xf32>
    %get3A_18 = vector.shape_cast %get3A_17 : vector<1x400x128xf32> to vector<400x128xf32>
    %add3A_19 = arith.addf %get3A_13, %get3A_18 : vector<400x128xf32>
    %slice3A = vector.extract_strided_slice %add3A_19 {offsets = [0, 0], sizes = [400, 1], strides = [1, 1]} : vector<400x128xf32> to vector<400x1xf32>
    %max3A = arith.constant 1.000000e+00 : f32
    %max3A_20 = vector.broadcast %max3A : f32 to vector<400x1xf32>
    %max3A_21 = arith.maximumf %slice3A, %max3A_20 : vector<400x1xf32>
    %div3A = vector.broadcast %max3A_21 : vector<400x1xf32> to vector<400x128xf32>
    %div3A_22 = arith.divf %add3A, %div3A : vector<400x128xf32>
    %get3A_23 = arith.constant 0 : index
    %get3A_24 = arith.constant 0 : index
    %get3A_25 = vector.load %arg3[%get3A_23, %get3A_24] : memref<128x128xf32, #tpu.memory_space<vmem>>, vector<128x128xf32>
    %dot_general3A = arith.constant dense<0.000000e+00> : vector<400x128xf32>
    %dot_general3A_26 = tpu.matmul %div3A_22, %get3A_25, %dot_general3A {dimension_numbers = #tpu.dot_dimension_numbers<[1], [0], [0], [1], [0, 0, 1, 1], [], []>, transpose_lhs_hint = false} : vector<400x128xf32>, vector<128x128xf32>, vector<400x128xf32> -> vector<400x128xf32>
    %get3A_27 = arith.constant 0 : index
    %get3A_28 = arith.constant 0 : index
    %get3A_29 = vector.load %arg4[%get3A_27, %get3A_28] : memref<1x128xf32, #tpu.memory_space<vmem>>, vector<1x128xf32>
    %add3A_30 = vector.broadcast %get3A_29 : vector<1x128xf32> to vector<400x128xf32>
    %add3A_31 = arith.addf %dot_general3A_26, %add3A_30 : vector<400x128xf32>
    %max3A_32 = arith.constant 0.000000e+00 : f32
    %max3A_33 = vector.broadcast %max3A_32 : f32 to vector<400x128xf32>
    %max3A_34 = arith.maximumf %add3A_31, %max3A_33 : vector<400x128xf32>
    %swap3A = arith.constant 0 : index
    %swap3A_35 = arith.constant 0 : index
    %swap3A_36 = vector.load %arg5[%swap3A, %swap3A_35] : memref<400x128xf32, #tpu.memory_space<vmem>>, vector<400x128xf32>
    tpu.vector_store %arg5[%swap3A, %swap3A_35], %max3A_34 {strides = array<i32>} : memref<400x128xf32, #tpu.memory_space<vmem>>, vector<400x128xf32>,
    return
  }
  func.func @transform_0(%arg0: i32) -> (i32, i32, i32) {
    %c0_i32 = arith.constant 0 : i32
    %c0_i32_0 = arith.constant 0 : i32
    %c0_i32_1 = arith.constant 0 : i32
    return %c0_i32, %arg0, %c0_i32_0 : i32, i32, i32
  }
  func.func @transform_1(%arg0: i32) -> (i32, i32, i32) {
    %c0_i32 = arith.constant 0 : i32
    %c0_i32_0 = arith.constant 0 : i32
    %c0_i32_1 = arith.constant 0 : i32
    return %c0_i32, %arg0, %c0_i32_0 : i32, i32, i32
  }
  func.func @transform_2(%arg0: i32) -> (i32, i32) {
    %c0_i32 = arith.constant 0 : i32
    %c0_i32_0 = arith.constant 0 : i32
    %c0_i32_1 = arith.constant 0 : i32
    return %c0_i32, %c0_i32_0 : i32, i32
  }
  func.func @transform_3(%arg0: i32) -> (i32, i32) {
    %c0_i32 = arith.constant 0 : i32
    %c0_i32_0 = arith.constant 0 : i32
    %c0_i32_1 = arith.constant 0 : i32
    return %c0_i32, %c0_i32_0 : i32, i32
  }
  func.func @transform_4(%arg0: i32) -> (i32, i32) {
    %c0_i32 = arith.constant 0 : i32
    %c0_i32_0 = arith.constant 0 : i32
    return %arg0, %c0_i32 : i32, i32
  }
}

module attributes {stable_mosaic.version = 14 : i64} {
  func.func @_reduce_tc_body(%arg0: i32, %arg1: memref<5056x128xf32, #tpu.memory_space<vmem>>, %arg2: memref<128x8xf32, #tpu.memory_space<vmem>>, %arg3: memref<5056x8xf32, #tpu.memory_space<vmem>>) attributes {dimension_semantics = [#tpu.dimension_semantics<arbitrary>], iteration_bounds = array<i64: 8>, scalar_prefetch = 0 : i64, scratch_operands = 0 : i64, tpu.core_type = #tpu.core_type<tc>, window_params = [{transform_indices = @transform_0, window_bounds = array<i64: 5056, 128>}, {pipeline_mode = #tpu.pipeline_mode<synchronous>, transform_indices = @transform_1, window_bounds = array<i64: 128, 8>}, {transform_indices = @transform_2, window_bounds = array<i64: 5056, 8>}]} {
    %get3A = arith.constant 0 : index
    %get3A_0 = arith.constant 0 : index
    %get3A_1 = vector.load %arg1[%get3A, %get3A_0] : memref<5056x128xf32, #tpu.memory_space<vmem>>, vector<5056x128xf32>
    %get3A_2 = arith.constant 0 : index
    %get3A_3 = arith.constant 0 : index
    %get3A_4 = vector.load %arg2[%get3A_2, %get3A_3] : memref<128x8xf32, #tpu.memory_space<vmem>>, vector<128x8xf32>
    %dot_general3A = arith.constant dense<0.000000e+00> : vector<5056x8xf32>
    %dot_general3A_5 = tpu.matmul %get3A_1, %get3A_4, %dot_general3A {dimension_numbers = #tpu.dot_dimension_numbers<[1], [0], [0], [1], [0, 0, 1, 1], [], []>, transpose_lhs_hint = false} : vector<5056x128xf32>, vector<128x8xf32>, vector<5056x8xf32> -> vector<5056x8xf32>
    %swap3A = arith.constant 0 : index
    %swap3A_6 = arith.constant 0 : index
    %swap3A_7 = vector.load %arg3[%swap3A, %swap3A_6] : memref<5056x8xf32, #tpu.memory_space<vmem>>, vector<5056x8xf32>
    tpu.vector_store %arg3[%swap3A, %swap3A_6], %dot_general3A_5 {strides = array<i32>} : memref<5056x8xf32, #tpu.memory_space<vmem>>, vector<5056x8xf32>,
    return
  }
  func.func @transform_0(%arg0: i32) -> (i32, i32) {
    %c0_i32 = arith.constant 0 : i32
    %c0_i32_0 = arith.constant 0 : i32
    return %arg0, %c0_i32 : i32, i32
  }
  func.func @transform_1(%arg0: i32) -> (i32, i32) {
    %c0_i32 = arith.constant 0 : i32
    %c0_i32_0 = arith.constant 0 : i32
    %c0_i32_1 = arith.constant 0 : i32
    return %c0_i32, %c0_i32_0 : i32, i32
  }
  func.func @transform_2(%arg0: i32) -> (i32, i32) {
    %c0_i32 = arith.constant 0 : i32
    %c0_i32_0 = arith.constant 0 : i32
    return %arg0, %c0_i32 : i32, i32
  }
}

</mosaic_0001>

<sc_bundles>
// kernel: kernel.15.cloned.1.call-start
scs
__scs_entry_jumppad:
0x0: {  	(pc) =	sbr.rel $0x88, $3  }
0x1: {  	(tag) =	ssettag $0x0;
	lr =	simm.s32 $0x1  }
0x2: {  	[smem:$0x3F95] =	sst lr;
	_ =	strace $0xD0000000  }
0x3: {  	_ = 	snop  }
0x4: {  	_ = 	snop  }
0x5: {  	_ = 	snop  }
0x6: {  	_ = 	snop  }
0x7: {  	_ = 	snop  }
__scs_overlays_trampoline_lowered:
0x8: {  	[smem:$0x3FA4] =	sst s0  }
0x9: {  	[smem:$0x3FA5] =	sst s1  }
0xa: {  	[smem:$0x3FA6] =	sst s2  }
0xb: {  	[smem:$0x3FA7] =	sst s3  }
0xc: {  	[smem:$0x3FA8] =	sst s4  }
0xd: {  	[smem:$0x3FA9] =	sst s5  }
0xe: {  	[smem:$0x3FAA] =	sst s6  }
0xf: {  	[smem:$0x3FAB] =	sst s7  }
0x10: {  	[smem:$0x3FAC] =	sst s8  }
0x11: {  	[smem:$0x3FAD] =	sst s9;
	s0 =	simm.s32 @!p0 $0x0  }
0x12: {  	s1 =	sld [smem:$0x3F93];
	s0 =	simm.s32 @p0 $0x1  }
0x13: {  	[smem:$0x3FAE] =	sst s0;
	s0 =	simm.s32 @!p1 $0x0  }
0x14: {  	s2 =	sld [smem:$0x3F92];
	s0 =	simm.s32 @p1 $0x1  }
0x15: {  	[smem:$0x3FAF] =	sst s0;
	s0 =	simm.s32 @!p2 $0x0  }
0x16: {  	s3 =	sld [smem:$0x3FDB];
	s0 =	simm.s32 @p2 $0x1  }
0x17: {  	s4 =	simm.s32 $0x1BF5;
	[smem:$0x3FB1] =	sst s0  }
0x18: {  	s0 =	sld [smem:$0x3F94];
	_ =	swait.ge [sflag:s4], $0x0  }
0x19: {  	s7 =	sld [smem:$0x3F95]  }
0x1a: {  	s8 =	sadd.s32 $0xFFFFE003, lr  }
0x1b: {  	s9 =	sadd.s32 $0xFFFFFEF7, lr;
	s5 =	simm.s32 $0xFFFFFFFF;
	p2 =	slt.u32 s8, $0xFFFFF086  }
0x1c: {  	p1 =	slt.u32 s9, $0xF7A;
	s5 =	simm.s32 @!p2 $0x0  }
0x1d: {  	s5 =	simm.s32 @p1 $0x1;
	p0 =	seq.s32 s7, s2  }
0x1e: {  	s7 =	smul.u32 @!p0 $0xF7A, s2;
	p2 =	seq.s32 @!p0 s5, $0x0  }
0x1f: {  	s9 =	smul.u32 $0xF7A, s1;
	s8 =	simm.s32 @!p0 $0x1BF5;
	p2 =	por !p2, p0  }
0x20: {  	[sflag:s8] =	ssyncset.s32 @!p0 $0xFFFFF086;
	s6 =	sadd.s32 @!p0 s3, s7;
	s7 =	simm.s32 @!p0 $0x108  }
0x21: {  	s3 =	sadd.s32 s3, s9;
	s6 =	sadd.s32 @!p0 $0x88, s6;
	s7 =	simm.s32 @p2 $0x1082  }
0x22: {  	[simem:s7], [sflag:s8] =	dma.local @!p0 [hbm:s6], $0xF7A  }
0x23: {  	s9 =	sor.u32 $0xD0000000, s2;
	s6 =	simm.s32 $0x108;
	_ =	swait.ge @!p0 [sflag:s8], $0x0  }
0x24: {  	s3 =	sadd.s32 $0x88, s3;
	s6 =	simm.s32 @!p1 $0x1082;
	[sflag:s4] =	ssyncset.s32 $0xFFFFF086  }
0x25: {  	[simem:s6], [sflag:s4] =	dma.local [hbm:s3], $0xF7A  }
0x26: {  	[smem:$0x3F95] =	sst s1;
	(tag) =	ssettag s2;
	_ =	strace s9  }
0x27: {  	s1 =	sld [smem:$0x3FA5]  }
0x28: {  	s2 =	sld [smem:$0x3FA6]  }
0x29: {  	s4 =	sld [smem:$0x3FA8]  }
0x2a: {  	p0 =	seq.s32 s5, $0x0;
	s5 =	sld [smem:$0x3FA9]  }
0x2b: {  	s6 =	sld [smem:$0x3FAA]  }
0x2c: {  	s7 =	sld [smem:$0x3FAB]  }
0x2d: {  	s3 =	simm.s32 $0x108;
	s8 =	sld [smem:$0x3FAC]  }
0x2e: {  	s3 =	simm.s32 @!p0 $0x1082;
	s9 =	sld [smem:$0x3FAD]  }
0x2f: {  	lr =	sadd.s32 s0, s3;
	s0 =	sld [smem:$0x3FA4]  }
0x30: {  	s3 =	sld [smem:$0x3FA7]  }
0x31: {  	[smem:$0x3FB0] =	sst s10  }
0x32: {  	s10 =	sld [smem:$0x3FAE];
	_ =	sdelay $0x3  }
0x33: {  	p0 =	seq.s32 s10, $0x1;
	s10 =	sld [smem:$0x3FB0];
	_ =	sdelay $0x3  }
0x34: {  	[smem:$0x3FB0] =	sst s10  }
0x35: {  	s10 =	sld [smem:$0x3FAF];
	_ =	sdelay $0x3  }
0x36: {  	p1 =	seq.s32 s10, $0x1;
	s10 =	sld [smem:$0x3FB0];
	_ =	sdelay $0x3  }
0x37: {  	[smem:$0x3FB0] =	sst s10  }
0x38: {  	s10 =	sld [smem:$0x3FB1]  }
0x39: {  	_ = 	snop;
	(pc) =	sbr.ind lr, $3  }
0x3a: {  	_ = 	snop  }
0x3b: {  	_ = 	snop  }
0x3c: {  	p2 =	seq.s32 s10, $0x1;
	s10 =	sld [smem:$0x3FB0]  }
0x3d: {  	_ =	shalt  }
0x3e: {  	_ =	shalt  }
0x3f: {  	_ =	shalt  }
0x40: {  	_ =	shalt  }
0x41: {  	_ =	shalt  }
0x42: {  	_ =	shalt  }
0x43: {  	_ =	shalt  }
0x44: {  	_ =	shalt  }
0x45: {  	_ =	shalt  }
0x46: {  	_ =	shalt  }
0x47: {  	_ =	shalt  }
0x48: {  	_ =	shalt  }
0x49: {  	_ =	shalt  }
0x4a: {  	_ =	shalt  }
0x4b: {  	_ =	shalt  }
0x4c: {  	_ =	shalt  }
0x4d: {  	_ =	shalt  }
0x4e: {  	_ =	shalt  }
0x4f: {  	_ =	shalt  }
0x50: {  	_ =	shalt  }
0x51: {  	_ =	shalt  }
0x52: {  	_ =	shalt  }
0x53: {  	_ =	shalt  }
0x54: {  	_ =	shalt  }
0x55: {  	_ =	shalt  }
0x56: {  	_ =	shalt  }
0x57: {  	_ =	shalt  }
0x58: {  	_ =	shalt  }
0x59: {  	_ =	shalt  }
0x5a: {  	_ =	shalt  }
0x5b: {  	_ =	shalt  }
0x5c: {  	_ =	shalt  }
0x5d: {  	_ =	shalt  }
0x5e: {  	_ =	shalt  }
0x5f: {  	_ =	shalt  }
0x60: {  	_ =	shalt  }
0x61: {  	_ =	shalt  }
0x62: {  	_ =	shalt  }
0x63: {  	_ =	shalt  }
0x64: {  	_ =	shalt  }
0x65: {  	_ =	shalt  }
0x66: {  	_ =	shalt  }
0x67: {  	_ =	shalt  }
0x68: {  	_ =	shalt  }
0x69: {  	_ =	shalt  }
0x6a: {  	_ =	shalt  }
0x6b: {  	_ =	shalt  }
0x6c: {  	_ =	shalt  }
0x6d: {  	_ =	shalt  }
0x6e: {  	_ =	shalt  }
0x6f: {  	_ =	shalt  }
0x70: {  	_ =	shalt  }
0x71: {  	_ =	shalt  }
0x72: {  	_ =	shalt  }
0x73: {  	_ =	shalt  }
0x74: {  	_ =	shalt  }
0x75: {  	_ =	shalt  }
0x76: {  	_ =	shalt  }
0x77: {  	_ =	shalt  }
0x78: {  	_ =	shalt  }
0x79: {  	_ =	shalt  }
0x7a: {  	_ =	shalt  }
0x7b: {  	_ =	shalt  }
0x7c: {  	_ =	shalt  }
0x7d: {  	_ =	shalt  }
0x7e: {  	_ =	shalt  }
0x7f: {  	_ =	shalt  }
0x80: {  	_ =	shalt  }
0x81: {  	_ =	shalt  }
0x82: {  	_ =	shalt  }
0x83: {  	_ =	shalt  }
0x84: {  	_ =	shalt  }
0x85: {  	_ =	shalt  }
0x86: {  	_ =	shalt  }
0x87: {  	_ =	shalt  }
.Lfunc_end0:
.L_simem_size_0:
called_computation_lowered:
.L_overlay_start_0:
0x88: {  	s2 =	sld [smem:$0x3FD9]  }
0x89: {  	s3 =	sld [smem:$0x3FFE];
	_ =	sdelay $0x1  }
0x8a: {  	s1 =	srdreg.scid  }
0x8b: {  	s0 =	sand.u32 $0x1, s1  }
0x8c: {  	s16 =	sshll.u32 s0, $0xA;
	s2 =	sadd.s32 s3, s2  }
0x8d: {  	s2 =	sadd.s32 s2, s16  }
0x8e: {  	[smem:$0x3FBC] =	sst s2  }
0x8f: {  	_ = 	snop  }
0x90: {  	(tm) =	ssettm $0x1  }
0x91: {  	s17 =	sld [smem:$0x3FFB];
	_ =	sdelay $0x3  }
0x92: {  	_ =	strace s17  }
0x93: {  	s2 =	sld [smem:$0x3FFC];
	_ =	sdelay $0x3  }
0x94: {  	_ =	strace s2  }
0x95: {  	s2 =	sld [smem:$0x3FFD];
	_ =	sdelay $0x3  }
0x96: {  	_ =	strace s2  }
0x97: {  	_ =	strace $0x8FFFFFFF  }
0x98: {  	s18 =	sld [smem:$0x3FDB];
	_ =	sdelay $0x1  }
0x99: {  	s19 =	simm.s32 $_scs_section_size  }
0x9a: {  	s4 =	simm.s32 $_size__tile_overlayer_lowered;
	s5 =	simm.s32 $_tile_overlayer_lowered  }
0x9b: {  	s22 =	simm.s32 $0x1BFF;
	s21 =	sshll.u32 s5, $0x1;
	s2 =	sadd.s32 s19, s18  }
0x9c: {  	s6 =	simm.s32 $0x0;
	s20 =	sshll.u32 s4, $0x1;
	s4 =	sadd.s32 s21, s2  }
0x9d: {  	[timem:s6], [sflag:s22] =	dma.local [hbm:s4], s20  }
0x9e: {  	_ =	swait.ge [sflag:s22], s20  }
0x9f: {  	s3 =	ssub.s32 $0x0, s20;
	[sflag:s22] =	ssyncset.done $0x0  }
0xa0: {  	[sflag:s22] =	ssyncadd.s32 s3;
	_ =	sdelay $0x1  }
0xa1: {  	s23 =	simm.s32 $0x1B8B  }
0xa2: {  	_ =	swait.ge [sflag:s23], $0x1  }
0xa3: {  	[sflag:s23] =	ssyncset.done $0x0  }
0xa4: {  	s25 =	simm.s32 $0x1B8E;
	s24 =	sld [smem:$0x3FFE];
	[sflag:s23] =	ssyncadd.s32 $0xFFFFFFFF  }
0xa5: {  	s26 =	simm.s32 $execute0_lowered;
	[smem:$0x3FD2] =	sst s25  }
0xa6: {  	s4 =	sshll.u32 s26, $0x1;
	_ =	strace $0x80000046;
	[dreg:$0x1] =	wrdreg $0xFFFFFFFF  }
0xa7: {  	s28 =	simm.s32 $_size_execute0_lowered;
	s2 =	sadd.s32 s2, s4;
	[dreg:$0x0] =	wrdreg $0x0  }
0xa8: {  	s4 =	sshll.u32 s28, $0x1;
	[dreg:$0x2] =	wrdreg s2  }
0xa9: {  	[dreg:$0x3] =	wrdreg s4  }
0xaa: {  	[dreg:$0x4] =	wrdreg $0xC0  }
0xab: {  	_ =	task [dreg:s6], $0x5FFFF  }
0xac: {  	[dreg:$0x1] =	wrdreg $0xFFFFFFFF  }
0xad: {  	[dreg:$0x0] =	wrdreg $0x60  }
0xae: {  	[dreg:$0x2] =	wrdreg s24  }
0xaf: {  	[dreg:$0x3] =	wrdreg $0x68800  }
0xb0: {  	[dreg:$0x4] =	wrdreg $0xA  }
0xb1: {  	_ =	task.clear_ibuf [dreg:s6], $0x5FFFF;
	_ =	strace $0x90000046  }
0xb2: {  	s29 =	simm.s32 $0xA;
	_ =	strace $0x80000048  }
0xb3: {  	_ =	swait.ge [sflag:s29], $0x1  }
0xb4: {  	[sflag:s29] =	ssyncadd.s32 $0xFFFFFFFF  }
0xb5: {  	_ =	strace $0x90000048  }
0xb6: {  	_ =	sfence  }
0xb7: {  	s30 =	sld [smem:$0x0];
	_ =	sdelay $0x2  }
0xb8: {  	s31 =	sshll.u32 s1, $0xD;
	s1 =	sshrl.u32 s1, $0x2  }
0xb9: {  	s3 =	sand.u32 $0x4000, s31;
	s1 =	sadd.s32 s1, s30  }
0xba: {  	s0 =	sor.u32 s3, s0;
	s1 =	sshll.u32 s1, $0x11  }
0xbb: {  	s0 =	sor.u32 s1, s0  }
0xbc: {  	s0 =	sadd.s32 $0x8F2B, s0  }
0xbd: {  	[sflag:s0] =	ssyncadd.remote.s32 $0x1  }
0xbe: {  	_ =	sfence.sel $0xFFFF  }
0xbf: {  	[dreg:$0x0] =	wrdreg $0xFFFFFFFF;
	(pc) =	sbr.abs _section_cstart, $3  }
0xc0: {  	[dreg:$0x1] =	wrdreg $0xFFFFFFFF  }
0xc1: {  	_ =	task.clear_ibuf [dreg:s6], $0x2FFFF;
	_ =	strace $0x9FFFFFFF  }
0xc2: {  	(tm) =	ssettm $0x7FFFFFFF  }
0xc3: {  	_ =	shalt  }
tec
execute0_lowered:
.L_overlay_start_1:
0x0: {  	(tag) =	ssettag $0x1  }
0x1: {  	s7 =	rddreg [dreg:$0x0]  }
0x2: {  	s0 =	srdreg.scid;
	s1 =	rddreg [dreg:$0x1]  }
0x3: {  	s10 =	stileid.u32;
	s2 =	simm.s32 $0x0;
	s12 =	simm.s32 $0x80  }
0x4: {  	s13 =	simm.s32 $0x2880;
	s14 =	simm.s32 $0x1;
	s15 =	simm.s32 $0x2800  }
0x5: {  	s16 =	simm.s32 $0x0;
	s6 =	sand.u32 $0x1, s0;
	s0 =	rddreg [dreg:$0x2]  }
0x6: {  	s4 =	smul.u32 $0x2800, s10;
	[smem:$0x7FF] =	sst s2;
	p0 =	sne.s32 s10, $0x0  }
0x7: {  	s10 =	simm.s32 $0x2;
	s3 =	smul.u32 $0x28000, s6;
	_ =	strace $0x80000047  }
0x8: {  	s8 =	smul.u32 $0x27800, s6;
	s11 =	ssub.s32 $0x2, s6;
	s6 =	sadd.s32 $0x14E00, s7  }
0x9: {  	s31 =	sshrl.u32 s11, $0x1;
	s3 =	sadd.s32 s4, s3;
	s4 =	sadd.s32 $0x3C600, s7  }
0xa: {  	s8 =	sadd.s32 s8, s7;
	s11 =	ssub.s32 s11, s31;
	s5 =	sshrl.u32 s3, $0x3  }
0xb: {  	s8 =	sadd.s32 $0x63800, s8;
	s9 =	sadd.s32 s5, s7;
	s5 =	sadd.s32 $0xAE00, s7  }
0xc: {  	s7 =	sadd.s32 $0xE00, s9;
	s9 =	smax.u32 s11, $0x1;
	s11 =	sshrl.u32 @!p0 s1, $0x3  }
.LBB2_1:
0xd: {  	[tilespmem:s2], [sflag:$0x2] =	stream.linear.gather [hbm4b:s7+s2], $0x2780, $0x38;
	[tilespmem:$0x1A480] =	vst v63  }
0xe: {  	_ =	swait.ge [sflag:s10], $0x2780  }
0xf: {  	[sflag:s10] =	ssyncset.done $0x0  }
0x10: {  	s17 =	simm.s32 @!p0 $0x1C02;
	[sflag:s10] =	ssyncadd.s32 $0xFFFFD880  }
0x11: {  	[spmem:s11], [sflag:s17] =	dma.local @!p0 [hbm:s6], $0x27800  }
0x12: {  	s17 =	simm.s32 @!p0 $0x2  }
0x13: {  	_ =	swait.ge @!p0 [sflag:s17], $0x27800  }
0x14: {  	[sflag:s17] =	ssyncset.done @!p0 $0x0  }
0x15: {  	s31 =	sand.u32 $0x3C00, s2;
	[sflag:s17] =	ssyncadd.s32 @!p0 $0xFFFD8800  }
0x16: {  	s18 =	sand.u32 $0x380, s2;
	s17 =	sadd.s32 s3, s31;
	[bflag:$0x0] =	sbarrier.arrive $0xFFFF  }
0x17: {  	[tilespmem:s13], [sflag:$0x1] =	stream.indirect.gather [hbm4b:s4+s12], $0x80, s2, s12, $0xb8;
	[tilespmem:$0x1A480] =	vst v63  }
0x18: {  	s17 =	sor.u32 s18, s17;
	_ =	swait.ge [sflag:s14], $0x4000  }
0x19: {  	s17 =	sshrl.u32 s17, $0x3;
	[sflag:s14] =	ssyncset.done $0x0  }
0x1a: {  	s17 =	sadd.s32 s5, s17;
	[sflag:s14] =	ssyncadd.s32 $0xFFFFC000  }
0x1b: {  	[tilespmem:s15], [sflag:$0x2] =	stream.linear.gather [hbm4b:s17+s2], $0x80, $0x38;
	[tilespmem:$0x1A480] =	vst v63  }
0x1c: {  	_ =	swait.ge [sflag:s10], $0x80  }
0x1d: {  	s20 =	simm.s32 $0x100;
	s17 =	simm.s32 $0x80;
	[sflag:s10] =	ssyncset.done $0x0  }
0x1e: {  	s18 =	sand.u32 $0x3C00, s17;
	s19 =	sand.u32 $0x380, s17;
	[sflag:s10] =	ssyncadd.s32 $0xFFFFFF80  }
.LBB2_2:
0x1f: {  	[spmem:s1] =	stream.indirect.scatter.add.f32 [tilespmem:s13], [sflag:$0x2], $0x80, s15, s12, $0xb8;
	[tilespmem:$0x1A480] =	vst v63  }
0x20: {  	s21 =	smov.u32 s20  }
0x21: {  	s22 =	sadd.s32 s3, s18;
	s18 =	sand.u32 $0x3C00, s20;
	_ =	swait.ge [sflag:s10], $0x4000  }
0x22: {  	s23 =	sadd.s32 $0x80, s20;
	s19 =	sor.u32 s19, s22;
	[sflag:s10] =	ssyncset.done $0x0  }
0x23: {  	p1 =	sne.s32 s20, $0x2700;
	s19 =	sshrl.u32 s19, $0x3;
	[sflag:s10] =	ssyncadd.s32 $0xFFFFC000  }
0x24: {  	[tilespmem:s13], [sflag:$0x1] =	stream.indirect.gather [hbm4b:s4+s12], $0x80, s17, s12, $0xb8;
	[tilespmem:$0x1A480] =	vst v63  }
0x25: {  	_ =	swait.ge [sflag:s14], $0x4000  }
0x26: {  	s19 =	sadd.s32 s5, s19;
	[sflag:s14] =	ssyncset.done $0x0  }
.Ltmp0:
0x27: {  	[sflag:s14] =	ssyncadd.s32 $0xFFFFC000;
	(pc) =	sbr.rel @p1 .LBB2_2-.Ltmp0, $4  }
0x28: {  	[tilespmem:s15], [sflag:$0x2] =	stream.linear.gather [hbm4b:s19+s2], $0x80, $0x38;
	[tilespmem:$0x1A480] =	vst v63  }
0x29: {  	_ =	swait.ge [sflag:s10], $0x80  }
0x2a: {  	s20 =	smov.u32 s23;
	[sflag:s10] =	ssyncset.done $0x0  }
0x2b: {  	s17 =	sadd.s32 $0x80, s17;
	s19 =	sand.u32 $0x380, s21;
	[sflag:s10] =	ssyncadd.s32 $0xFFFFFF80  }
0x2c: {  	[spmem:s1] =	stream.indirect.scatter.add.f32 [tilespmem:s13], [sflag:$0x2], $0x80, s15, s12, $0xb8;
	[tilespmem:$0x1A480] =	vst v63  }
0x2d: {  	_ =	swait.ge [sflag:s10], $0x4000  }
0x2e: {  	[sflag:s10] =	ssyncset.done $0x0  }
0x2f: {  	s18 =	sadd.s32 s3, s18;
	[sflag:s10] =	ssyncadd.s32 $0xFFFFC000  }
0x30: {  	[tilespmem:s13], [sflag:$0x1] =	stream.indirect.gather [hbm4b:s4+s12], $0x80, s17, s12, $0xb8;
	[tilespmem:$0x1A480] =	vst v63  }
0x31: {  	s31 =	sor.u32 s19, s18;
	_ =	swait.ge [sflag:s14], $0x4000  }
0x32: {  	s17 =	sshrl.u32 s31, $0x3;
	[sflag:s14] =	ssyncset.done $0x0  }
0x33: {  	s17 =	sadd.s32 s5, s17;
	[sflag:s14] =	ssyncadd.s32 $0xFFFFC000  }
0x34: {  	[tilespmem:s15], [sflag:$0x2] =	stream.linear.gather [hbm4b:s17+s2], $0x80, $0x38;
	[tilespmem:$0x1A480] =	vst v63  }
0x35: {  	_ =	swait.ge [sflag:s10], $0x80  }
0x36: {  	[sflag:s10] =	ssyncset.done $0x0  }
0x37: {  	[sflag:s10] =	ssyncadd.s32 $0xFFFFFF80  }
0x38: {  	[spmem:s1] =	stream.indirect.scatter.add.f32 [tilespmem:s13], [sflag:$0x2], $0x80, s15, s12, $0xb8;
	[tilespmem:$0x1A480] =	vst v63  }
0x39: {  	_ =	swait.ge [sflag:s10], $0x4000  }
0x3a: {  	[sflag:s10] =	ssyncset.done $0x0  }
0x3b: {  	s16 =	sadd.s32 $0x1, s16;
	[sflag:s10] =	ssyncadd.s32 $0xFFFFC000  }
0x3c: {  	p1 =	sne.s32 s16, s9;
	s17 =	simm.s32 @!p0 $0x1C02;
	[bflag:$0x0] =	sbarrier.arrive $0xFFFF  }
0x3d: {  	[hbm:s8], [sflag:s17] =	dma.local @!p0 [spmem:s11], $0x27800  }
.Ltmp1:
0x3e: {  	_ = 	snop;
	(pc) =	sbr.rel @p1 .LBB2_1-.Ltmp1, $4  }
0x3f: {  	s17 =	simm.s32 @!p0 $0x2  }
0x40: {  	_ =	swait.ge @!p0 [sflag:s17], $0x27800  }
0x41: {  	[sflag:s17] =	ssyncset.done @!p0 $0x0  }
0x42: {  	[sflag:s17] =	ssyncadd.s32 @!p0 $0xFFFD8800  }
0x43: {  	_ =	sfence.sel $0x180000  }
0x44: {  	[bflag:$0x0] =	sbarrier.arrive $0xFFFF  }
0x45: {  	_ =	strace $0x90000047  }
0x46: {  	s0 =	sadd.s32 @!p0 $0x100000, s0;
	[bflag:$0x2] =	sbarrier.arrive $0xFFFF  }
0x47: {  	[sflag:s0] =	ssyncadd.tile.s32 @!p0 $0x1;
	_ =	shalt  }
.Lfunc_end2:
_tile_overlayer_lowered:
.L_overlay_start_2:
0x48: {  	(tag) =	ssettag $0x2  }
0x49: {  	s0 =	rddreg [dreg:$0x0];
	s2 =	stileid.u32  }
0x4a: {  	s1 =	rddreg [dreg:$0x1];
	p0 =	sne.s32 s2, $0x0  }
0x4b: {  	s3 =	rddreg [dreg:$0x2];
	[bflag:$0x3] =	sbarrier.arrive $0xFFFF;
	s2 =	simm.s32 @!p0 $0x1C02  }
0x4c: {  	[timem:s3], [sflag:s2] =	dma.local @!p0 [hbm:s0], s1  }
0x4d: {  	s0 =	simm.s32 @!p0 $0x2  }
0x4e: {  	_ =	swait.ge @!p0 [sflag:s0], s1  }
0x4f: {  	s1 =	ssub.s32 @!p0 $0x0, s1;
	[sflag:s0] =	ssyncset.done @!p0 $0x0  }
0x50: {  	[sflag:s0] =	ssyncadd.s32 @!p0 s1  }
0x51: {  	[bflag:$0x3] =	sbarrier.arrive $0xFFFF  }
0x52: {  	_ =	shalt  }

// kernel: kernel.18.cloned.1.call-start
scs
__scs_entry_jumppad:
0x0: {  	(pc) =	sbr.rel $0x88, $3  }
0x1: {  	(tag) =	ssettag $0x0;
	lr =	simm.s32 $0x1  }
0x2: {  	[smem:$0x3F95] =	sst lr;
	_ =	strace $0xD0000000  }
0x3: {  	_ = 	snop  }
0x4: {  	_ = 	snop  }
0x5: {  	_ = 	snop  }
0x6: {  	_ = 	snop  }
0x7: {  	_ = 	snop  }
__scs_overlays_trampoline_lowered:
0x8: {  	[smem:$0x3FA4] =	sst s0  }
0x9: {  	[smem:$0x3FA5] =	sst s1  }
0xa: {  	[smem:$0x3FA6] =	sst s2  }
0xb: {  	[smem:$0x3FA7] =	sst s3  }
0xc: {  	[smem:$0x3FA8] =	sst s4  }
0xd: {  	[smem:$0x3FA9] =	sst s5  }
0xe: {  	[smem:$0x3FAA] =	sst s6  }
0xf: {  	[smem:$0x3FAB] =	sst s7  }
0x10: {  	[smem:$0x3FAC] =	sst s8  }
0x11: {  	[smem:$0x3FAD] =	sst s9;
	s0 =	simm.s32 @!p0 $0x0  }
0x12: {  	s1 =	sld [smem:$0x3F93];
	s0 =	simm.s32 @p0 $0x1  }
0x13: {  	[smem:$0x3FAE] =	sst s0;
	s0 =	simm.s32 @!p1 $0x0  }
0x14: {  	s2 =	sld [smem:$0x3F92];
	s0 =	simm.s32 @p1 $0x1  }
0x15: {  	[smem:$0x3FAF] =	sst s0;
	s0 =	simm.s32 @!p2 $0x0  }
0x16: {  	s3 =	sld [smem:$0x3FDB];
	s0 =	simm.s32 @p2 $0x1  }
0x17: {  	s4 =	simm.s32 $0x1BF5;
	[smem:$0x3FB1] =	sst s0  }
0x18: {  	s0 =	sld [smem:$0x3F94];
	_ =	swait.ge [sflag:s4], $0x0  }
0x19: {  	s7 =	sld [smem:$0x3F95]  }
0x1a: {  	s8 =	sadd.s32 $0xFFFFE003, lr  }
0x1b: {  	s9 =	sadd.s32 $0xFFFFFEF7, lr;
	s5 =	simm.s32 $0xFFFFFFFF;
	p2 =	slt.u32 s8, $0xFFFFF086  }
0x1c: {  	p1 =	slt.u32 s9, $0xF7A;
	s5 =	simm.s32 @!p2 $0x0  }
0x1d: {  	s5 =	simm.s32 @p1 $0x1;
	p0 =	seq.s32 s7, s2  }
0x1e: {  	s7 =	smul.u32 @!p0 $0xF7A, s2;
	p2 =	seq.s32 @!p0 s5, $0x0  }
0x1f: {  	s9 =	smul.u32 $0xF7A, s1;
	s8 =	simm.s32 @!p0 $0x1BF5;
	p2 =	por !p2, p0  }
0x20: {  	[sflag:s8] =	ssyncset.s32 @!p0 $0xFFFFF086;
	s6 =	sadd.s32 @!p0 s3, s7;
	s7 =	simm.s32 @!p0 $0x108  }
0x21: {  	s3 =	sadd.s32 s3, s9;
	s6 =	sadd.s32 @!p0 $0x88, s6;
	s7 =	simm.s32 @p2 $0x1082  }
0x22: {  	[simem:s7], [sflag:s8] =	dma.local @!p0 [hbm:s6], $0xF7A  }
0x23: {  	s9 =	sor.u32 $0xD0000000, s2;
	s6 =	simm.s32 $0x108;
	_ =	swait.ge @!p0 [sflag:s8], $0x0  }
0x24: {  	s3 =	sadd.s32 $0x88, s3;
	s6 =	simm.s32 @!p1 $0x1082;
	[sflag:s4] =	ssyncset.s32 $0xFFFFF086  }
0x25: {  	[simem:s6], [sflag:s4] =	dma.local [hbm:s3], $0xF7A  }
0x26: {  	[smem:$0x3F95] =	sst s1;
	(tag) =	ssettag s2;
	_ =	strace s9  }
0x27: {  	s1 =	sld [smem:$0x3FA5]  }
0x28: {  	s2 =	sld [smem:$0x3FA6]  }
0x29: {  	s4 =	sld [smem:$0x3FA8]  }
0x2a: {  	p0 =	seq.s32 s5, $0x0;
	s5 =	sld [smem:$0x3FA9]  }
0x2b: {  	s6 =	sld [smem:$0x3FAA]  }
0x2c: {  	s7 =	sld [smem:$0x3FAB]  }
0x2d: {  	s3 =	simm.s32 $0x108;
	s8 =	sld [smem:$0x3FAC]  }
0x2e: {  	s3 =	simm.s32 @!p0 $0x1082;
	s9 =	sld [smem:$0x3FAD]  }
0x2f: {  	lr =	sadd.s32 s0, s3;
	s0 =	sld [smem:$0x3FA4]  }
0x30: {  	s3 =	sld [smem:$0x3FA7]  }
0x31: {  	[smem:$0x3FB0] =	sst s10  }
0x32: {  	s10 =	sld [smem:$0x3FAE];
	_ =	sdelay $0x3  }
0x33: {  	p0 =	seq.s32 s10, $0x1;
	s10 =	sld [smem:$0x3FB0];
	_ =	sdelay $0x3  }
0x34: {  	[smem:$0x3FB0] =	sst s10  }
0x35: {  	s10 =	sld [smem:$0x3FAF];
	_ =	sdelay $0x3  }
0x36: {  	p1 =	seq.s32 s10, $0x1;
	s10 =	sld [smem:$0x3FB0];
	_ =	sdelay $0x3  }
0x37: {  	[smem:$0x3FB0] =	sst s10  }
0x38: {  	s10 =	sld [smem:$0x3FB1]  }
0x39: {  	_ = 	snop;
	(pc) =	sbr.ind lr, $3  }
0x3a: {  	_ = 	snop  }
0x3b: {  	_ = 	snop  }
0x3c: {  	p2 =	seq.s32 s10, $0x1;
	s10 =	sld [smem:$0x3FB0]  }
0x3d: {  	_ =	shalt  }
0x3e: {  	_ =	shalt  }
0x3f: {  	_ =	shalt  }
0x40: {  	_ =	shalt  }
0x41: {  	_ =	shalt  }
0x42: {  	_ =	shalt  }
0x43: {  	_ =	shalt  }
0x44: {  	_ =	shalt  }
0x45: {  	_ =	shalt  }
0x46: {  	_ =	shalt  }
0x47: {  	_ =	shalt  }
0x48: {  	_ =	shalt  }
0x49: {  	_ =	shalt  }
0x4a: {  	_ =	shalt  }
0x4b: {  	_ =	shalt  }
0x4c: {  	_ =	shalt  }
0x4d: {  	_ =	shalt  }
0x4e: {  	_ =	shalt  }
0x4f: {  	_ =	shalt  }
0x50: {  	_ =	shalt  }
0x51: {  	_ =	shalt  }
0x52: {  	_ =	shalt  }
0x53: {  	_ =	shalt  }
0x54: {  	_ =	shalt  }
0x55: {  	_ =	shalt  }
0x56: {  	_ =	shalt  }
0x57: {  	_ =	shalt  }
0x58: {  	_ =	shalt  }
0x59: {  	_ =	shalt  }
0x5a: {  	_ =	shalt  }
0x5b: {  	_ =	shalt  }
0x5c: {  	_ =	shalt  }
0x5d: {  	_ =	shalt  }
0x5e: {  	_ =	shalt  }
0x5f: {  	_ =	shalt  }
0x60: {  	_ =	shalt  }
0x61: {  	_ =	shalt  }
0x62: {  	_ =	shalt  }
0x63: {  	_ =	shalt  }
0x64: {  	_ =	shalt  }
0x65: {  	_ =	shalt  }
0x66: {  	_ =	shalt  }
0x67: {  	_ =	shalt  }
0x68: {  	_ =	shalt  }
0x69: {  	_ =	shalt  }
0x6a: {  	_ =	shalt  }
0x6b: {  	_ =	shalt  }
0x6c: {  	_ =	shalt  }
0x6d: {  	_ =	shalt  }
0x6e: {  	_ =	shalt  }
0x6f: {  	_ =	shalt  }
0x70: {  	_ =	shalt  }
0x71: {  	_ =	shalt  }
0x72: {  	_ =	shalt  }
0x73: {  	_ =	shalt  }
0x74: {  	_ =	shalt  }
0x75: {  	_ =	shalt  }
0x76: {  	_ =	shalt  }
0x77: {  	_ =	shalt  }
0x78: {  	_ =	shalt  }
0x79: {  	_ =	shalt  }
0x7a: {  	_ =	shalt  }
0x7b: {  	_ =	shalt  }
0x7c: {  	_ =	shalt  }
0x7d: {  	_ =	shalt  }
0x7e: {  	_ =	shalt  }
0x7f: {  	_ =	shalt  }
0x80: {  	_ =	shalt  }
0x81: {  	_ =	shalt  }
0x82: {  	_ =	shalt  }
0x83: {  	_ =	shalt  }
0x84: {  	_ =	shalt  }
0x85: {  	_ =	shalt  }
0x86: {  	_ =	shalt  }
0x87: {  	_ =	shalt  }
.Lfunc_end0:
.L_simem_size_0:
called_computation.1_lowered:
.L_overlay_start_0:
0x88: {  	s2 =	sld [smem:$0x3FD9]  }
0x89: {  	s3 =	sld [smem:$0x3FFE];
	_ =	sdelay $0x1  }
0x8a: {  	s1 =	srdreg.scid  }
0x8b: {  	s0 =	sand.u32 $0x1, s1  }
0x8c: {  	s17 =	sshll.u32 s0, $0xA;
	s2 =	sadd.s32 s3, s2  }
0x8d: {  	s2 =	sadd.s32 s2, s17  }
0x8e: {  	[smem:$0x3FBC] =	sst s2  }
0x8f: {  	_ = 	snop  }
0x90: {  	(tm) =	ssettm $0x1  }
0x91: {  	s18 =	sld [smem:$0x3FFB];
	_ =	sdelay $0x3  }
0x92: {  	_ =	strace s18  }
0x93: {  	s2 =	sld [smem:$0x3FFC];
	_ =	sdelay $0x3  }
0x94: {  	_ =	strace s2  }
0x95: {  	s2 =	sld [smem:$0x3FFD];
	_ =	sdelay $0x3  }
0x96: {  	_ =	strace s2  }
0x97: {  	_ =	strace $0x8FFFFFFF  }
0x98: {  	s19 =	sld [smem:$0x3FDB];
	_ =	sdelay $0x1  }
0x99: {  	s20 =	simm.s32 $_scs_section_size  }
0x9a: {  	s4 =	simm.s32 $_size__tile_overlayer_lowered;
	s5 =	simm.s32 $_tile_overlayer_lowered  }
0x9b: {  	s6 =	simm.s32 $0x1BFF;
	s21 =	sshll.u32 s5, $0x1;
	s3 =	sadd.s32 s20, s19  }
0x9c: {  	s22 =	simm.s32 $0x0;
	s4 =	sshll.u32 s4, $0x1;
	s5 =	sadd.s32 s21, s3  }
0x9d: {  	[timem:s22], [sflag:s6] =	dma.local [hbm:s5], s4  }
0x9e: {  	_ =	swait.ge [sflag:s6], s4  }
0x9f: {  	s4 =	ssub.s32 $0x0, s4;
	[sflag:s6] =	ssyncset.done $0x0  }
0xa0: {  	[sflag:s6] =	ssyncadd.s32 s4;
	_ =	sdelay $0x1  }
0xa1: {  	s23 =	simm.s32 $0x1B8B  }
0xa2: {  	_ =	swait.ge [sflag:s23], $0x1  }
0xa3: {  	[sflag:s23] =	ssyncset.done $0x0  }
0xa4: {  	[sflag:s23] =	ssyncadd.s32 $0xFFFFFFFF  }
0xa5: {  	s4 =	sld [smem:$0x0]  }
0xa6: {  	s5 =	sand.u32 $0xFFFFFFFE, s1  }
0xa7: {  	p0 =	sne.s32 s1, s5  }
0xa8: {  	s5 =	sshll.u32 @p0 s5, $0xE  }
0xa9: {  	s5 =	sadd.s32 @p0 $0x11B8D, s5;
	s6 =	sshll.u32 @p0 s4, $0x11  }
0xaa: {  	s5 =	sor.u32 @p0 s6, s5  }
0xab: {  	[sflag:s5] =	ssyncadd.remote.s32 @p0 $0x1;
	_ =	sdelay $0x1  }
0xac: {  	s5 =	simm.s32 @p0 $0x1B8D  }
0xad: {  	_ =	swait.eq @p0 [sflag:s5], $0x1  }
0xae: {  	[sflag:s5] =	ssyncadd.s32 @p0 $0xFFFFFFFF  }
0xaf: {  	s6 =	sshll.u32 @!p0 s1, $0xE  }
0xb0: {  	s6 =	sor.u32 @!p0 $0x4000, s6;
	s5 =	simm.s32 @!p0 $0x1B8D  }
0xb1: {  	s4 =	sshll.u32 @!p0 s4, $0x11;
	s6 =	sadd.s32 @!p0 $0x11B8D, s6;
	_ =	swait.eq @!p0 [sflag:s5], $0x1  }
0xb2: {  	s4 =	sor.u32 @!p0 s4, s6;
	[sflag:s5] =	ssyncadd.s32 @!p0 $0xFFFFFFFF  }
0xb3: {  	s25 =	simm.s32 $0x1B8E;
	s24 =	sld [smem:$0x3FFE];
	[sflag:s4] =	ssyncadd.remote.s32 @!p0 $0x1  }
0xb4: {  	s26 =	simm.s32 $execute0_lowered;
	[smem:$0x3FD2] =	sst s25  }
0xb5: {  	s5 =	sshll.u32 s26, $0x1;
	_ =	strace $0x8000004C;
	[dreg:$0x1] =	wrdreg $0xFFFFFFFF  }
0xb6: {  	s28 =	simm.s32 $_size_execute0_lowered;
	s3 =	sadd.s32 s3, s5;
	[dreg:$0x0] =	wrdreg $0x0  }
0xb7: {  	s5 =	sshll.u32 s28, $0x1;
	[dreg:$0x2] =	wrdreg s3  }
0xb8: {  	[dreg:$0x3] =	wrdreg s5  }
0xb9: {  	[dreg:$0x4] =	wrdreg $0xC0  }
0xba: {  	_ =	task [dreg:s22], $0x5FFFF  }
0xbb: {  	[dreg:$0x1] =	wrdreg $0xFFFFFFFF  }
0xbc: {  	[dreg:$0x0] =	wrdreg $0x60  }
0xbd: {  	[dreg:$0x2] =	wrdreg s24  }
0xbe: {  	[dreg:$0x3] =	wrdreg $0x68800  }
0xbf: {  	[dreg:$0x4] =	wrdreg $0x9  }
0xc0: {  	_ =	task.clear_ibuf [dreg:s22], $0x5FFFF;
	_ =	strace $0x9000004C  }
0xc1: {  	s29 =	simm.s32 $0x9;
	_ =	strace $0x8000004E  }
0xc2: {  	_ =	swait.ge [sflag:s29], $0x1  }
0xc3: {  	[sflag:s29] =	ssyncadd.s32 $0xFFFFFFFF  }
0xc4: {  	_ =	strace $0x9000004E  }
0xc5: {  	_ =	sfence  }
0xc6: {  	s30 =	sld [smem:$0x0];
	_ =	sdelay $0x2  }
0xc7: {  	s31 =	sshll.u32 s1, $0xD;
	s1 =	sshrl.u32 s1, $0x2  }
0xc8: {  	s4 =	sand.u32 $0x4000, s31;
	s1 =	sadd.s32 s1, s30  }
0xc9: {  	s0 =	sor.u32 s4, s0;
	s1 =	sshll.u32 s1, $0x11  }
0xca: {  	s0 =	sor.u32 s1, s0  }
0xcb: {  	s0 =	sadd.s32 $0x8F2B, s0  }
0xcc: {  	[sflag:s0] =	ssyncadd.remote.s32 $0x1  }
0xcd: {  	_ =	sfence.sel $0xFFFF  }
0xce: {  	[dreg:$0x0] =	wrdreg $0xFFFFFFFF;
	(pc) =	sbr.abs _section_cstart, $3  }
0xcf: {  	[dreg:$0x1] =	wrdreg $0xFFFFFFFF  }
0xd0: {  	_ =	task.clear_ibuf [dreg:s22], $0x2FFFF;
	_ =	strace $0x9FFFFFFF  }
0xd1: {  	(tm) =	ssettm $0x7FFFFFFF  }
tec
execute0_lowered:
.L_overlay_start_1:
0x0: {  	(tag) =	ssettag $0x1  }
0x1: {  	s7 =	rddreg [dreg:$0x0]  }
0x2: {  	s0 =	srdreg.scid;
	s1 =	rddreg [dreg:$0x1]  }
0x3: {  	s10 =	stileid.u32;
	s2 =	simm.s32 $0x0;
	s12 =	simm.s32 $0x80  }
0x4: {  	s13 =	simm.s32 $0x2880;
	s14 =	simm.s32 $0x1;
	s15 =	simm.s32 $0x2800  }
0x5: {  	s16 =	simm.s32 $0x0;
	s6 =	sand.u32 $0x1, s0;
	s0 =	rddreg [dreg:$0x2]  }
0x6: {  	s4 =	smul.u32 $0x2800, s10;
	[smem:$0x7FF] =	sst s2;
	p0 =	sne.s32 s10, $0x0  }
0x7: {  	s10 =	simm.s32 $0x2;
	s3 =	smul.u32 $0x28000, s6;
	_ =	strace $0x8000004D  }
0x8: {  	s8 =	smul.u32 $0x27800, s6;
	s11 =	ssub.s32 $0x2, s6;
	s6 =	sadd.s32 $0x14E00, s7  }
0x9: {  	s31 =	sshrl.u32 s11, $0x1;
	s3 =	sadd.s32 s4, s3;
	s4 =	sadd.s32 $0x3C600, s7  }
0xa: {  	s8 =	sadd.s32 s8, s7;
	s11 =	ssub.s32 s11, s31;
	s5 =	sshrl.u32 s3, $0x3  }
0xb: {  	s8 =	sadd.s32 $0x115800, s8;
	s9 =	sadd.s32 s5, s7;
	s5 =	sadd.s32 $0x10B800, s7  }
0xc: {  	s7 =	sadd.s32 $0x101800, s9;
	s9 =	smax.u32 s11, $0x1;
	s11 =	sshrl.u32 @!p0 s1, $0x3  }
.LBB2_1:
0xd: {  	[tilespmem:s2], [sflag:$0x2] =	stream.linear.gather [hbm4b:s7+s2], $0x2780, $0x38;
	[tilespmem:$0x1A480] =	vst v63  }
0xe: {  	_ =	swait.ge [sflag:s10], $0x2780  }
0xf: {  	[sflag:s10] =	ssyncset.done $0x0  }
0x10: {  	s17 =	simm.s32 @!p0 $0x1C02;
	[sflag:s10] =	ssyncadd.s32 $0xFFFFD880  }
0x11: {  	[spmem:s11], [sflag:s17] =	dma.local @!p0 [hbm:s6], $0x27800  }
0x12: {  	s17 =	simm.s32 @!p0 $0x2  }
0x13: {  	_ =	swait.ge @!p0 [sflag:s17], $0x27800  }
0x14: {  	[sflag:s17] =	ssyncset.done @!p0 $0x0  }
0x15: {  	s31 =	sand.u32 $0x3C00, s2;
	[sflag:s17] =	ssyncadd.s32 @!p0 $0xFFFD8800  }
0x16: {  	s18 =	sand.u32 $0x380, s2;
	s17 =	sadd.s32 s3, s31;
	[bflag:$0x0] =	sbarrier.arrive $0xFFFF  }
0x17: {  	[tilespmem:s13], [sflag:$0x1] =	stream.indirect.gather [hbm4b:s4+s12], $0x80, s2, s12, $0xb8;
	[tilespmem:$0x1A480] =	vst v63  }
0x18: {  	s17 =	sor.u32 s18, s17;
	_ =	swait.ge [sflag:s14], $0x4000  }
0x19: {  	s17 =	sshrl.u32 s17, $0x3;
	[sflag:s14] =	ssyncset.done $0x0  }
0x1a: {  	s17 =	sadd.s32 s5, s17;
	[sflag:s14] =	ssyncadd.s32 $0xFFFFC000  }
0x1b: {  	[tilespmem:s15], [sflag:$0x2] =	stream.linear.gather [hbm4b:s17+s2], $0x80, $0x38;
	[tilespmem:$0x1A480] =	vst v63  }
0x1c: {  	_ =	swait.ge [sflag:s10], $0x80  }
0x1d: {  	s20 =	simm.s32 $0x100;
	s17 =	simm.s32 $0x80;
	[sflag:s10] =	ssyncset.done $0x0  }
0x1e: {  	s18 =	sand.u32 $0x3C00, s17;
	s19 =	sand.u32 $0x380, s17;
	[sflag:s10] =	ssyncadd.s32 $0xFFFFFF80  }
.LBB2_2:
0x1f: {  	[spmem:s1] =	stream.indirect.scatter.add.f32 [tilespmem:s13], [sflag:$0x2], $0x80, s15, s12, $0xb8;
	[tilespmem:$0x1A480] =	vst v63  }
0x20: {  	s21 =	smov.u32 s20  }
0x21: {  	s22 =	sadd.s32 s3, s18;
	s18 =	sand.u32 $0x3C00, s20;
	_ =	swait.ge [sflag:s10], $0x4000  }
0x22: {  	s23 =	sadd.s32 $0x80, s20;
	s19 =	sor.u32 s19, s22;
	[sflag:s10] =	ssyncset.done $0x0  }
0x23: {  	p1 =	sne.s32 s20, $0x2700;
	s19 =	sshrl.u32 s19, $0x3;
	[sflag:s10] =	ssyncadd.s32 $0xFFFFC000  }
0x24: {  	[tilespmem:s13], [sflag:$0x1] =	stream.indirect.gather [hbm4b:s4+s12], $0x80, s17, s12, $0xb8;
	[tilespmem:$0x1A480] =	vst v63  }
0x25: {  	_ =	swait.ge [sflag:s14], $0x4000  }
0x26: {  	s19 =	sadd.s32 s5, s19;
	[sflag:s14] =	ssyncset.done $0x0  }
.Ltmp0:
0x27: {  	[sflag:s14] =	ssyncadd.s32 $0xFFFFC000;
	(pc) =	sbr.rel @p1 .LBB2_2-.Ltmp0, $4  }
0x28: {  	[tilespmem:s15], [sflag:$0x2] =	stream.linear.gather [hbm4b:s19+s2], $0x80, $0x38;
	[tilespmem:$0x1A480] =	vst v63  }
0x29: {  	_ =	swait.ge [sflag:s10], $0x80  }
0x2a: {  	s20 =	smov.u32 s23;
	[sflag:s10] =	ssyncset.done $0x0  }
0x2b: {  	s17 =	sadd.s32 $0x80, s17;
	s19 =	sand.u32 $0x380, s21;
	[sflag:s10] =	ssyncadd.s32 $0xFFFFFF80  }
0x2c: {  	[spmem:s1] =	stream.indirect.scatter.add.f32 [tilespmem:s13], [sflag:$0x2], $0x80, s15, s12, $0xb8;
	[tilespmem:$0x1A480] =	vst v63  }
0x2d: {  	_ =	swait.ge [sflag:s10], $0x4000  }
0x2e: {  	[sflag:s10] =	ssyncset.done $0x0  }
0x2f: {  	s18 =	sadd.s32 s3, s18;
	[sflag:s10] =	ssyncadd.s32 $0xFFFFC000  }
0x30: {  	[tilespmem:s13], [sflag:$0x1] =	stream.indirect.gather [hbm4b:s4+s12], $0x80, s17, s12, $0xb8;
	[tilespmem:$0x1A480] =	vst v63  }
0x31: {  	s31 =	sor.u32 s19, s18;
	_ =	swait.ge [sflag:s14], $0x4000  }
0x32: {  	s17 =	sshrl.u32 s31, $0x3;
	[sflag:s14] =	ssyncset.done $0x0  }
0x33: {  	s17 =	sadd.s32 s5, s17;
	[sflag:s14] =	ssyncadd.s32 $0xFFFFC000  }
0x34: {  	[tilespmem:s15], [sflag:$0x2] =	stream.linear.gather [hbm4b:s17+s2], $0x80, $0x38;
	[tilespmem:$0x1A480] =	vst v63  }
0x35: {  	_ =	swait.ge [sflag:s10], $0x80  }
0x36: {  	[sflag:s10] =	ssyncset.done $0x0  }
0x37: {  	[sflag:s10] =	ssyncadd.s32 $0xFFFFFF80  }
0x38: {  	[spmem:s1] =	stream.indirect.scatter.add.f32 [tilespmem:s13], [sflag:$0x2], $0x80, s15, s12, $0xb8;
	[tilespmem:$0x1A480] =	vst v63  }
0x39: {  	_ =	swait.ge [sflag:s10], $0x4000  }
0x3a: {  	[sflag:s10] =	ssyncset.done $0x0  }
0x3b: {  	s16 =	sadd.s32 $0x1, s16;
	[sflag:s10] =	ssyncadd.s32 $0xFFFFC000  }
0x3c: {  	p1 =	sne.s32 s16, s9;
	s17 =	simm.s32 @!p0 $0x1C02;
	[bflag:$0x0] =	sbarrier.arrive $0xFFFF  }
0x3d: {  	[hbm:s8], [sflag:s17] =	dma.local @!p0 [spmem:s11], $0x27800  }
.Ltmp1:
0x3e: {  	_ = 	snop;
	(pc) =	sbr.rel @p1 .LBB2_1-.Ltmp1, $4  }
0x3f: {  	s17 =	simm.s32 @!p0 $0x2  }
0x40: {  	_ =	swait.ge @!p0 [sflag:s17], $0x27800  }
0x41: {  	[sflag:s17] =	ssyncset.done @!p0 $0x0  }
0x42: {  	[sflag:s17] =	ssyncadd.s32 @!p0 $0xFFFD8800  }
0x43: {  	_ =	sfence.sel $0x180000  }
0x44: {  	[bflag:$0x0] =	sbarrier.arrive $0xFFFF  }
0x45: {  	_ =	strace $0x9000004D  }
0x46: {  	s0 =	sadd.s32 @!p0 $0x100000, s0;
	[bflag:$0x2] =	sbarrier.arrive $0xFFFF  }
0x47: {  	[sflag:s0] =	ssyncadd.tile.s32 @!p0 $0x1;
	_ =	shalt  }
.Lfunc_end2:
_tile_overlayer_lowered:
.L_overlay_start_2:
0x48: {  	(tag) =	ssettag $0x2  }
0x49: {  	s0 =	rddreg [dreg:$0x0];
	s2 =	stileid.u32  }
0x4a: {  	s1 =	rddreg [dreg:$0x1];
	p0 =	sne.s32 s2, $0x0  }
0x4b: {  	s3 =	rddreg [dreg:$0x2];
	[bflag:$0x3] =	sbarrier.arrive $0xFFFF;
	s2 =	simm.s32 @!p0 $0x1C02  }
0x4c: {  	[timem:s3], [sflag:s2] =	dma.local @!p0 [hbm:s0], s1  }
0x4d: {  	s0 =	simm.s32 @!p0 $0x2  }
0x4e: {  	_ =	swait.ge @!p0 [sflag:s0], s1  }
0x4f: {  	s1 =	ssub.s32 @!p0 $0x0, s1;
	[sflag:s0] =	ssyncset.done @!p0 $0x0  }
0x50: {  	[sflag:s0] =	ssyncadd.s32 @!p0 s1  }
0x51: {  	[bflag:$0x3] =	sbarrier.arrive $0xFFFF  }
0x52: {  	_ =	shalt  }

// kernel: kernel.21.cloned.1.call-start
scs
__scs_entry_jumppad:
0x0: {  	(pc) =	sbr.rel $0x88, $3  }
0x1: {  	(tag) =	ssettag $0x0;
	lr =	simm.s32 $0x1  }
0x2: {  	[smem:$0x3F95] =	sst lr;
	_ =	strace $0xD0000000  }
0x3: {  	_ = 	snop  }
0x4: {  	_ = 	snop  }
0x5: {  	_ = 	snop  }
0x6: {  	_ = 	snop  }
0x7: {  	_ = 	snop  }
__scs_overlays_trampoline_lowered:
0x8: {  	[smem:$0x3FA4] =	sst s0  }
0x9: {  	[smem:$0x3FA5] =	sst s1  }
0xa: {  	[smem:$0x3FA6] =	sst s2  }
0xb: {  	[smem:$0x3FA7] =	sst s3  }
0xc: {  	[smem:$0x3FA8] =	sst s4  }
0xd: {  	[smem:$0x3FA9] =	sst s5  }
0xe: {  	[smem:$0x3FAA] =	sst s6  }
0xf: {  	[smem:$0x3FAB] =	sst s7  }
0x10: {  	[smem:$0x3FAC] =	sst s8  }
0x11: {  	[smem:$0x3FAD] =	sst s9;
	s0 =	simm.s32 @!p0 $0x0  }
0x12: {  	s1 =	sld [smem:$0x3F93];
	s0 =	simm.s32 @p0 $0x1  }
0x13: {  	[smem:$0x3FAE] =	sst s0;
	s0 =	simm.s32 @!p1 $0x0  }
0x14: {  	s2 =	sld [smem:$0x3F92];
	s0 =	simm.s32 @p1 $0x1  }
0x15: {  	[smem:$0x3FAF] =	sst s0;
	s0 =	simm.s32 @!p2 $0x0  }
0x16: {  	s3 =	sld [smem:$0x3FDB];
	s0 =	simm.s32 @p2 $0x1  }
0x17: {  	s4 =	simm.s32 $0x1BF5;
	[smem:$0x3FB1] =	sst s0  }
0x18: {  	s0 =	sld [smem:$0x3F94];
	_ =	swait.ge [sflag:s4], $0x0  }
0x19: {  	s7 =	sld [smem:$0x3F95]  }
0x1a: {  	s8 =	sadd.s32 $0xFFFFE003, lr  }
0x1b: {  	s9 =	sadd.s32 $0xFFFFFEF7, lr;
	s5 =	simm.s32 $0xFFFFFFFF;
	p2 =	slt.u32 s8, $0xFFFFF086  }
0x1c: {  	p1 =	slt.u32 s9, $0xF7A;
	s5 =	simm.s32 @!p2 $0x0  }
0x1d: {  	s5 =	simm.s32 @p1 $0x1;
	p0 =	seq.s32 s7, s2  }
0x1e: {  	s7 =	smul.u32 @!p0 $0xF7A, s2;
	p2 =	seq.s32 @!p0 s5, $0x0  }
0x1f: {  	s9 =	smul.u32 $0xF7A, s1;
	s8 =	simm.s32 @!p0 $0x1BF5;
	p2 =	por !p2, p0  }
0x20: {  	[sflag:s8] =	ssyncset.s32 @!p0 $0xFFFFF086;
	s6 =	sadd.s32 @!p0 s3, s7;
	s7 =	simm.s32 @!p0 $0x108  }
0x21: {  	s3 =	sadd.s32 s3, s9;
	s6 =	sadd.s32 @!p0 $0x88, s6;
	s7 =	simm.s32 @p2 $0x1082  }
0x22: {  	[simem:s7], [sflag:s8] =	dma.local @!p0 [hbm:s6], $0xF7A  }
0x23: {  	s9 =	sor.u32 $0xD0000000, s2;
	s6 =	simm.s32 $0x108;
	_ =	swait.ge @!p0 [sflag:s8], $0x0  }
0x24: {  	s3 =	sadd.s32 $0x88, s3;
	s6 =	simm.s32 @!p1 $0x1082;
	[sflag:s4] =	ssyncset.s32 $0xFFFFF086  }
0x25: {  	[simem:s6], [sflag:s4] =	dma.local [hbm:s3], $0xF7A  }
0x26: {  	[smem:$0x3F95] =	sst s1;
	(tag) =	ssettag s2;
	_ =	strace s9  }
0x27: {  	s1 =	sld [smem:$0x3FA5]  }
0x28: {  	s2 =	sld [smem:$0x3FA6]  }
0x29: {  	s4 =	sld [smem:$0x3FA8]  }
0x2a: {  	p0 =	seq.s32 s5, $0x0;
	s5 =	sld [smem:$0x3FA9]  }
0x2b: {  	s6 =	sld [smem:$0x3FAA]  }
0x2c: {  	s7 =	sld [smem:$0x3FAB]  }
0x2d: {  	s3 =	simm.s32 $0x108;
	s8 =	sld [smem:$0x3FAC]  }
0x2e: {  	s3 =	simm.s32 @!p0 $0x1082;
	s9 =	sld [smem:$0x3FAD]  }
0x2f: {  	lr =	sadd.s32 s0, s3;
	s0 =	sld [smem:$0x3FA4]  }
0x30: {  	s3 =	sld [smem:$0x3FA7]  }
0x31: {  	[smem:$0x3FB0] =	sst s10  }
0x32: {  	s10 =	sld [smem:$0x3FAE];
	_ =	sdelay $0x3  }
0x33: {  	p0 =	seq.s32 s10, $0x1;
	s10 =	sld [smem:$0x3FB0];
	_ =	sdelay $0x3  }
0x34: {  	[smem:$0x3FB0] =	sst s10  }
0x35: {  	s10 =	sld [smem:$0x3FAF];
	_ =	sdelay $0x3  }
0x36: {  	p1 =	seq.s32 s10, $0x1;
	s10 =	sld [smem:$0x3FB0];
	_ =	sdelay $0x3  }
0x37: {  	[smem:$0x3FB0] =	sst s10  }
0x38: {  	s10 =	sld [smem:$0x3FB1]  }
0x39: {  	_ = 	snop;
	(pc) =	sbr.ind lr, $3  }
0x3a: {  	_ = 	snop  }
0x3b: {  	_ = 	snop  }
0x3c: {  	p2 =	seq.s32 s10, $0x1;
	s10 =	sld [smem:$0x3FB0]  }
0x3d: {  	_ =	shalt  }
0x3e: {  	_ =	shalt  }
0x3f: {  	_ =	shalt  }
0x40: {  	_ =	shalt  }
0x41: {  	_ =	shalt  }
0x42: {  	_ =	shalt  }
0x43: {  	_ =	shalt  }
0x44: {  	_ =	shalt  }
0x45: {  	_ =	shalt  }
0x46: {  	_ =	shalt  }
0x47: {  	_ =	shalt  }
0x48: {  	_ =	shalt  }
0x49: {  	_ =	shalt  }
0x4a: {  	_ =	shalt  }
0x4b: {  	_ =	shalt  }
0x4c: {  	_ =	shalt  }
0x4d: {  	_ =	shalt  }
0x4e: {  	_ =	shalt  }
0x4f: {  	_ =	shalt  }
0x50: {  	_ =	shalt  }
0x51: {  	_ =	shalt  }
0x52: {  	_ =	shalt  }
0x53: {  	_ =	shalt  }
0x54: {  	_ =	shalt  }
0x55: {  	_ =	shalt  }
0x56: {  	_ =	shalt  }
0x57: {  	_ =	shalt  }
0x58: {  	_ =	shalt  }
0x59: {  	_ =	shalt  }
0x5a: {  	_ =	shalt  }
0x5b: {  	_ =	shalt  }
0x5c: {  	_ =	shalt  }
0x5d: {  	_ =	shalt  }
0x5e: {  	_ =	shalt  }
0x5f: {  	_ =	shalt  }
0x60: {  	_ =	shalt  }
0x61: {  	_ =	shalt  }
0x62: {  	_ =	shalt  }
0x63: {  	_ =	shalt  }
0x64: {  	_ =	shalt  }
0x65: {  	_ =	shalt  }
0x66: {  	_ =	shalt  }
0x67: {  	_ =	shalt  }
0x68: {  	_ =	shalt  }
0x69: {  	_ =	shalt  }
0x6a: {  	_ =	shalt  }
0x6b: {  	_ =	shalt  }
0x6c: {  	_ =	shalt  }
0x6d: {  	_ =	shalt  }
0x6e: {  	_ =	shalt  }
0x6f: {  	_ =	shalt  }
0x70: {  	_ =	shalt  }
0x71: {  	_ =	shalt  }
0x72: {  	_ =	shalt  }
0x73: {  	_ =	shalt  }
0x74: {  	_ =	shalt  }
0x75: {  	_ =	shalt  }
0x76: {  	_ =	shalt  }
0x77: {  	_ =	shalt  }
0x78: {  	_ =	shalt  }
0x79: {  	_ =	shalt  }
0x7a: {  	_ =	shalt  }
0x7b: {  	_ =	shalt  }
0x7c: {  	_ =	shalt  }
0x7d: {  	_ =	shalt  }
0x7e: {  	_ =	shalt  }
0x7f: {  	_ =	shalt  }
0x80: {  	_ =	shalt  }
0x81: {  	_ =	shalt  }
0x82: {  	_ =	shalt  }
0x83: {  	_ =	shalt  }
0x84: {  	_ =	shalt  }
0x85: {  	_ =	shalt  }
0x86: {  	_ =	shalt  }
0x87: {  	_ =	shalt  }
.Lfunc_end0:
.L_simem_size_0:
called_computation.2_lowered:
.L_overlay_start_0:
0x88: {  	s2 =	sld [smem:$0x3FD9]  }
0x89: {  	s3 =	sld [smem:$0x3FFE];
	_ =	sdelay $0x1  }
0x8a: {  	s1 =	srdreg.scid  }
0x8b: {  	s0 =	sand.u32 $0x1, s1  }
0x8c: {  	s17 =	sshll.u32 s0, $0xA;
	s2 =	sadd.s32 s3, s2  }
0x8d: {  	s2 =	sadd.s32 s2, s17  }
0x8e: {  	[smem:$0x3FBC] =	sst s2  }
0x8f: {  	_ = 	snop  }
0x90: {  	(tm) =	ssettm $0x1  }
0x91: {  	s18 =	sld [smem:$0x3FFB];
	_ =	sdelay $0x3  }
0x92: {  	_ =	strace s18  }
0x93: {  	s2 =	sld [smem:$0x3FFC];
	_ =	sdelay $0x3  }
0x94: {  	_ =	strace s2  }
0x95: {  	s2 =	sld [smem:$0x3FFD];
	_ =	sdelay $0x3  }
0x96: {  	_ =	strace s2  }
0x97: {  	_ =	strace $0x8FFFFFFF  }
0x98: {  	s19 =	sld [smem:$0x3FDB];
	_ =	sdelay $0x1  }
0x99: {  	s20 =	simm.s32 $_scs_section_size  }
0x9a: {  	s4 =	simm.s32 $_size__tile_overlayer_lowered;
	s5 =	simm.s32 $_tile_overlayer_lowered  }
0x9b: {  	s6 =	simm.s32 $0x1BFF;
	s21 =	sshll.u32 s5, $0x1;
	s3 =	sadd.s32 s20, s19  }
0x9c: {  	s22 =	simm.s32 $0x0;
	s4 =	sshll.u32 s4, $0x1;
	s5 =	sadd.s32 s21, s3  }
0x9d: {  	[timem:s22], [sflag:s6] =	dma.local [hbm:s5], s4  }
0x9e: {  	_ =	swait.ge [sflag:s6], s4  }
0x9f: {  	s4 =	ssub.s32 $0x0, s4;
	[sflag:s6] =	ssyncset.done $0x0  }
0xa0: {  	[sflag:s6] =	ssyncadd.s32 s4;
	_ =	sdelay $0x1  }
0xa1: {  	s23 =	simm.s32 $0x1B8B  }
0xa2: {  	_ =	swait.ge [sflag:s23], $0x1  }
0xa3: {  	[sflag:s23] =	ssyncset.done $0x0  }
0xa4: {  	[sflag:s23] =	ssyncadd.s32 $0xFFFFFFFF  }
0xa5: {  	s4 =	sld [smem:$0x0]  }
0xa6: {  	s5 =	sand.u32 $0xFFFFFFFE, s1  }
0xa7: {  	p0 =	sne.s32 s1, s5  }
0xa8: {  	s5 =	sshll.u32 @p0 s5, $0xE  }
0xa9: {  	s5 =	sadd.s32 @p0 $0x11B8D, s5;
	s6 =	sshll.u32 @p0 s4, $0x11  }
0xaa: {  	s5 =	sor.u32 @p0 s6, s5  }
0xab: {  	[sflag:s5] =	ssyncadd.remote.s32 @p0 $0x1;
	_ =	sdelay $0x1  }
0xac: {  	s5 =	simm.s32 @p0 $0x1B8D  }
0xad: {  	_ =	swait.eq @p0 [sflag:s5], $0x1  }
0xae: {  	[sflag:s5] =	ssyncadd.s32 @p0 $0xFFFFFFFF  }
0xaf: {  	s6 =	sshll.u32 @!p0 s1, $0xE  }
0xb0: {  	s6 =	sor.u32 @!p0 $0x4000, s6;
	s5 =	simm.s32 @!p0 $0x1B8D  }
0xb1: {  	s4 =	sshll.u32 @!p0 s4, $0x11;
	s6 =	sadd.s32 @!p0 $0x11B8D, s6;
	_ =	swait.eq @!p0 [sflag:s5], $0x1  }
0xb2: {  	s4 =	sor.u32 @!p0 s4, s6;
	[sflag:s5] =	ssyncadd.s32 @!p0 $0xFFFFFFFF  }
0xb3: {  	s25 =	simm.s32 $0x1B8E;
	s24 =	sld [smem:$0x3FFE];
	[sflag:s4] =	ssyncadd.remote.s32 @!p0 $0x1  }
0xb4: {  	s26 =	simm.s32 $execute0_lowered;
	[smem:$0x3FD2] =	sst s25  }
0xb5: {  	s5 =	sshll.u32 s26, $0x1;
	_ =	strace $0x80000052;
	[dreg:$0x1] =	wrdreg $0xFFFFFFFF  }
0xb6: {  	s28 =	simm.s32 $_size_execute0_lowered;
	s3 =	sadd.s32 s3, s5;
	[dreg:$0x0] =	wrdreg $0x0  }
0xb7: {  	s5 =	sshll.u32 s28, $0x1;
	[dreg:$0x2] =	wrdreg s3  }
0xb8: {  	[dreg:$0x3] =	wrdreg s5  }
0xb9: {  	[dreg:$0x4] =	wrdreg $0xC0  }
0xba: {  	_ =	task [dreg:s22], $0x5FFFF  }
0xbb: {  	[dreg:$0x1] =	wrdreg $0xFFFFFFFF  }
0xbc: {  	[dreg:$0x0] =	wrdreg $0x60  }
0xbd: {  	[dreg:$0x2] =	wrdreg s24  }
0xbe: {  	[dreg:$0x3] =	wrdreg $0x68800  }
0xbf: {  	[dreg:$0x4] =	wrdreg $0xA  }
0xc0: {  	_ =	task.clear_ibuf [dreg:s22], $0x5FFFF;
	_ =	strace $0x90000052  }
0xc1: {  	s29 =	simm.s32 $0xA;
	_ =	strace $0x80000054  }
0xc2: {  	_ =	swait.ge [sflag:s29], $0x1  }
0xc3: {  	[sflag:s29] =	ssyncadd.s32 $0xFFFFFFFF  }
0xc4: {  	_ =	strace $0x90000054  }
0xc5: {  	_ =	sfence  }
0xc6: {  	s30 =	sld [smem:$0x0];
	_ =	sdelay $0x2  }
0xc7: {  	s31 =	sshll.u32 s1, $0xD;
	s1 =	sshrl.u32 s1, $0x2  }
0xc8: {  	s4 =	sand.u32 $0x4000, s31;
	s1 =	sadd.s32 s1, s30  }
0xc9: {  	s0 =	sor.u32 s4, s0;
	s1 =	sshll.u32 s1, $0x11  }
0xca: {  	s0 =	sor.u32 s1, s0  }
0xcb: {  	s0 =	sadd.s32 $0x8F2B, s0  }
0xcc: {  	[sflag:s0] =	ssyncadd.remote.s32 $0x1  }
0xcd: {  	_ =	sfence.sel $0xFFFF  }
0xce: {  	[dreg:$0x0] =	wrdreg $0xFFFFFFFF;
	(pc) =	sbr.abs _section_cstart, $3  }
0xcf: {  	[dreg:$0x1] =	wrdreg $0xFFFFFFFF  }
0xd0: {  	_ =	task.clear_ibuf [dreg:s22], $0x2FFFF;
	_ =	strace $0x9FFFFFFF  }
0xd1: {  	(tm) =	ssettm $0x7FFFFFFF  }
tec
execute0_lowered:
.L_overlay_start_1:
0x0: {  	(tag) =	ssettag $0x1  }
0x1: {  	s7 =	rddreg [dreg:$0x0]  }
0x2: {  	s0 =	srdreg.scid;
	s1 =	rddreg [dreg:$0x1]  }
0x3: {  	s10 =	stileid.u32;
	s2 =	simm.s32 $0x0;
	s12 =	simm.s32 $0x80  }
0x4: {  	s13 =	simm.s32 $0x2880;
	s14 =	simm.s32 $0x1;
	s15 =	simm.s32 $0x2800  }
0x5: {  	s16 =	simm.s32 $0x0;
	s6 =	sand.u32 $0x1, s0;
	s0 =	rddreg [dreg:$0x2]  }
0x6: {  	s4 =	smul.u32 $0x2800, s10;
	[smem:$0x7FF] =	sst s2;
	p0 =	sne.s32 s10, $0x0  }
0x7: {  	s10 =	simm.s32 $0x2;
	s3 =	smul.u32 $0x28000, s6;
	_ =	strace $0x80000053  }
0x8: {  	s8 =	smul.u32 $0x27800, s6;
	s11 =	ssub.s32 $0x2, s6;
	s6 =	sadd.s32 $0x14E00, s7  }
0x9: {  	s31 =	sshrl.u32 s11, $0x1;
	s3 =	sadd.s32 s4, s3;
	s4 =	sadd.s32 $0x3C600, s7  }
0xa: {  	s8 =	sadd.s32 s8, s7;
	s11 =	ssub.s32 s11, s31;
	s5 =	sshrl.u32 s3, $0x3  }
0xb: {  	s8 =	sadd.s32 $0x164800, s8;
	s9 =	sadd.s32 s5, s7;
	s5 =	sadd.s32 $0xAE00, s7  }
0xc: {  	s7 =	sadd.s32 $0xE00, s9;
	s9 =	smax.u32 s11, $0x1;
	s11 =	sshrl.u32 @!p0 s1, $0x3  }
.LBB2_1:
0xd: {  	[tilespmem:s2], [sflag:$0x2] =	stream.linear.gather [hbm4b:s7+s2], $0x2780, $0x38;
	[tilespmem:$0x1A480] =	vst v63  }
0xe: {  	_ =	swait.ge [sflag:s10], $0x2780  }
0xf: {  	[sflag:s10] =	ssyncset.done $0x0  }
0x10: {  	s17 =	simm.s32 @!p0 $0x1C02;
	[sflag:s10] =	ssyncadd.s32 $0xFFFFD880  }
0x11: {  	[spmem:s11], [sflag:s17] =	dma.local @!p0 [hbm:s6], $0x27800  }
0x12: {  	s17 =	simm.s32 @!p0 $0x2  }
0x13: {  	_ =	swait.ge @!p0 [sflag:s17], $0x27800  }
0x14: {  	[sflag:s17] =	ssyncset.done @!p0 $0x0  }
0x15: {  	s31 =	sand.u32 $0x3C00, s2;
	[sflag:s17] =	ssyncadd.s32 @!p0 $0xFFFD8800  }
0x16: {  	s18 =	sand.u32 $0x380, s2;
	s17 =	sadd.s32 s3, s31;
	[bflag:$0x0] =	sbarrier.arrive $0xFFFF  }
0x17: {  	[tilespmem:s13], [sflag:$0x1] =	stream.indirect.gather [hbm4b:s4+s12], $0x80, s2, s12, $0xb8;
	[tilespmem:$0x1A480] =	vst v63  }
0x18: {  	s17 =	sor.u32 s18, s17;
	_ =	swait.ge [sflag:s14], $0x4000  }
0x19: {  	s17 =	sshrl.u32 s17, $0x3;
	[sflag:s14] =	ssyncset.done $0x0  }
0x1a: {  	s17 =	sadd.s32 s5, s17;
	[sflag:s14] =	ssyncadd.s32 $0xFFFFC000  }
0x1b: {  	[tilespmem:s15], [sflag:$0x2] =	stream.linear.gather [hbm4b:s17+s2], $0x80, $0x38;
	[tilespmem:$0x1A480] =	vst v63  }
0x1c: {  	_ =	swait.ge [sflag:s10], $0x80  }
0x1d: {  	s20 =	simm.s32 $0x100;
	s17 =	simm.s32 $0x80;
	[sflag:s10] =	ssyncset.done $0x0  }
0x1e: {  	s18 =	sand.u32 $0x3C00, s17;
	s19 =	sand.u32 $0x380, s17;
	[sflag:s10] =	ssyncadd.s32 $0xFFFFFF80  }
.LBB2_2:
0x1f: {  	[spmem:s1] =	stream.indirect.scatter.add.f32 [tilespmem:s13], [sflag:$0x2], $0x80, s15, s12, $0xb8;
	[tilespmem:$0x1A480] =	vst v63  }
0x20: {  	s21 =	smov.u32 s20  }
0x21: {  	s22 =	sadd.s32 s3, s18;
	s18 =	sand.u32 $0x3C00, s20;
	_ =	swait.ge [sflag:s10], $0x4000  }
0x22: {  	s23 =	sadd.s32 $0x80, s20;
	s19 =	sor.u32 s19, s22;
	[sflag:s10] =	ssyncset.done $0x0  }
0x23: {  	p1 =	sne.s32 s20, $0x2700;
	s19 =	sshrl.u32 s19, $0x3;
	[sflag:s10] =	ssyncadd.s32 $0xFFFFC000  }
0x24: {  	[tilespmem:s13], [sflag:$0x1] =	stream.indirect.gather [hbm4b:s4+s12], $0x80, s17, s12, $0xb8;
	[tilespmem:$0x1A480] =	vst v63  }
0x25: {  	_ =	swait.ge [sflag:s14], $0x4000  }
0x26: {  	s19 =	sadd.s32 s5, s19;
	[sflag:s14] =	ssyncset.done $0x0  }
.Ltmp0:
0x27: {  	[sflag:s14] =	ssyncadd.s32 $0xFFFFC000;
	(pc) =	sbr.rel @p1 .LBB2_2-.Ltmp0, $4  }
0x28: {  	[tilespmem:s15], [sflag:$0x2] =	stream.linear.gather [hbm4b:s19+s2], $0x80, $0x38;
	[tilespmem:$0x1A480] =	vst v63  }
0x29: {  	_ =	swait.ge [sflag:s10], $0x80  }
0x2a: {  	s20 =	smov.u32 s23;
	[sflag:s10] =	ssyncset.done $0x0  }
0x2b: {  	s17 =	sadd.s32 $0x80, s17;
	s19 =	sand.u32 $0x380, s21;
	[sflag:s10] =	ssyncadd.s32 $0xFFFFFF80  }
0x2c: {  	[spmem:s1] =	stream.indirect.scatter.add.f32 [tilespmem:s13], [sflag:$0x2], $0x80, s15, s12, $0xb8;
	[tilespmem:$0x1A480] =	vst v63  }
0x2d: {  	_ =	swait.ge [sflag:s10], $0x4000  }
0x2e: {  	[sflag:s10] =	ssyncset.done $0x0  }
0x2f: {  	s18 =	sadd.s32 s3, s18;
	[sflag:s10] =	ssyncadd.s32 $0xFFFFC000  }
0x30: {  	[tilespmem:s13], [sflag:$0x1] =	stream.indirect.gather [hbm4b:s4+s12], $0x80, s17, s12, $0xb8;
	[tilespmem:$0x1A480] =	vst v63  }
0x31: {  	s31 =	sor.u32 s19, s18;
	_ =	swait.ge [sflag:s14], $0x4000  }
0x32: {  	s17 =	sshrl.u32 s31, $0x3;
	[sflag:s14] =	ssyncset.done $0x0  }
0x33: {  	s17 =	sadd.s32 s5, s17;
	[sflag:s14] =	ssyncadd.s32 $0xFFFFC000  }
0x34: {  	[tilespmem:s15], [sflag:$0x2] =	stream.linear.gather [hbm4b:s17+s2], $0x80, $0x38;
	[tilespmem:$0x1A480] =	vst v63  }
0x35: {  	_ =	swait.ge [sflag:s10], $0x80  }
0x36: {  	[sflag:s10] =	ssyncset.done $0x0  }
0x37: {  	[sflag:s10] =	ssyncadd.s32 $0xFFFFFF80  }
0x38: {  	[spmem:s1] =	stream.indirect.scatter.add.f32 [tilespmem:s13], [sflag:$0x2], $0x80, s15, s12, $0xb8;
	[tilespmem:$0x1A480] =	vst v63  }
0x39: {  	_ =	swait.ge [sflag:s10], $0x4000  }
0x3a: {  	[sflag:s10] =	ssyncset.done $0x0  }
0x3b: {  	s16 =	sadd.s32 $0x1, s16;
	[sflag:s10] =	ssyncadd.s32 $0xFFFFC000  }
0x3c: {  	p1 =	sne.s32 s16, s9;
	s17 =	simm.s32 @!p0 $0x1C02;
	[bflag:$0x0] =	sbarrier.arrive $0xFFFF  }
0x3d: {  	[hbm:s8], [sflag:s17] =	dma.local @!p0 [spmem:s11], $0x27800  }
.Ltmp1:
0x3e: {  	_ = 	snop;
	(pc) =	sbr.rel @p1 .LBB2_1-.Ltmp1, $4  }
0x3f: {  	s17 =	simm.s32 @!p0 $0x2  }
0x40: {  	_ =	swait.ge @!p0 [sflag:s17], $0x27800  }
0x41: {  	[sflag:s17] =	ssyncset.done @!p0 $0x0  }
0x42: {  	[sflag:s17] =	ssyncadd.s32 @!p0 $0xFFFD8800  }
0x43: {  	_ =	sfence.sel $0x180000  }
0x44: {  	[bflag:$0x0] =	sbarrier.arrive $0xFFFF  }
0x45: {  	_ =	strace $0x90000053  }
0x46: {  	s0 =	sadd.s32 @!p0 $0x100000, s0;
	[bflag:$0x2] =	sbarrier.arrive $0xFFFF  }
0x47: {  	[sflag:s0] =	ssyncadd.tile.s32 @!p0 $0x1;
	_ =	shalt  }
.Lfunc_end2:
_tile_overlayer_lowered:
.L_overlay_start_2:
0x48: {  	(tag) =	ssettag $0x2  }
0x49: {  	s0 =	rddreg [dreg:$0x0];
	s2 =	stileid.u32  }
0x4a: {  	s1 =	rddreg [dreg:$0x1];
	p0 =	sne.s32 s2, $0x0  }
0x4b: {  	s3 =	rddreg [dreg:$0x2];
	[bflag:$0x3] =	sbarrier.arrive $0xFFFF;
	s2 =	simm.s32 @!p0 $0x1C02  }
0x4c: {  	[timem:s3], [sflag:s2] =	dma.local @!p0 [hbm:s0], s1  }
0x4d: {  	s0 =	simm.s32 @!p0 $0x2  }
0x4e: {  	_ =	swait.ge @!p0 [sflag:s0], s1  }
0x4f: {  	s1 =	ssub.s32 @!p0 $0x0, s1;
	[sflag:s0] =	ssyncset.done @!p0 $0x0  }
0x50: {  	[sflag:s0] =	ssyncadd.s32 @!p0 s1  }
0x51: {  	[bflag:$0x3] =	sbarrier.arrive $0xFFFF  }
0x52: {  	_ =	shalt  }

// kernel: kernel.24.cloned.1.call-start
scs
__scs_entry_jumppad:
0x0: {  	(pc) =	sbr.rel $0x88, $3  }
0x1: {  	(tag) =	ssettag $0x0;
	lr =	simm.s32 $0x1  }
0x2: {  	[smem:$0x3F95] =	sst lr;
	_ =	strace $0xD0000000  }
0x3: {  	_ = 	snop  }
0x4: {  	_ = 	snop  }
0x5: {  	_ = 	snop  }
0x6: {  	_ = 	snop  }
0x7: {  	_ = 	snop  }
__scs_overlays_trampoline_lowered:
0x8: {  	[smem:$0x3FA4] =	sst s0  }
0x9: {  	[smem:$0x3FA5] =	sst s1  }
0xa: {  	[smem:$0x3FA6] =	sst s2  }
0xb: {  	[smem:$0x3FA7] =	sst s3  }
0xc: {  	[smem:$0x3FA8] =	sst s4  }
0xd: {  	[smem:$0x3FA9] =	sst s5  }
0xe: {  	[smem:$0x3FAA] =	sst s6  }
0xf: {  	[smem:$0x3FAB] =	sst s7  }
0x10: {  	[smem:$0x3FAC] =	sst s8  }
0x11: {  	[smem:$0x3FAD] =	sst s9;
	s0 =	simm.s32 @!p0 $0x0  }
0x12: {  	s1 =	sld [smem:$0x3F93];
	s0 =	simm.s32 @p0 $0x1  }
0x13: {  	[smem:$0x3FAE] =	sst s0;
	s0 =	simm.s32 @!p1 $0x0  }
0x14: {  	s2 =	sld [smem:$0x3F92];
	s0 =	simm.s32 @p1 $0x1  }
0x15: {  	[smem:$0x3FAF] =	sst s0;
	s0 =	simm.s32 @!p2 $0x0  }
0x16: {  	s3 =	sld [smem:$0x3FDB];
	s0 =	simm.s32 @p2 $0x1  }
0x17: {  	s4 =	simm.s32 $0x1BF5;
	[smem:$0x3FB1] =	sst s0  }
0x18: {  	s0 =	sld [smem:$0x3F94];
	_ =	swait.ge [sflag:s4], $0x0  }
0x19: {  	s7 =	sld [smem:$0x3F95]  }
0x1a: {  	s8 =	sadd.s32 $0xFFFFE003, lr  }
0x1b: {  	s9 =	sadd.s32 $0xFFFFFEF7, lr;
	s5 =	simm.s32 $0xFFFFFFFF;
	p2 =	slt.u32 s8, $0xFFFFF086  }
0x1c: {  	p1 =	slt.u32 s9, $0xF7A;
	s5 =	simm.s32 @!p2 $0x0  }
0x1d: {  	s5 =	simm.s32 @p1 $0x1;
	p0 =	seq.s32 s7, s2  }
0x1e: {  	s7 =	smul.u32 @!p0 $0xF7A, s2;
	p2 =	seq.s32 @!p0 s5, $0x0  }
0x1f: {  	s9 =	smul.u32 $0xF7A, s1;
	s8 =	simm.s32 @!p0 $0x1BF5;
	p2 =	por !p2, p0  }
0x20: {  	[sflag:s8] =	ssyncset.s32 @!p0 $0xFFFFF086;
	s6 =	sadd.s32 @!p0 s3, s7;
	s7 =	simm.s32 @!p0 $0x108  }
0x21: {  	s3 =	sadd.s32 s3, s9;
	s6 =	sadd.s32 @!p0 $0x88, s6;
	s7 =	simm.s32 @p2 $0x1082  }
0x22: {  	[simem:s7], [sflag:s8] =	dma.local @!p0 [hbm:s6], $0xF7A  }
0x23: {  	s9 =	sor.u32 $0xD0000000, s2;
	s6 =	simm.s32 $0x108;
	_ =	swait.ge @!p0 [sflag:s8], $0x0  }
0x24: {  	s3 =	sadd.s32 $0x88, s3;
	s6 =	simm.s32 @!p1 $0x1082;
	[sflag:s4] =	ssyncset.s32 $0xFFFFF086  }
0x25: {  	[simem:s6], [sflag:s4] =	dma.local [hbm:s3], $0xF7A  }
0x26: {  	[smem:$0x3F95] =	sst s1;
	(tag) =	ssettag s2;
	_ =	strace s9  }
0x27: {  	s1 =	sld [smem:$0x3FA5]  }
0x28: {  	s2 =	sld [smem:$0x3FA6]  }
0x29: {  	s4 =	sld [smem:$0x3FA8]  }
0x2a: {  	p0 =	seq.s32 s5, $0x0;
	s5 =	sld [smem:$0x3FA9]  }
0x2b: {  	s6 =	sld [smem:$0x3FAA]  }
0x2c: {  	s7 =	sld [smem:$0x3FAB]  }
0x2d: {  	s3 =	simm.s32 $0x108;
	s8 =	sld [smem:$0x3FAC]  }
0x2e: {  	s3 =	simm.s32 @!p0 $0x1082;
	s9 =	sld [smem:$0x3FAD]  }
0x2f: {  	lr =	sadd.s32 s0, s3;
	s0 =	sld [smem:$0x3FA4]  }
0x30: {  	s3 =	sld [smem:$0x3FA7]  }
0x31: {  	[smem:$0x3FB0] =	sst s10  }
0x32: {  	s10 =	sld [smem:$0x3FAE];
	_ =	sdelay $0x3  }
0x33: {  	p0 =	seq.s32 s10, $0x1;
	s10 =	sld [smem:$0x3FB0];
	_ =	sdelay $0x3  }
0x34: {  	[smem:$0x3FB0] =	sst s10  }
0x35: {  	s10 =	sld [smem:$0x3FAF];
	_ =	sdelay $0x3  }
0x36: {  	p1 =	seq.s32 s10, $0x1;
	s10 =	sld [smem:$0x3FB0];
	_ =	sdelay $0x3  }
0x37: {  	[smem:$0x3FB0] =	sst s10  }
0x38: {  	s10 =	sld [smem:$0x3FB1]  }
0x39: {  	_ = 	snop;
	(pc) =	sbr.ind lr, $3  }
0x3a: {  	_ = 	snop  }
0x3b: {  	_ = 	snop  }
0x3c: {  	p2 =	seq.s32 s10, $0x1;
	s10 =	sld [smem:$0x3FB0]  }
0x3d: {  	_ =	shalt  }
0x3e: {  	_ =	shalt  }
0x3f: {  	_ =	shalt  }
0x40: {  	_ =	shalt  }
0x41: {  	_ =	shalt  }
0x42: {  	_ =	shalt  }
0x43: {  	_ =	shalt  }
0x44: {  	_ =	shalt  }
0x45: {  	_ =	shalt  }
0x46: {  	_ =	shalt  }
0x47: {  	_ =	shalt  }
0x48: {  	_ =	shalt  }
0x49: {  	_ =	shalt  }
0x4a: {  	_ =	shalt  }
0x4b: {  	_ =	shalt  }
0x4c: {  	_ =	shalt  }
0x4d: {  	_ =	shalt  }
0x4e: {  	_ =	shalt  }
0x4f: {  	_ =	shalt  }
0x50: {  	_ =	shalt  }
0x51: {  	_ =	shalt  }
0x52: {  	_ =	shalt  }
0x53: {  	_ =	shalt  }
0x54: {  	_ =	shalt  }
0x55: {  	_ =	shalt  }
0x56: {  	_ =	shalt  }
0x57: {  	_ =	shalt  }
0x58: {  	_ =	shalt  }
0x59: {  	_ =	shalt  }
0x5a: {  	_ =	shalt  }
0x5b: {  	_ =	shalt  }
0x5c: {  	_ =	shalt  }
0x5d: {  	_ =	shalt  }
0x5e: {  	_ =	shalt  }
0x5f: {  	_ =	shalt  }
0x60: {  	_ =	shalt  }
0x61: {  	_ =	shalt  }
0x62: {  	_ =	shalt  }
0x63: {  	_ =	shalt  }
0x64: {  	_ =	shalt  }
0x65: {  	_ =	shalt  }
0x66: {  	_ =	shalt  }
0x67: {  	_ =	shalt  }
0x68: {  	_ =	shalt  }
0x69: {  	_ =	shalt  }
0x6a: {  	_ =	shalt  }
0x6b: {  	_ =	shalt  }
0x6c: {  	_ =	shalt  }
0x6d: {  	_ =	shalt  }
0x6e: {  	_ =	shalt  }
0x6f: {  	_ =	shalt  }
0x70: {  	_ =	shalt  }
0x71: {  	_ =	shalt  }
0x72: {  	_ =	shalt  }
0x73: {  	_ =	shalt  }
0x74: {  	_ =	shalt  }
0x75: {  	_ =	shalt  }
0x76: {  	_ =	shalt  }
0x77: {  	_ =	shalt  }
0x78: {  	_ =	shalt  }
0x79: {  	_ =	shalt  }
0x7a: {  	_ =	shalt  }
0x7b: {  	_ =	shalt  }
0x7c: {  	_ =	shalt  }
0x7d: {  	_ =	shalt  }
0x7e: {  	_ =	shalt  }
0x7f: {  	_ =	shalt  }
0x80: {  	_ =	shalt  }
0x81: {  	_ =	shalt  }
0x82: {  	_ =	shalt  }
0x83: {  	_ =	shalt  }
0x84: {  	_ =	shalt  }
0x85: {  	_ =	shalt  }
0x86: {  	_ =	shalt  }
0x87: {  	_ =	shalt  }
.Lfunc_end0:
.L_simem_size_0:
called_computation.3_lowered:
.L_overlay_start_0:
0x88: {  	s2 =	sld [smem:$0x3FD9]  }
0x89: {  	s3 =	sld [smem:$0x3FFE];
	_ =	sdelay $0x1  }
0x8a: {  	s1 =	srdreg.scid  }
0x8b: {  	s0 =	sand.u32 $0x1, s1  }
0x8c: {  	s17 =	sshll.u32 s0, $0xA;
	s2 =	sadd.s32 s3, s2  }
0x8d: {  	s2 =	sadd.s32 s2, s17  }
0x8e: {  	[smem:$0x3FBC] =	sst s2  }
0x8f: {  	_ = 	snop  }
0x90: {  	s18 =	sld [smem:$0x3FC9];
	(tm) =	ssettm $0x1  }
0x91: {  	s19 =	sld [smem:$0x3FFB];
	_ =	sdelay $0x3  }
0x92: {  	_ =	strace s19  }
0x93: {  	s2 =	sld [smem:$0x3FFC];
	_ =	sdelay $0x3  }
0x94: {  	_ =	strace s2  }
0x95: {  	s2 =	sld [smem:$0x3FFD];
	_ =	sdelay $0x3  }
0x96: {  	_ =	strace s2  }
0x97: {  	_ =	strace $0x8FFFFFFF  }
0x98: {  	s20 =	sld [smem:$0x3FDB];
	_ =	sdelay $0x1  }
0x99: {  	s4 =	simm.s32 $_scs_section_size  }
0x9a: {  	s5 =	simm.s32 $_size__tile_overlayer_lowered;
	s6 =	simm.s32 $_tile_overlayer_lowered  }
0x9b: {  	s7 =	simm.s32 $0x1BFF;
	s21 =	sshll.u32 s6, $0x1;
	s4 =	sadd.s32 s4, s20  }
0x9c: {  	s22 =	simm.s32 $0x0;
	s5 =	sshll.u32 s5, $0x1;
	s6 =	sadd.s32 s21, s4  }
0x9d: {  	[timem:s22], [sflag:s7] =	dma.local [hbm:s6], s5  }
0x9e: {  	_ =	swait.ge [sflag:s7], s5  }
0x9f: {  	s5 =	ssub.s32 $0x0, s5;
	[sflag:s7] =	ssyncset.done $0x0  }
0xa0: {  	[sflag:s7] =	ssyncadd.s32 s5;
	_ =	sdelay $0x1  }
0xa1: {  	s23 =	simm.s32 $0x1B8B  }
0xa2: {  	_ =	swait.ge [sflag:s23], $0x1  }
0xa3: {  	[sflag:s23] =	ssyncset.done $0x0  }
0xa4: {  	[sflag:s23] =	ssyncadd.s32 $0xFFFFFFFF  }
0xa5: {  	s5 =	sld [smem:$0x0]  }
0xa6: {  	s6 =	sand.u32 $0xFFFFFFFE, s1  }
0xa7: {  	p0 =	sne.s32 s1, s6  }
0xa8: {  	s6 =	sshll.u32 @p0 s6, $0xE  }
0xa9: {  	s6 =	sadd.s32 @p0 $0x11B8D, s6;
	s7 =	sshll.u32 @p0 s5, $0x11  }
0xaa: {  	s6 =	sor.u32 @p0 s7, s6  }
0xab: {  	[sflag:s6] =	ssyncadd.remote.s32 @p0 $0x1;
	_ =	sdelay $0x1  }
0xac: {  	s6 =	simm.s32 @p0 $0x1B8D  }
0xad: {  	_ =	swait.eq @p0 [sflag:s6], $0x1  }
0xae: {  	[sflag:s6] =	ssyncadd.s32 @p0 $0xFFFFFFFF  }
0xaf: {  	s7 =	sshll.u32 @!p0 s1, $0xE  }
0xb0: {  	s7 =	sor.u32 @!p0 $0x4000, s7;
	s6 =	simm.s32 @!p0 $0x1B8D  }
0xb1: {  	s5 =	sshll.u32 @!p0 s5, $0x11;
	s7 =	sadd.s32 @!p0 $0x11B8D, s7;
	_ =	swait.eq @!p0 [sflag:s6], $0x1  }
0xb2: {  	s5 =	sor.u32 @!p0 s5, s7;
	[sflag:s6] =	ssyncadd.s32 @!p0 $0xFFFFFFFF  }
0xb3: {  	s25 =	simm.s32 $0x1B8E;
	s24 =	sld [smem:$0x3FFE];
	[sflag:s5] =	ssyncadd.remote.s32 @!p0 $0x1  }
0xb4: {  	s26 =	simm.s32 $execute0_lowered;
	[smem:$0x3FD2] =	sst s25  }
0xb5: {  	s6 =	sshll.u32 s26, $0x1;
	_ =	strace $0x80000049;
	[dreg:$0x1] =	wrdreg $0xFFFFFFFF  }
0xb6: {  	s28 =	simm.s32 $_size_execute0_lowered;
	s4 =	sadd.s32 s4, s6;
	[dreg:$0x0] =	wrdreg $0x0  }
0xb7: {  	s6 =	sshll.u32 s28, $0x1;
	[dreg:$0x2] =	wrdreg s4  }
0xb8: {  	[dreg:$0x3] =	wrdreg s6  }
0xb9: {  	[dreg:$0x4] =	wrdreg $0xC0  }
0xba: {  	_ =	task [dreg:s22], $0x5FFFF  }
0xbb: {  	[dreg:$0x1] =	wrdreg $0xFFFFFFFF  }
0xbc: {  	[dreg:$0x0] =	wrdreg $0x60  }
0xbd: {  	[dreg:$0x2] =	wrdreg s18  }
0xbe: {  	[dreg:$0x3] =	wrdreg s24  }
0xbf: {  	[dreg:$0x4] =	wrdreg $0x68800  }
0xc0: {  	[dreg:$0x5] =	wrdreg $0xB  }
0xc1: {  	_ =	task.clear_ibuf [dreg:s22], $0x6FFFF;
	_ =	strace $0x90000049  }
0xc2: {  	s29 =	simm.s32 $0xB;
	_ =	strace $0x8000004B  }
0xc3: {  	_ =	swait.ge [sflag:s29], $0x1  }
0xc4: {  	[sflag:s29] =	ssyncadd.s32 $0xFFFFFFFF  }
0xc5: {  	_ =	strace $0x9000004B  }
0xc6: {  	_ =	sfence  }
0xc7: {  	s30 =	sld [smem:$0x0];
	_ =	sdelay $0x2  }
0xc8: {  	s31 =	sshll.u32 s1, $0xD;
	s1 =	sshrl.u32 s1, $0x2  }
0xc9: {  	s4 =	sand.u32 $0x4000, s31;
	s1 =	sadd.s32 s1, s30  }
0xca: {  	s0 =	sor.u32 s4, s0;
	s1 =	sshll.u32 s1, $0x11  }
0xcb: {  	s0 =	sor.u32 s1, s0  }
0xcc: {  	s0 =	sadd.s32 $0x8F2B, s0  }
0xcd: {  	[sflag:s0] =	ssyncadd.remote.s32 $0x1  }
0xce: {  	_ =	sfence.sel $0xFFFF  }
0xcf: {  	[dreg:$0x0] =	wrdreg $0xFFFFFFFF;
	(pc) =	sbr.abs _section_cstart, $3  }
0xd0: {  	[dreg:$0x1] =	wrdreg $0xFFFFFFFF  }
0xd1: {  	_ =	task.clear_ibuf [dreg:s22], $0x2FFFF;
	_ =	strace $0x9FFFFFFF  }
0xd2: {  	(tm) =	ssettm $0x7FFFFFFF  }
0xd3: {  	_ =	shalt  }
tec
execute0_lowered:
.L_overlay_start_1:
0x0: {  	(tag) =	ssettag $0x1  }
0x1: {  	s0 =	rddreg [dreg:$0x0]  }
0x2: {  	s1 =	srdreg.scid;
	s7 =	rddreg [dreg:$0x1]  }
0x3: {  	s10 =	stileid.u32;
	s2 =	rddreg [dreg:$0x2];
	s3 =	simm.s32 $0x0  }
0x4: {  	s12 =	simm.s32 $0x80;
	s13 =	simm.s32 $0x2880;
	s14 =	simm.s32 $0x1  }
0x5: {  	s15 =	simm.s32 $0x2800;
	s6 =	sand.u32 $0x1, s1;
	s1 =	rddreg [dreg:$0x3]  }
0x6: {  	s16 =	simm.s32 $0x0;
	s5 =	smul.u32 $0x2800, s10;
	[smem:$0x7FF] =	sst s3  }
0x7: {  	p0 =	sne.s32 s10, $0x0;
	s10 =	simm.s32 $0x2;
	s4 =	smul.u32 $0x28000, s6  }
0x8: {  	_ =	strace $0x8000004A;
	s8 =	smul.u32 $0x27800, s6;
	s11 =	ssub.s32 $0x2, s6  }
0x9: {  	s6 =	sadd.s32 $0x14E00, s7;
	s31 =	sshrl.u32 s11, $0x1;
	s4 =	sadd.s32 s5, s4  }
0xa: {  	s8 =	sadd.s32 s8, s7;
	s11 =	ssub.s32 s11, s31;
	s5 =	sshrl.u32 s4, $0x3  }
0xb: {  	s8 =	sadd.s32 $0xB2800, s8;
	s9 =	sadd.s32 s5, s7;
	s5 =	sadd.s32 $0xAE00, s7  }
0xc: {  	s7 =	sadd.s32 $0xE00, s9;
	s9 =	smax.u32 s11, $0x1;
	s11 =	sshrl.u32 @!p0 s2, $0x3  }
.LBB2_1:
0xd: {  	[tilespmem:s3], [sflag:$0x2] =	stream.linear.gather [hbm4b:s7+s3], $0x2780, $0x38;
	[tilespmem:$0x1A480] =	vst v63  }
0xe: {  	_ =	swait.ge [sflag:s10], $0x2780  }
0xf: {  	[sflag:s10] =	ssyncset.done $0x0  }
0x10: {  	s17 =	simm.s32 @!p0 $0x1C02;
	[sflag:s10] =	ssyncadd.s32 $0xFFFFD880  }
0x11: {  	[spmem:s11], [sflag:s17] =	dma.local @!p0 [hbm:s6], $0x27800  }
0x12: {  	s17 =	simm.s32 @!p0 $0x2  }
0x13: {  	_ =	swait.ge @!p0 [sflag:s17], $0x27800  }
0x14: {  	[sflag:s17] =	ssyncset.done @!p0 $0x0  }
0x15: {  	s31 =	sand.u32 $0x3C00, s3;
	[sflag:s17] =	ssyncadd.s32 @!p0 $0xFFFD8800  }
0x16: {  	s18 =	sand.u32 $0x380, s3;
	s17 =	sadd.s32 s4, s31;
	[bflag:$0x0] =	sbarrier.arrive $0xFFFF  }
0x17: {  	[tilespmem:s13], [sflag:$0x1] =	stream.indirect.gather [hbm4b:s0+s12], $0x80, s3, s12, $0xb8;
	[tilespmem:$0x1A480] =	vst v63  }
0x18: {  	s17 =	sor.u32 s18, s17;
	_ =	swait.ge [sflag:s14], $0x4000  }
0x19: {  	s17 =	sshrl.u32 s17, $0x3;
	[sflag:s14] =	ssyncset.done $0x0  }
0x1a: {  	s17 =	sadd.s32 s5, s17;
	[sflag:s14] =	ssyncadd.s32 $0xFFFFC000  }
0x1b: {  	[tilespmem:s15], [sflag:$0x2] =	stream.linear.gather [hbm4b:s17+s3], $0x80, $0x38;
	[tilespmem:$0x1A480] =	vst v63  }
0x1c: {  	_ =	swait.ge [sflag:s10], $0x80  }
0x1d: {  	s20 =	simm.s32 $0x100;
	s17 =	simm.s32 $0x80;
	[sflag:s10] =	ssyncset.done $0x0  }
0x1e: {  	s18 =	sand.u32 $0x3C00, s17;
	s19 =	sand.u32 $0x380, s17;
	[sflag:s10] =	ssyncadd.s32 $0xFFFFFF80  }
.LBB2_2:
0x1f: {  	[spmem:s2] =	stream.indirect.scatter.add.f32 [tilespmem:s13], [sflag:$0x2], $0x80, s15, s12, $0xb8;
	[tilespmem:$0x1A480] =	vst v63  }
0x20: {  	s21 =	smov.u32 s20  }
0x21: {  	s22 =	sadd.s32 s4, s18;
	s18 =	sand.u32 $0x3C00, s20;
	_ =	swait.ge [sflag:s10], $0x4000  }
0x22: {  	s23 =	sadd.s32 $0x80, s20;
	s19 =	sor.u32 s19, s22;
	[sflag:s10] =	ssyncset.done $0x0  }
0x23: {  	p1 =	sne.s32 s20, $0x2700;
	s19 =	sshrl.u32 s19, $0x3;
	[sflag:s10] =	ssyncadd.s32 $0xFFFFC000  }
0x24: {  	[tilespmem:s13], [sflag:$0x1] =	stream.indirect.gather [hbm4b:s0+s12], $0x80, s17, s12, $0xb8;
	[tilespmem:$0x1A480] =	vst v63  }
0x25: {  	_ =	swait.ge [sflag:s14], $0x4000  }
0x26: {  	s19 =	sadd.s32 s5, s19;
	[sflag:s14] =	ssyncset.done $0x0  }
.Ltmp0:
0x27: {  	[sflag:s14] =	ssyncadd.s32 $0xFFFFC000;
	(pc) =	sbr.rel @p1 .LBB2_2-.Ltmp0, $4  }
0x28: {  	[tilespmem:s15], [sflag:$0x2] =	stream.linear.gather [hbm4b:s19+s3], $0x80, $0x38;
	[tilespmem:$0x1A480] =	vst v63  }
0x29: {  	_ =	swait.ge [sflag:s10], $0x80  }
0x2a: {  	s20 =	smov.u32 s23;
	[sflag:s10] =	ssyncset.done $0x0  }
0x2b: {  	s17 =	sadd.s32 $0x80, s17;
	s19 =	sand.u32 $0x380, s21;
	[sflag:s10] =	ssyncadd.s32 $0xFFFFFF80  }
0x2c: {  	[spmem:s2] =	stream.indirect.scatter.add.f32 [tilespmem:s13], [sflag:$0x2], $0x80, s15, s12, $0xb8;
	[tilespmem:$0x1A480] =	vst v63  }
0x2d: {  	_ =	swait.ge [sflag:s10], $0x4000  }
0x2e: {  	[sflag:s10] =	ssyncset.done $0x0  }
0x2f: {  	s18 =	sadd.s32 s4, s18;
	[sflag:s10] =	ssyncadd.s32 $0xFFFFC000  }
0x30: {  	[tilespmem:s13], [sflag:$0x1] =	stream.indirect.gather [hbm4b:s0+s12], $0x80, s17, s12, $0xb8;
	[tilespmem:$0x1A480] =	vst v63  }
0x31: {  	s31 =	sor.u32 s19, s18;
	_ =	swait.ge [sflag:s14], $0x4000  }
0x32: {  	s17 =	sshrl.u32 s31, $0x3;
	[sflag:s14] =	ssyncset.done $0x0  }
0x33: {  	s17 =	sadd.s32 s5, s17;
	[sflag:s14] =	ssyncadd.s32 $0xFFFFC000  }
0x34: {  	[tilespmem:s15], [sflag:$0x2] =	stream.linear.gather [hbm4b:s17+s3], $0x80, $0x38;
	[tilespmem:$0x1A480] =	vst v63  }
0x35: {  	_ =	swait.ge [sflag:s10], $0x80  }
0x36: {  	[sflag:s10] =	ssyncset.done $0x0  }
0x37: {  	[sflag:s10] =	ssyncadd.s32 $0xFFFFFF80  }
0x38: {  	[spmem:s2] =	stream.indirect.scatter.add.f32 [tilespmem:s13], [sflag:$0x2], $0x80, s15, s12, $0xb8;
	[tilespmem:$0x1A480] =	vst v63  }
0x39: {  	_ =	swait.ge [sflag:s10], $0x4000  }
0x3a: {  	[sflag:s10] =	ssyncset.done $0x0  }
0x3b: {  	s16 =	sadd.s32 $0x1, s16;
	[sflag:s10] =	ssyncadd.s32 $0xFFFFC000  }
0x3c: {  	p1 =	sne.s32 s16, s9;
	s17 =	simm.s32 @!p0 $0x1C02;
	[bflag:$0x0] =	sbarrier.arrive $0xFFFF  }
0x3d: {  	[hbm:s8], [sflag:s17] =	dma.local @!p0 [spmem:s11], $0x27800  }
.Ltmp1:
0x3e: {  	_ = 	snop;
	(pc) =	sbr.rel @p1 .LBB2_1-.Ltmp1, $4  }
0x3f: {  	s17 =	simm.s32 @!p0 $0x2  }
0x40: {  	_ =	swait.ge @!p0 [sflag:s17], $0x27800  }
0x41: {  	[sflag:s17] =	ssyncset.done @!p0 $0x0  }
0x42: {  	[sflag:s17] =	ssyncadd.s32 @!p0 $0xFFFD8800  }
0x43: {  	_ =	sfence.sel $0x180000  }
0x44: {  	[bflag:$0x0] =	sbarrier.arrive $0xFFFF  }
0x45: {  	_ =	strace $0x9000004A  }
0x46: {  	s0 =	sadd.s32 @!p0 $0x100000, s1;
	[bflag:$0x2] =	sbarrier.arrive $0xFFFF  }
0x47: {  	[sflag:s0] =	ssyncadd.tile.s32 @!p0 $0x1;
	_ =	shalt  }
.Lfunc_end2:
_tile_overlayer_lowered:
.L_overlay_start_2:
0x48: {  	(tag) =	ssettag $0x2  }
0x49: {  	s0 =	rddreg [dreg:$0x0];
	s2 =	stileid.u32  }
0x4a: {  	s1 =	rddreg [dreg:$0x1];
	p0 =	sne.s32 s2, $0x0  }
0x4b: {  	s3 =	rddreg [dreg:$0x2];
	[bflag:$0x3] =	sbarrier.arrive $0xFFFF;
	s2 =	simm.s32 @!p0 $0x1C02  }
0x4c: {  	[timem:s3], [sflag:s2] =	dma.local @!p0 [hbm:s0], s1  }
0x4d: {  	s0 =	simm.s32 @!p0 $0x2  }
0x4e: {  	_ =	swait.ge @!p0 [sflag:s0], s1  }
0x4f: {  	s1 =	ssub.s32 @!p0 $0x0, s1;
	[sflag:s0] =	ssyncset.done @!p0 $0x0  }
0x50: {  	[sflag:s0] =	ssyncadd.s32 @!p0 s1  }
0x51: {  	[bflag:$0x3] =	sbarrier.arrive $0xFFFF  }
0x52: {  	_ =	shalt  }

// kernel: kernel.27.cloned.1.call-start
scs
__scs_entry_jumppad:
0x0: {  	(pc) =	sbr.rel $0x88, $3  }
0x1: {  	(tag) =	ssettag $0x0;
	lr =	simm.s32 $0x1  }
0x2: {  	[smem:$0x3F95] =	sst lr;
	_ =	strace $0xD0000000  }
0x3: {  	_ = 	snop  }
0x4: {  	_ = 	snop  }
0x5: {  	_ = 	snop  }
0x6: {  	_ = 	snop  }
0x7: {  	_ = 	snop  }
__scs_overlays_trampoline_lowered:
0x8: {  	[smem:$0x3FA4] =	sst s0  }
0x9: {  	[smem:$0x3FA5] =	sst s1  }
0xa: {  	[smem:$0x3FA6] =	sst s2  }
0xb: {  	[smem:$0x3FA7] =	sst s3  }
0xc: {  	[smem:$0x3FA8] =	sst s4  }
0xd: {  	[smem:$0x3FA9] =	sst s5  }
0xe: {  	[smem:$0x3FAA] =	sst s6  }
0xf: {  	[smem:$0x3FAB] =	sst s7  }
0x10: {  	[smem:$0x3FAC] =	sst s8  }
0x11: {  	[smem:$0x3FAD] =	sst s9;
	s0 =	simm.s32 @!p0 $0x0  }
0x12: {  	s1 =	sld [smem:$0x3F93];
	s0 =	simm.s32 @p0 $0x1  }
0x13: {  	[smem:$0x3FAE] =	sst s0;
	s0 =	simm.s32 @!p1 $0x0  }
0x14: {  	s2 =	sld [smem:$0x3F92];
	s0 =	simm.s32 @p1 $0x1  }
0x15: {  	[smem:$0x3FAF] =	sst s0;
	s0 =	simm.s32 @!p2 $0x0  }
0x16: {  	s3 =	sld [smem:$0x3FDB];
	s0 =	simm.s32 @p2 $0x1  }
0x17: {  	s4 =	simm.s32 $0x1BF5;
	[smem:$0x3FB1] =	sst s0  }
0x18: {  	s0 =	sld [smem:$0x3F94];
	_ =	swait.ge [sflag:s4], $0x0  }
0x19: {  	s7 =	sld [smem:$0x3F95]  }
0x1a: {  	s8 =	sadd.s32 $0xFFFFE003, lr  }
0x1b: {  	s9 =	sadd.s32 $0xFFFFFEF7, lr;
	s5 =	simm.s32 $0xFFFFFFFF;
	p2 =	slt.u32 s8, $0xFFFFF086  }
0x1c: {  	p1 =	slt.u32 s9, $0xF7A;
	s5 =	simm.s32 @!p2 $0x0  }
0x1d: {  	s5 =	simm.s32 @p1 $0x1;
	p0 =	seq.s32 s7, s2  }
0x1e: {  	s7 =	smul.u32 @!p0 $0xF7A, s2;
	p2 =	seq.s32 @!p0 s5, $0x0  }
0x1f: {  	s9 =	smul.u32 $0xF7A, s1;
	s8 =	simm.s32 @!p0 $0x1BF5;
	p2 =	por !p2, p0  }
0x20: {  	[sflag:s8] =	ssyncset.s32 @!p0 $0xFFFFF086;
	s6 =	sadd.s32 @!p0 s3, s7;
	s7 =	simm.s32 @!p0 $0x108  }
0x21: {  	s3 =	sadd.s32 s3, s9;
	s6 =	sadd.s32 @!p0 $0x88, s6;
	s7 =	simm.s32 @p2 $0x1082  }
0x22: {  	[simem:s7], [sflag:s8] =	dma.local @!p0 [hbm:s6], $0xF7A  }
0x23: {  	s9 =	sor.u32 $0xD0000000, s2;
	s6 =	simm.s32 $0x108;
	_ =	swait.ge @!p0 [sflag:s8], $0x0  }
0x24: {  	s3 =	sadd.s32 $0x88, s3;
	s6 =	simm.s32 @!p1 $0x1082;
	[sflag:s4] =	ssyncset.s32 $0xFFFFF086  }
0x25: {  	[simem:s6], [sflag:s4] =	dma.local [hbm:s3], $0xF7A  }
0x26: {  	[smem:$0x3F95] =	sst s1;
	(tag) =	ssettag s2;
	_ =	strace s9  }
0x27: {  	s1 =	sld [smem:$0x3FA5]  }
0x28: {  	s2 =	sld [smem:$0x3FA6]  }
0x29: {  	s4 =	sld [smem:$0x3FA8]  }
0x2a: {  	p0 =	seq.s32 s5, $0x0;
	s5 =	sld [smem:$0x3FA9]  }
0x2b: {  	s6 =	sld [smem:$0x3FAA]  }
0x2c: {  	s7 =	sld [smem:$0x3FAB]  }
0x2d: {  	s3 =	simm.s32 $0x108;
	s8 =	sld [smem:$0x3FAC]  }
0x2e: {  	s3 =	simm.s32 @!p0 $0x1082;
	s9 =	sld [smem:$0x3FAD]  }
0x2f: {  	lr =	sadd.s32 s0, s3;
	s0 =	sld [smem:$0x3FA4]  }
0x30: {  	s3 =	sld [smem:$0x3FA7]  }
0x31: {  	[smem:$0x3FB0] =	sst s10  }
0x32: {  	s10 =	sld [smem:$0x3FAE];
	_ =	sdelay $0x3  }
0x33: {  	p0 =	seq.s32 s10, $0x1;
	s10 =	sld [smem:$0x3FB0];
	_ =	sdelay $0x3  }
0x34: {  	[smem:$0x3FB0] =	sst s10  }
0x35: {  	s10 =	sld [smem:$0x3FAF];
	_ =	sdelay $0x3  }
0x36: {  	p1 =	seq.s32 s10, $0x1;
	s10 =	sld [smem:$0x3FB0];
	_ =	sdelay $0x3  }
0x37: {  	[smem:$0x3FB0] =	sst s10  }
0x38: {  	s10 =	sld [smem:$0x3FB1]  }
0x39: {  	_ = 	snop;
	(pc) =	sbr.ind lr, $3  }
0x3a: {  	_ = 	snop  }
0x3b: {  	_ = 	snop  }
0x3c: {  	p2 =	seq.s32 s10, $0x1;
	s10 =	sld [smem:$0x3FB0]  }
0x3d: {  	_ =	shalt  }
0x3e: {  	_ =	shalt  }
0x3f: {  	_ =	shalt  }
0x40: {  	_ =	shalt  }
0x41: {  	_ =	shalt  }
0x42: {  	_ =	shalt  }
0x43: {  	_ =	shalt  }
0x44: {  	_ =	shalt  }
0x45: {  	_ =	shalt  }
0x46: {  	_ =	shalt  }
0x47: {  	_ =	shalt  }
0x48: {  	_ =	shalt  }
0x49: {  	_ =	shalt  }
0x4a: {  	_ =	shalt  }
0x4b: {  	_ =	shalt  }
0x4c: {  	_ =	shalt  }
0x4d: {  	_ =	shalt  }
0x4e: {  	_ =	shalt  }
0x4f: {  	_ =	shalt  }
0x50: {  	_ =	shalt  }
0x51: {  	_ =	shalt  }
0x52: {  	_ =	shalt  }
0x53: {  	_ =	shalt  }
0x54: {  	_ =	shalt  }
0x55: {  	_ =	shalt  }
0x56: {  	_ =	shalt  }
0x57: {  	_ =	shalt  }
0x58: {  	_ =	shalt  }
0x59: {  	_ =	shalt  }
0x5a: {  	_ =	shalt  }
0x5b: {  	_ =	shalt  }
0x5c: {  	_ =	shalt  }
0x5d: {  	_ =	shalt  }
0x5e: {  	_ =	shalt  }
0x5f: {  	_ =	shalt  }
0x60: {  	_ =	shalt  }
0x61: {  	_ =	shalt  }
0x62: {  	_ =	shalt  }
0x63: {  	_ =	shalt  }
0x64: {  	_ =	shalt  }
0x65: {  	_ =	shalt  }
0x66: {  	_ =	shalt  }
0x67: {  	_ =	shalt  }
0x68: {  	_ =	shalt  }
0x69: {  	_ =	shalt  }
0x6a: {  	_ =	shalt  }
0x6b: {  	_ =	shalt  }
0x6c: {  	_ =	shalt  }
0x6d: {  	_ =	shalt  }
0x6e: {  	_ =	shalt  }
0x6f: {  	_ =	shalt  }
0x70: {  	_ =	shalt  }
0x71: {  	_ =	shalt  }
0x72: {  	_ =	shalt  }
0x73: {  	_ =	shalt  }
0x74: {  	_ =	shalt  }
0x75: {  	_ =	shalt  }
0x76: {  	_ =	shalt  }
0x77: {  	_ =	shalt  }
0x78: {  	_ =	shalt  }
0x79: {  	_ =	shalt  }
0x7a: {  	_ =	shalt  }
0x7b: {  	_ =	shalt  }
0x7c: {  	_ =	shalt  }
0x7d: {  	_ =	shalt  }
0x7e: {  	_ =	shalt  }
0x7f: {  	_ =	shalt  }
0x80: {  	_ =	shalt  }
0x81: {  	_ =	shalt  }
0x82: {  	_ =	shalt  }
0x83: {  	_ =	shalt  }
0x84: {  	_ =	shalt  }
0x85: {  	_ =	shalt  }
0x86: {  	_ =	shalt  }
0x87: {  	_ =	shalt  }
.Lfunc_end0:
.L_simem_size_0:
called_computation.4_lowered:
.L_overlay_start_0:
0x88: {  	s2 =	sld [smem:$0x3FD9]  }
0x89: {  	s3 =	sld [smem:$0x3FFE];
	_ =	sdelay $0x1  }
0x8a: {  	s1 =	srdreg.scid  }
0x8b: {  	s0 =	sand.u32 $0x1, s1  }
0x8c: {  	s17 =	sshll.u32 s0, $0xA;
	s2 =	sadd.s32 s3, s2  }
0x8d: {  	s2 =	sadd.s32 s2, s17  }
0x8e: {  	[smem:$0x3FBC] =	sst s2  }
0x8f: {  	_ = 	snop  }
0x90: {  	(tm) =	ssettm $0x1  }
0x91: {  	s18 =	sld [smem:$0x3FFB];
	_ =	sdelay $0x3  }
0x92: {  	_ =	strace s18  }
0x93: {  	s2 =	sld [smem:$0x3FFC];
	_ =	sdelay $0x3  }
0x94: {  	_ =	strace s2  }
0x95: {  	s2 =	sld [smem:$0x3FFD];
	_ =	sdelay $0x3  }
0x96: {  	_ =	strace s2  }
0x97: {  	_ =	strace $0x8FFFFFFF  }
0x98: {  	s19 =	sld [smem:$0x3FDB];
	_ =	sdelay $0x1  }
0x99: {  	s20 =	simm.s32 $_scs_section_size  }
0x9a: {  	s4 =	simm.s32 $_size__tile_overlayer_lowered;
	s5 =	simm.s32 $_tile_overlayer_lowered  }
0x9b: {  	s6 =	simm.s32 $0x1BFF;
	s21 =	sshll.u32 s5, $0x1;
	s3 =	sadd.s32 s20, s19  }
0x9c: {  	s22 =	simm.s32 $0x0;
	s4 =	sshll.u32 s4, $0x1;
	s5 =	sadd.s32 s21, s3  }
0x9d: {  	[timem:s22], [sflag:s6] =	dma.local [hbm:s5], s4  }
0x9e: {  	_ =	swait.ge [sflag:s6], s4  }
0x9f: {  	s4 =	ssub.s32 $0x0, s4;
	[sflag:s6] =	ssyncset.done $0x0  }
0xa0: {  	[sflag:s6] =	ssyncadd.s32 s4;
	_ =	sdelay $0x1  }
0xa1: {  	s23 =	simm.s32 $0x1B8B  }
0xa2: {  	_ =	swait.ge [sflag:s23], $0x1  }
0xa3: {  	[sflag:s23] =	ssyncset.done $0x0  }
0xa4: {  	[sflag:s23] =	ssyncadd.s32 $0xFFFFFFFF  }
0xa5: {  	s4 =	sld [smem:$0x0]  }
0xa6: {  	s5 =	sand.u32 $0xFFFFFFFE, s1  }
0xa7: {  	p0 =	sne.s32 s1, s5  }
0xa8: {  	s5 =	sshll.u32 @p0 s5, $0xE  }
0xa9: {  	s5 =	sadd.s32 @p0 $0x11B8D, s5;
	s6 =	sshll.u32 @p0 s4, $0x11  }
0xaa: {  	s5 =	sor.u32 @p0 s6, s5  }
0xab: {  	[sflag:s5] =	ssyncadd.remote.s32 @p0 $0x1;
	_ =	sdelay $0x1  }
0xac: {  	s5 =	simm.s32 @p0 $0x1B8D  }
0xad: {  	_ =	swait.eq @p0 [sflag:s5], $0x1  }
0xae: {  	[sflag:s5] =	ssyncadd.s32 @p0 $0xFFFFFFFF  }
0xaf: {  	s6 =	sshll.u32 @!p0 s1, $0xE  }
0xb0: {  	s6 =	sor.u32 @!p0 $0x4000, s6;
	s5 =	simm.s32 @!p0 $0x1B8D  }
0xb1: {  	s4 =	sshll.u32 @!p0 s4, $0x11;
	s6 =	sadd.s32 @!p0 $0x11B8D, s6;
	_ =	swait.eq @!p0 [sflag:s5], $0x1  }
0xb2: {  	s4 =	sor.u32 @!p0 s4, s6;
	[sflag:s5] =	ssyncadd.s32 @!p0 $0xFFFFFFFF  }
0xb3: {  	s25 =	simm.s32 $0x1B8E;
	s24 =	sld [smem:$0x3FFE];
	[sflag:s4] =	ssyncadd.remote.s32 @!p0 $0x1  }
0xb4: {  	s26 =	simm.s32 $execute0_lowered;
	[smem:$0x3FD2] =	sst s25  }
0xb5: {  	s5 =	sshll.u32 s26, $0x1;
	_ =	strace $0x8000004F;
	[dreg:$0x1] =	wrdreg $0xFFFFFFFF  }
0xb6: {  	s28 =	simm.s32 $_size_execute0_lowered;
	s3 =	sadd.s32 s3, s5;
	[dreg:$0x0] =	wrdreg $0x0  }
0xb7: {  	s5 =	sshll.u32 s28, $0x1;
	[dreg:$0x2] =	wrdreg s3  }
0xb8: {  	[dreg:$0x3] =	wrdreg s5  }
0xb9: {  	[dreg:$0x4] =	wrdreg $0xC0  }
0xba: {  	_ =	task [dreg:s22], $0x5FFFF  }
0xbb: {  	[dreg:$0x1] =	wrdreg $0xFFFFFFFF  }
0xbc: {  	[dreg:$0x0] =	wrdreg $0x60  }
0xbd: {  	[dreg:$0x2] =	wrdreg s24  }
0xbe: {  	[dreg:$0x3] =	wrdreg $0x68800  }
0xbf: {  	[dreg:$0x4] =	wrdreg $0xB  }
0xc0: {  	_ =	task.clear_ibuf [dreg:s22], $0x5FFFF;
	_ =	strace $0x9000004F  }
0xc1: {  	s29 =	simm.s32 $0xB;
	_ =	strace $0x80000051  }
0xc2: {  	_ =	swait.ge [sflag:s29], $0x1  }
0xc3: {  	[sflag:s29] =	ssyncadd.s32 $0xFFFFFFFF  }
0xc4: {  	_ =	strace $0x90000051  }
0xc5: {  	_ =	sfence  }
0xc6: {  	s30 =	sld [smem:$0x0];
	_ =	sdelay $0x2  }
0xc7: {  	s31 =	sshll.u32 s1, $0xD;
	s1 =	sshrl.u32 s1, $0x2  }
0xc8: {  	s4 =	sand.u32 $0x4000, s31;
	s1 =	sadd.s32 s1, s30  }
0xc9: {  	s0 =	sor.u32 s4, s0;
	s1 =	sshll.u32 s1, $0x11  }
0xca: {  	s0 =	sor.u32 s1, s0  }
0xcb: {  	s0 =	sadd.s32 $0x8F2B, s0  }
0xcc: {  	[sflag:s0] =	ssyncadd.remote.s32 $0x1  }
0xcd: {  	_ =	sfence.sel $0xFFFF  }
0xce: {  	[dreg:$0x0] =	wrdreg $0xFFFFFFFF;
	(pc) =	sbr.abs _section_cstart, $3  }
0xcf: {  	[dreg:$0x1] =	wrdreg $0xFFFFFFFF  }
0xd0: {  	_ =	task.clear_ibuf [dreg:s22], $0x2FFFF;
	_ =	strace $0x9FFFFFFF  }
0xd1: {  	(tm) =	ssettm $0x7FFFFFFF  }
tec
execute0_lowered:
.L_overlay_start_1:
0x0: {  	(tag) =	ssettag $0x1  }
0x1: {  	s7 =	rddreg [dreg:$0x0]  }
0x2: {  	s0 =	srdreg.scid;
	s1 =	rddreg [dreg:$0x1]  }
0x3: {  	s10 =	stileid.u32;
	s2 =	simm.s32 $0x0;
	s12 =	simm.s32 $0x80  }
0x4: {  	s13 =	simm.s32 $0x2880;
	s14 =	simm.s32 $0x1;
	s15 =	simm.s32 $0x2800  }
0x5: {  	s16 =	simm.s32 $0x0;
	s6 =	sand.u32 $0x1, s0;
	s0 =	rddreg [dreg:$0x2]  }
0x6: {  	s4 =	smul.u32 $0x2800, s10;
	[smem:$0x7FF] =	sst s2;
	p0 =	sne.s32 s10, $0x0  }
0x7: {  	s10 =	simm.s32 $0x2;
	s3 =	smul.u32 $0x28000, s6;
	_ =	strace $0x80000050  }
0x8: {  	s8 =	smul.u32 $0x27800, s6;
	s11 =	ssub.s32 $0x2, s6;
	s6 =	sadd.s32 $0x14E00, s7  }
0x9: {  	s31 =	sshrl.u32 s11, $0x1;
	s3 =	sadd.s32 s4, s3;
	s4 =	sadd.s32 $0x63800, s7  }
0xa: {  	s8 =	sadd.s32 s8, s7;
	s11 =	ssub.s32 s11, s31;
	s5 =	sshrl.u32 s3, $0x3  }
0xb: {  	s8 =	sadd.s32 $0x8AA00, s8;
	s9 =	sadd.s32 s5, s7;
	s5 =	sadd.s32 $0x10B800, s7  }
0xc: {  	s7 =	sadd.s32 $0x101800, s9;
	s9 =	smax.u32 s11, $0x1;
	s11 =	sshrl.u32 @!p0 s1, $0x3  }
.LBB2_1:
0xd: {  	[tilespmem:s2], [sflag:$0x2] =	stream.linear.gather [hbm4b:s7+s2], $0x2780, $0x38;
	[tilespmem:$0x1A480] =	vst v63  }
0xe: {  	_ =	swait.ge [sflag:s10], $0x2780  }
0xf: {  	[sflag:s10] =	ssyncset.done $0x0  }
0x10: {  	s17 =	simm.s32 @!p0 $0x1C02;
	[sflag:s10] =	ssyncadd.s32 $0xFFFFD880  }
0x11: {  	[spmem:s11], [sflag:s17] =	dma.local @!p0 [hbm:s6], $0x27800  }
0x12: {  	s17 =	simm.s32 @!p0 $0x2  }
0x13: {  	_ =	swait.ge @!p0 [sflag:s17], $0x27800  }
0x14: {  	[sflag:s17] =	ssyncset.done @!p0 $0x0  }
0x15: {  	s31 =	sand.u32 $0x3C00, s2;
	[sflag:s17] =	ssyncadd.s32 @!p0 $0xFFFD8800  }
0x16: {  	s18 =	sand.u32 $0x380, s2;
	s17 =	sadd.s32 s3, s31;
	[bflag:$0x0] =	sbarrier.arrive $0xFFFF  }
0x17: {  	[tilespmem:s13], [sflag:$0x1] =	stream.indirect.gather [hbm4b:s4+s12], $0x80, s2, s12, $0xb8;
	[tilespmem:$0x1A480] =	vst v63  }
0x18: {  	s17 =	sor.u32 s18, s17;
	_ =	swait.ge [sflag:s14], $0x4000  }
0x19: {  	s17 =	sshrl.u32 s17, $0x3;
	[sflag:s14] =	ssyncset.done $0x0  }
0x1a: {  	s17 =	sadd.s32 s5, s17;
	[sflag:s14] =	ssyncadd.s32 $0xFFFFC000  }
0x1b: {  	[tilespmem:s15], [sflag:$0x2] =	stream.linear.gather [hbm4b:s17+s2], $0x80, $0x38;
	[tilespmem:$0x1A480] =	vst v63  }
0x1c: {  	_ =	swait.ge [sflag:s10], $0x80  }
0x1d: {  	s20 =	simm.s32 $0x100;
	s17 =	simm.s32 $0x80;
	[sflag:s10] =	ssyncset.done $0x0  }
0x1e: {  	s18 =	sand.u32 $0x3C00, s17;
	s19 =	sand.u32 $0x380, s17;
	[sflag:s10] =	ssyncadd.s32 $0xFFFFFF80  }
.LBB2_2:
0x1f: {  	[spmem:s1] =	stream.indirect.scatter.add.f32 [tilespmem:s13], [sflag:$0x2], $0x80, s15, s12, $0xb8;
	[tilespmem:$0x1A480] =	vst v63  }
0x20: {  	s21 =	smov.u32 s20  }
0x21: {  	s22 =	sadd.s32 s3, s18;
	s18 =	sand.u32 $0x3C00, s20;
	_ =	swait.ge [sflag:s10], $0x4000  }
0x22: {  	s23 =	sadd.s32 $0x80, s20;
	s19 =	sor.u32 s19, s22;
	[sflag:s10] =	ssyncset.done $0x0  }
0x23: {  	p1 =	sne.s32 s20, $0x2700;
	s19 =	sshrl.u32 s19, $0x3;
	[sflag:s10] =	ssyncadd.s32 $0xFFFFC000  }
0x24: {  	[tilespmem:s13], [sflag:$0x1] =	stream.indirect.gather [hbm4b:s4+s12], $0x80, s17, s12, $0xb8;
	[tilespmem:$0x1A480] =	vst v63  }
0x25: {  	_ =	swait.ge [sflag:s14], $0x4000  }
0x26: {  	s19 =	sadd.s32 s5, s19;
	[sflag:s14] =	ssyncset.done $0x0  }
.Ltmp0:
0x27: {  	[sflag:s14] =	ssyncadd.s32 $0xFFFFC000;
	(pc) =	sbr.rel @p1 .LBB2_2-.Ltmp0, $4  }
0x28: {  	[tilespmem:s15], [sflag:$0x2] =	stream.linear.gather [hbm4b:s19+s2], $0x80, $0x38;
	[tilespmem:$0x1A480] =	vst v63  }
0x29: {  	_ =	swait.ge [sflag:s10], $0x80  }
0x2a: {  	s20 =	smov.u32 s23;
	[sflag:s10] =	ssyncset.done $0x0  }
0x2b: {  	s17 =	sadd.s32 $0x80, s17;
	s19 =	sand.u32 $0x380, s21;
	[sflag:s10] =	ssyncadd.s32 $0xFFFFFF80  }
0x2c: {  	[spmem:s1] =	stream.indirect.scatter.add.f32 [tilespmem:s13], [sflag:$0x2], $0x80, s15, s12, $0xb8;
	[tilespmem:$0x1A480] =	vst v63  }
0x2d: {  	_ =	swait.ge [sflag:s10], $0x4000  }
0x2e: {  	[sflag:s10] =	ssyncset.done $0x0  }
0x2f: {  	s18 =	sadd.s32 s3, s18;
	[sflag:s10] =	ssyncadd.s32 $0xFFFFC000  }
0x30: {  	[tilespmem:s13], [sflag:$0x1] =	stream.indirect.gather [hbm4b:s4+s12], $0x80, s17, s12, $0xb8;
	[tilespmem:$0x1A480] =	vst v63  }
0x31: {  	s31 =	sor.u32 s19, s18;
	_ =	swait.ge [sflag:s14], $0x4000  }
0x32: {  	s17 =	sshrl.u32 s31, $0x3;
	[sflag:s14] =	ssyncset.done $0x0  }
0x33: {  	s17 =	sadd.s32 s5, s17;
	[sflag:s14] =	ssyncadd.s32 $0xFFFFC000  }
0x34: {  	[tilespmem:s15], [sflag:$0x2] =	stream.linear.gather [hbm4b:s17+s2], $0x80, $0x38;
	[tilespmem:$0x1A480] =	vst v63  }
0x35: {  	_ =	swait.ge [sflag:s10], $0x80  }
0x36: {  	[sflag:s10] =	ssyncset.done $0x0  }
0x37: {  	[sflag:s10] =	ssyncadd.s32 $0xFFFFFF80  }
0x38: {  	[spmem:s1] =	stream.indirect.scatter.add.f32 [tilespmem:s13], [sflag:$0x2], $0x80, s15, s12, $0xb8;
	[tilespmem:$0x1A480] =	vst v63  }
0x39: {  	_ =	swait.ge [sflag:s10], $0x4000  }
0x3a: {  	[sflag:s10] =	ssyncset.done $0x0  }
0x3b: {  	s16 =	sadd.s32 $0x1, s16;
	[sflag:s10] =	ssyncadd.s32 $0xFFFFC000  }
0x3c: {  	p1 =	sne.s32 s16, s9;
	s17 =	simm.s32 @!p0 $0x1C02;
	[bflag:$0x0] =	sbarrier.arrive $0xFFFF  }
0x3d: {  	[hbm:s8], [sflag:s17] =	dma.local @!p0 [spmem:s11], $0x27800  }
.Ltmp1:
0x3e: {  	_ = 	snop;
	(pc) =	sbr.rel @p1 .LBB2_1-.Ltmp1, $4  }
0x3f: {  	s17 =	simm.s32 @!p0 $0x2  }
0x40: {  	_ =	swait.ge @!p0 [sflag:s17], $0x27800  }
0x41: {  	[sflag:s17] =	ssyncset.done @!p0 $0x0  }
0x42: {  	[sflag:s17] =	ssyncadd.s32 @!p0 $0xFFFD8800  }
0x43: {  	_ =	sfence.sel $0x180000  }
0x44: {  	[bflag:$0x0] =	sbarrier.arrive $0xFFFF  }
0x45: {  	_ =	strace $0x90000050  }
0x46: {  	s0 =	sadd.s32 @!p0 $0x100000, s0;
	[bflag:$0x2] =	sbarrier.arrive $0xFFFF  }
0x47: {  	[sflag:s0] =	ssyncadd.tile.s32 @!p0 $0x1;
	_ =	shalt  }
.Lfunc_end2:
_tile_overlayer_lowered:
.L_overlay_start_2:
0x48: {  	(tag) =	ssettag $0x2  }
0x49: {  	s0 =	rddreg [dreg:$0x0];
	s2 =	stileid.u32  }
0x4a: {  	s1 =	rddreg [dreg:$0x1];
	p0 =	sne.s32 s2, $0x0  }
0x4b: {  	s3 =	rddreg [dreg:$0x2];
	[bflag:$0x3] =	sbarrier.arrive $0xFFFF;
	s2 =	simm.s32 @!p0 $0x1C02  }
0x4c: {  	[timem:s3], [sflag:s2] =	dma.local @!p0 [hbm:s0], s1  }
0x4d: {  	s0 =	simm.s32 @!p0 $0x2  }
0x4e: {  	_ =	swait.ge @!p0 [sflag:s0], s1  }
0x4f: {  	s1 =	ssub.s32 @!p0 $0x0, s1;
	[sflag:s0] =	ssyncset.done @!p0 $0x0  }
0x50: {  	[sflag:s0] =	ssyncadd.s32 @!p0 s1  }
0x51: {  	[bflag:$0x3] =	sbarrier.arrive $0xFFFF  }
0x52: {  	_ =	shalt  }

// kernel: kernel.30.cloned.1.call-start
scs
__scs_entry_jumppad:
0x0: {  	(pc) =	sbr.rel $0x88, $3  }
0x1: {  	(tag) =	ssettag $0x0;
	lr =	simm.s32 $0x1  }
0x2: {  	[smem:$0x3F95] =	sst lr;
	_ =	strace $0xD0000000  }
0x3: {  	_ = 	snop  }
0x4: {  	_ = 	snop  }
0x5: {  	_ = 	snop  }
0x6: {  	_ = 	snop  }
0x7: {  	_ = 	snop  }
__scs_overlays_trampoline_lowered:
0x8: {  	[smem:$0x3FA4] =	sst s0  }
0x9: {  	[smem:$0x3FA5] =	sst s1  }
0xa: {  	[smem:$0x3FA6] =	sst s2  }
0xb: {  	[smem:$0x3FA7] =	sst s3  }
0xc: {  	[smem:$0x3FA8] =	sst s4  }
0xd: {  	[smem:$0x3FA9] =	sst s5  }
0xe: {  	[smem:$0x3FAA] =	sst s6  }
0xf: {  	[smem:$0x3FAB] =	sst s7  }
0x10: {  	[smem:$0x3FAC] =	sst s8  }
0x11: {  	[smem:$0x3FAD] =	sst s9;
	s0 =	simm.s32 @!p0 $0x0  }
0x12: {  	s1 =	sld [smem:$0x3F93];
	s0 =	simm.s32 @p0 $0x1  }
0x13: {  	[smem:$0x3FAE] =	sst s0;
	s0 =	simm.s32 @!p1 $0x0  }
0x14: {  	s2 =	sld [smem:$0x3F92];
	s0 =	simm.s32 @p1 $0x1  }
0x15: {  	[smem:$0x3FAF] =	sst s0;
	s0 =	simm.s32 @!p2 $0x0  }
0x16: {  	s3 =	sld [smem:$0x3FDB];
	s0 =	simm.s32 @p2 $0x1  }
0x17: {  	s4 =	simm.s32 $0x1BF5;
	[smem:$0x3FB1] =	sst s0  }
0x18: {  	s0 =	sld [smem:$0x3F94];
	_ =	swait.ge [sflag:s4], $0x0  }
0x19: {  	s7 =	sld [smem:$0x3F95]  }
0x1a: {  	s8 =	sadd.s32 $0xFFFFE003, lr  }
0x1b: {  	s9 =	sadd.s32 $0xFFFFFEF7, lr;
	s5 =	simm.s32 $0xFFFFFFFF;
	p2 =	slt.u32 s8, $0xFFFFF086  }
0x1c: {  	p1 =	slt.u32 s9, $0xF7A;
	s5 =	simm.s32 @!p2 $0x0  }
0x1d: {  	s5 =	simm.s32 @p1 $0x1;
	p0 =	seq.s32 s7, s2  }
0x1e: {  	s7 =	smul.u32 @!p0 $0xF7A, s2;
	p2 =	seq.s32 @!p0 s5, $0x0  }
0x1f: {  	s9 =	smul.u32 $0xF7A, s1;
	s8 =	simm.s32 @!p0 $0x1BF5;
	p2 =	por !p2, p0  }
0x20: {  	[sflag:s8] =	ssyncset.s32 @!p0 $0xFFFFF086;
	s6 =	sadd.s32 @!p0 s3, s7;
	s7 =	simm.s32 @!p0 $0x108  }
0x21: {  	s3 =	sadd.s32 s3, s9;
	s6 =	sadd.s32 @!p0 $0x88, s6;
	s7 =	simm.s32 @p2 $0x1082  }
0x22: {  	[simem:s7], [sflag:s8] =	dma.local @!p0 [hbm:s6], $0xF7A  }
0x23: {  	s9 =	sor.u32 $0xD0000000, s2;
	s6 =	simm.s32 $0x108;
	_ =	swait.ge @!p0 [sflag:s8], $0x0  }
0x24: {  	s3 =	sadd.s32 $0x88, s3;
	s6 =	simm.s32 @!p1 $0x1082;
	[sflag:s4] =	ssyncset.s32 $0xFFFFF086  }
0x25: {  	[simem:s6], [sflag:s4] =	dma.local [hbm:s3], $0xF7A  }
0x26: {  	[smem:$0x3F95] =	sst s1;
	(tag) =	ssettag s2;
	_ =	strace s9  }
0x27: {  	s1 =	sld [smem:$0x3FA5]  }
0x28: {  	s2 =	sld [smem:$0x3FA6]  }
0x29: {  	s4 =	sld [smem:$0x3FA8]  }
0x2a: {  	p0 =	seq.s32 s5, $0x0;
	s5 =	sld [smem:$0x3FA9]  }
0x2b: {  	s6 =	sld [smem:$0x3FAA]  }
0x2c: {  	s7 =	sld [smem:$0x3FAB]  }
0x2d: {  	s3 =	simm.s32 $0x108;
	s8 =	sld [smem:$0x3FAC]  }
0x2e: {  	s3 =	simm.s32 @!p0 $0x1082;
	s9 =	sld [smem:$0x3FAD]  }
0x2f: {  	lr =	sadd.s32 s0, s3;
	s0 =	sld [smem:$0x3FA4]  }
0x30: {  	s3 =	sld [smem:$0x3FA7]  }
0x31: {  	[smem:$0x3FB0] =	sst s10  }
0x32: {  	s10 =	sld [smem:$0x3FAE];
	_ =	sdelay $0x3  }
0x33: {  	p0 =	seq.s32 s10, $0x1;
	s10 =	sld [smem:$0x3FB0];
	_ =	sdelay $0x3  }
0x34: {  	[smem:$0x3FB0] =	sst s10  }
0x35: {  	s10 =	sld [smem:$0x3FAF];
	_ =	sdelay $0x3  }
0x36: {  	p1 =	seq.s32 s10, $0x1;
	s10 =	sld [smem:$0x3FB0];
	_ =	sdelay $0x3  }
0x37: {  	[smem:$0x3FB0] =	sst s10  }
0x38: {  	s10 =	sld [smem:$0x3FB1]  }
0x39: {  	_ = 	snop;
	(pc) =	sbr.ind lr, $3  }
0x3a: {  	_ = 	snop  }
0x3b: {  	_ = 	snop  }
0x3c: {  	p2 =	seq.s32 s10, $0x1;
	s10 =	sld [smem:$0x3FB0]  }
0x3d: {  	_ =	shalt  }
0x3e: {  	_ =	shalt  }
0x3f: {  	_ =	shalt  }
0x40: {  	_ =	shalt  }
0x41: {  	_ =	shalt  }
0x42: {  	_ =	shalt  }
0x43: {  	_ =	shalt  }
0x44: {  	_ =	shalt  }
0x45: {  	_ =	shalt  }
0x46: {  	_ =	shalt  }
0x47: {  	_ =	shalt  }
0x48: {  	_ =	shalt  }
0x49: {  	_ =	shalt  }
0x4a: {  	_ =	shalt  }
0x4b: {  	_ =	shalt  }
0x4c: {  	_ =	shalt  }
0x4d: {  	_ =	shalt  }
0x4e: {  	_ =	shalt  }
0x4f: {  	_ =	shalt  }
0x50: {  	_ =	shalt  }
0x51: {  	_ =	shalt  }
0x52: {  	_ =	shalt  }
0x53: {  	_ =	shalt  }
0x54: {  	_ =	shalt  }
0x55: {  	_ =	shalt  }
0x56: {  	_ =	shalt  }
0x57: {  	_ =	shalt  }
0x58: {  	_ =	shalt  }
0x59: {  	_ =	shalt  }
0x5a: {  	_ =	shalt  }
0x5b: {  	_ =	shalt  }
0x5c: {  	_ =	shalt  }
0x5d: {  	_ =	shalt  }
0x5e: {  	_ =	shalt  }
0x5f: {  	_ =	shalt  }
0x60: {  	_ =	shalt  }
0x61: {  	_ =	shalt  }
0x62: {  	_ =	shalt  }
0x63: {  	_ =	shalt  }
0x64: {  	_ =	shalt  }
0x65: {  	_ =	shalt  }
0x66: {  	_ =	shalt  }
0x67: {  	_ =	shalt  }
0x68: {  	_ =	shalt  }
0x69: {  	_ =	shalt  }
0x6a: {  	_ =	shalt  }
0x6b: {  	_ =	shalt  }
0x6c: {  	_ =	shalt  }
0x6d: {  	_ =	shalt  }
0x6e: {  	_ =	shalt  }
0x6f: {  	_ =	shalt  }
0x70: {  	_ =	shalt  }
0x71: {  	_ =	shalt  }
0x72: {  	_ =	shalt  }
0x73: {  	_ =	shalt  }
0x74: {  	_ =	shalt  }
0x75: {  	_ =	shalt  }
0x76: {  	_ =	shalt  }
0x77: {  	_ =	shalt  }
0x78: {  	_ =	shalt  }
0x79: {  	_ =	shalt  }
0x7a: {  	_ =	shalt  }
0x7b: {  	_ =	shalt  }
0x7c: {  	_ =	shalt  }
0x7d: {  	_ =	shalt  }
0x7e: {  	_ =	shalt  }
0x7f: {  	_ =	shalt  }
0x80: {  	_ =	shalt  }
0x81: {  	_ =	shalt  }
0x82: {  	_ =	shalt  }
0x83: {  	_ =	shalt  }
0x84: {  	_ =	shalt  }
0x85: {  	_ =	shalt  }
0x86: {  	_ =	shalt  }
0x87: {  	_ =	shalt  }
.Lfunc_end0:
.L_simem_size_0:
called_computation.5_lowered:
.L_overlay_start_0:
0x88: {  	s2 =	sld [smem:$0x3FD9]  }
0x89: {  	s3 =	sld [smem:$0x3FFE];
	_ =	sdelay $0x1  }
0x8a: {  	s1 =	srdreg.scid  }
0x8b: {  	s0 =	sand.u32 $0x1, s1  }
0x8c: {  	s17 =	sshll.u32 s0, $0xA;
	s2 =	sadd.s32 s3, s2  }
0x8d: {  	s2 =	sadd.s32 s2, s17  }
0x8e: {  	[smem:$0x3FBC] =	sst s2  }
0x8f: {  	_ = 	snop  }
0x90: {  	(tm) =	ssettm $0x1  }
0x91: {  	s18 =	sld [smem:$0x3FFB];
	_ =	sdelay $0x3  }
0x92: {  	_ =	strace s18  }
0x93: {  	s2 =	sld [smem:$0x3FFC];
	_ =	sdelay $0x3  }
0x94: {  	_ =	strace s2  }
0x95: {  	s2 =	sld [smem:$0x3FFD];
	_ =	sdelay $0x3  }
0x96: {  	_ =	strace s2  }
0x97: {  	_ =	strace $0x8FFFFFFF  }
0x98: {  	s19 =	sld [smem:$0x3FDB];
	_ =	sdelay $0x1  }
0x99: {  	s20 =	simm.s32 $_scs_section_size  }
0x9a: {  	s4 =	simm.s32 $_size__tile_overlayer_lowered;
	s5 =	simm.s32 $_tile_overlayer_lowered  }
0x9b: {  	s6 =	simm.s32 $0x1BFF;
	s21 =	sshll.u32 s5, $0x1;
	s3 =	sadd.s32 s20, s19  }
0x9c: {  	s22 =	simm.s32 $0x0;
	s4 =	sshll.u32 s4, $0x1;
	s5 =	sadd.s32 s21, s3  }
0x9d: {  	[timem:s22], [sflag:s6] =	dma.local [hbm:s5], s4  }
0x9e: {  	_ =	swait.ge [sflag:s6], s4  }
0x9f: {  	s4 =	ssub.s32 $0x0, s4;
	[sflag:s6] =	ssyncset.done $0x0  }
0xa0: {  	[sflag:s6] =	ssyncadd.s32 s4;
	_ =	sdelay $0x1  }
0xa1: {  	s23 =	simm.s32 $0x1B8B  }
0xa2: {  	_ =	swait.ge [sflag:s23], $0x1  }
0xa3: {  	[sflag:s23] =	ssyncset.done $0x0  }
0xa4: {  	[sflag:s23] =	ssyncadd.s32 $0xFFFFFFFF  }
0xa5: {  	s4 =	sld [smem:$0x0]  }
0xa6: {  	s5 =	sand.u32 $0xFFFFFFFE, s1  }
0xa7: {  	p0 =	sne.s32 s1, s5  }
0xa8: {  	s5 =	sshll.u32 @p0 s5, $0xE  }
0xa9: {  	s5 =	sadd.s32 @p0 $0x11B8D, s5;
	s6 =	sshll.u32 @p0 s4, $0x11  }
0xaa: {  	s5 =	sor.u32 @p0 s6, s5  }
0xab: {  	[sflag:s5] =	ssyncadd.remote.s32 @p0 $0x1;
	_ =	sdelay $0x1  }
0xac: {  	s5 =	simm.s32 @p0 $0x1B8D  }
0xad: {  	_ =	swait.eq @p0 [sflag:s5], $0x1  }
0xae: {  	[sflag:s5] =	ssyncadd.s32 @p0 $0xFFFFFFFF  }
0xaf: {  	s6 =	sshll.u32 @!p0 s1, $0xE  }
0xb0: {  	s6 =	sor.u32 @!p0 $0x4000, s6;
	s5 =	simm.s32 @!p0 $0x1B8D  }
0xb1: {  	s4 =	sshll.u32 @!p0 s4, $0x11;
	s6 =	sadd.s32 @!p0 $0x11B8D, s6;
	_ =	swait.eq @!p0 [sflag:s5], $0x1  }
0xb2: {  	s4 =	sor.u32 @!p0 s4, s6;
	[sflag:s5] =	ssyncadd.s32 @!p0 $0xFFFFFFFF  }
0xb3: {  	s25 =	simm.s32 $0x1B8E;
	s24 =	sld [smem:$0x3FFE];
	[sflag:s4] =	ssyncadd.remote.s32 @!p0 $0x1  }
0xb4: {  	s26 =	simm.s32 $execute0_lowered;
	[smem:$0x3FD2] =	sst s25  }
0xb5: {  	s5 =	sshll.u32 s26, $0x1;
	_ =	strace $0x80000055;
	[dreg:$0x1] =	wrdreg $0xFFFFFFFF  }
0xb6: {  	s28 =	simm.s32 $_size_execute0_lowered;
	s3 =	sadd.s32 s3, s5;
	[dreg:$0x0] =	wrdreg $0x0  }
0xb7: {  	s5 =	sshll.u32 s28, $0x1;
	[dreg:$0x2] =	wrdreg s3  }
0xb8: {  	[dreg:$0x3] =	wrdreg s5  }
0xb9: {  	[dreg:$0x4] =	wrdreg $0xC0  }
0xba: {  	_ =	task [dreg:s22], $0x5FFFF  }
0xbb: {  	[dreg:$0x1] =	wrdreg $0xFFFFFFFF  }
0xbc: {  	[dreg:$0x0] =	wrdreg $0x60  }
0xbd: {  	[dreg:$0x2] =	wrdreg s24  }
0xbe: {  	[dreg:$0x3] =	wrdreg $0x68800  }
0xbf: {  	[dreg:$0x4] =	wrdreg $0x9  }
0xc0: {  	_ =	task.clear_ibuf [dreg:s22], $0x5FFFF;
	_ =	strace $0x90000055  }
0xc1: {  	s29 =	simm.s32 $0x9;
	_ =	strace $0x80000057  }
0xc2: {  	_ =	swait.ge [sflag:s29], $0x1  }
0xc3: {  	[sflag:s29] =	ssyncadd.s32 $0xFFFFFFFF  }
0xc4: {  	_ =	strace $0x90000057  }
0xc5: {  	_ =	sfence  }
0xc6: {  	s30 =	sld [smem:$0x0];
	_ =	sdelay $0x2  }
0xc7: {  	s31 =	sshll.u32 s1, $0xD;
	s1 =	sshrl.u32 s1, $0x2  }
0xc8: {  	s4 =	sand.u32 $0x4000, s31;
	s1 =	sadd.s32 s1, s30  }
0xc9: {  	s0 =	sor.u32 s4, s0;
	s1 =	sshll.u32 s1, $0x11  }
0xca: {  	s0 =	sor.u32 s1, s0  }
0xcb: {  	s0 =	sadd.s32 $0x8F2B, s0  }
0xcc: {  	[sflag:s0] =	ssyncadd.remote.s32 $0x1  }
0xcd: {  	_ =	sfence.sel $0xFFFF  }
0xce: {  	[dreg:$0x0] =	wrdreg $0xFFFFFFFF;
	(pc) =	sbr.abs _section_cstart, $3  }
0xcf: {  	[dreg:$0x1] =	wrdreg $0xFFFFFFFF  }
0xd0: {  	_ =	task.clear_ibuf [dreg:s22], $0x2FFFF;
	_ =	strace $0x9FFFFFFF  }
0xd1: {  	(tm) =	ssettm $0x7FFFFFFF  }
tec
execute0_lowered:
.L_overlay_start_1:
0x0: {  	(tag) =	ssettag $0x1  }
0x1: {  	s7 =	rddreg [dreg:$0x0]  }
0x2: {  	s0 =	srdreg.scid;
	s1 =	rddreg [dreg:$0x1]  }
0x3: {  	s10 =	stileid.u32;
	s2 =	simm.s32 $0x0;
	s12 =	simm.s32 $0x80  }
0x4: {  	s13 =	simm.s32 $0x2880;
	s14 =	simm.s32 $0x1;
	s15 =	simm.s32 $0x2800  }
0x5: {  	s16 =	simm.s32 $0x0;
	s6 =	sand.u32 $0x1, s0;
	s0 =	rddreg [dreg:$0x2]  }
0x6: {  	s4 =	smul.u32 $0x2800, s10;
	[smem:$0x7FF] =	sst s2;
	p0 =	sne.s32 s10, $0x0  }
0x7: {  	s10 =	simm.s32 $0x2;
	s3 =	smul.u32 $0x28000, s6;
	_ =	strace $0x80000056  }
0x8: {  	s8 =	smul.u32 $0x27800, s6;
	s11 =	ssub.s32 $0x2, s6;
	s6 =	sadd.s32 $0x14E00, s7  }
0x9: {  	s31 =	sshrl.u32 s11, $0x1;
	s3 =	sadd.s32 s4, s3;
	s4 =	sadd.s32 $0x63800, s7  }
0xa: {  	s8 =	sadd.s32 s8, s7;
	s11 =	ssub.s32 s11, s31;
	s5 =	sshrl.u32 s3, $0x3  }
0xb: {  	s8 =	sadd.s32 $0x8AA00, s8;
	s9 =	sadd.s32 s5, s7;
	s5 =	sadd.s32 $0xAE00, s7  }
0xc: {  	s7 =	sadd.s32 $0xE00, s9;
	s9 =	smax.u32 s11, $0x1;
	s11 =	sshrl.u32 @!p0 s1, $0x3  }
.LBB2_1:
0xd: {  	[tilespmem:s2], [sflag:$0x2] =	stream.linear.gather [hbm4b:s7+s2], $0x2780, $0x38;
	[tilespmem:$0x1A480] =	vst v63  }
0xe: {  	_ =	swait.ge [sflag:s10], $0x2780  }
0xf: {  	[sflag:s10] =	ssyncset.done $0x0  }
0x10: {  	s17 =	simm.s32 @!p0 $0x1C02;
	[sflag:s10] =	ssyncadd.s32 $0xFFFFD880  }
0x11: {  	[spmem:s11], [sflag:s17] =	dma.local @!p0 [hbm:s6], $0x27800  }
0x12: {  	s17 =	simm.s32 @!p0 $0x2  }
0x13: {  	_ =	swait.ge @!p0 [sflag:s17], $0x27800  }
0x14: {  	[sflag:s17] =	ssyncset.done @!p0 $0x0  }
0x15: {  	s31 =	sand.u32 $0x3C00, s2;
	[sflag:s17] =	ssyncadd.s32 @!p0 $0xFFFD8800  }
0x16: {  	s18 =	sand.u32 $0x380, s2;
	s17 =	sadd.s32 s3, s31;
	[bflag:$0x0] =	sbarrier.arrive $0xFFFF  }
0x17: {  	[tilespmem:s13], [sflag:$0x1] =	stream.indirect.gather [hbm4b:s4+s12], $0x80, s2, s12, $0xb8;
	[tilespmem:$0x1A480] =	vst v63  }
0x18: {  	s17 =	sor.u32 s18, s17;
	_ =	swait.ge [sflag:s14], $0x4000  }
0x19: {  	s17 =	sshrl.u32 s17, $0x3;
	[sflag:s14] =	ssyncset.done $0x0  }
0x1a: {  	s17 =	sadd.s32 s5, s17;
	[sflag:s14] =	ssyncadd.s32 $0xFFFFC000  }
0x1b: {  	[tilespmem:s15], [sflag:$0x2] =	stream.linear.gather [hbm4b:s17+s2], $0x80, $0x38;
	[tilespmem:$0x1A480] =	vst v63  }
0x1c: {  	_ =	swait.ge [sflag:s10], $0x80  }
0x1d: {  	s20 =	simm.s32 $0x100;
	s17 =	simm.s32 $0x80;
	[sflag:s10] =	ssyncset.done $0x0  }
0x1e: {  	s18 =	sand.u32 $0x3C00, s17;
	s19 =	sand.u32 $0x380, s17;
	[sflag:s10] =	ssyncadd.s32 $0xFFFFFF80  }
.LBB2_2:
0x1f: {  	[spmem:s1] =	stream.indirect.scatter.add.f32 [tilespmem:s13], [sflag:$0x2], $0x80, s15, s12, $0xb8;
	[tilespmem:$0x1A480] =	vst v63  }
0x20: {  	s21 =	smov.u32 s20  }
0x21: {  	s22 =	sadd.s32 s3, s18;
	s18 =	sand.u32 $0x3C00, s20;
	_ =	swait.ge [sflag:s10], $0x4000  }
0x22: {  	s23 =	sadd.s32 $0x80, s20;
	s19 =	sor.u32 s19, s22;
	[sflag:s10] =	ssyncset.done $0x0  }
0x23: {  	p1 =	sne.s32 s20, $0x2700;
	s19 =	sshrl.u32 s19, $0x3;
	[sflag:s10] =	ssyncadd.s32 $0xFFFFC000  }
0x24: {  	[tilespmem:s13], [sflag:$0x1] =	stream.indirect.gather [hbm4b:s4+s12], $0x80, s17, s12, $0xb8;
	[tilespmem:$0x1A480] =	vst v63  }
0x25: {  	_ =	swait.ge [sflag:s14], $0x4000  }
0x26: {  	s19 =	sadd.s32 s5, s19;
	[sflag:s14] =	ssyncset.done $0x0  }
.Ltmp0:
0x27: {  	[sflag:s14] =	ssyncadd.s32 $0xFFFFC000;
	(pc) =	sbr.rel @p1 .LBB2_2-.Ltmp0, $4  }
0x28: {  	[tilespmem:s15], [sflag:$0x2] =	stream.linear.gather [hbm4b:s19+s2], $0x80, $0x38;
	[tilespmem:$0x1A480] =	vst v63  }
0x29: {  	_ =	swait.ge [sflag:s10], $0x80  }
0x2a: {  	s20 =	smov.u32 s23;
	[sflag:s10] =	ssyncset.done $0x0  }
0x2b: {  	s17 =	sadd.s32 $0x80, s17;
	s19 =	sand.u32 $0x380, s21;
	[sflag:s10] =	ssyncadd.s32 $0xFFFFFF80  }
0x2c: {  	[spmem:s1] =	stream.indirect.scatter.add.f32 [tilespmem:s13], [sflag:$0x2], $0x80, s15, s12, $0xb8;
	[tilespmem:$0x1A480] =	vst v63  }
0x2d: {  	_ =	swait.ge [sflag:s10], $0x4000  }
0x2e: {  	[sflag:s10] =	ssyncset.done $0x0  }
0x2f: {  	s18 =	sadd.s32 s3, s18;
	[sflag:s10] =	ssyncadd.s32 $0xFFFFC000  }
0x30: {  	[tilespmem:s13], [sflag:$0x1] =	stream.indirect.gather [hbm4b:s4+s12], $0x80, s17, s12, $0xb8;
	[tilespmem:$0x1A480] =	vst v63  }
0x31: {  	s31 =	sor.u32 s19, s18;
	_ =	swait.ge [sflag:s14], $0x4000  }
0x32: {  	s17 =	sshrl.u32 s31, $0x3;
	[sflag:s14] =	ssyncset.done $0x0  }
0x33: {  	s17 =	sadd.s32 s5, s17;
	[sflag:s14] =	ssyncadd.s32 $0xFFFFC000  }
0x34: {  	[tilespmem:s15], [sflag:$0x2] =	stream.linear.gather [hbm4b:s17+s2], $0x80, $0x38;
	[tilespmem:$0x1A480] =	vst v63  }
0x35: {  	_ =	swait.ge [sflag:s10], $0x80  }
0x36: {  	[sflag:s10] =	ssyncset.done $0x0  }
0x37: {  	[sflag:s10] =	ssyncadd.s32 $0xFFFFFF80  }
0x38: {  	[spmem:s1] =	stream.indirect.scatter.add.f32 [tilespmem:s13], [sflag:$0x2], $0x80, s15, s12, $0xb8;
	[tilespmem:$0x1A480] =	vst v63  }
0x39: {  	_ =	swait.ge [sflag:s10], $0x4000  }
0x3a: {  	[sflag:s10] =	ssyncset.done $0x0  }
0x3b: {  	s16 =	sadd.s32 $0x1, s16;
	[sflag:s10] =	ssyncadd.s32 $0xFFFFC000  }
0x3c: {  	p1 =	sne.s32 s16, s9;
	s17 =	simm.s32 @!p0 $0x1C02;
	[bflag:$0x0] =	sbarrier.arrive $0xFFFF  }
0x3d: {  	[hbm:s8], [sflag:s17] =	dma.local @!p0 [spmem:s11], $0x27800  }
.Ltmp1:
0x3e: {  	_ = 	snop;
	(pc) =	sbr.rel @p1 .LBB2_1-.Ltmp1, $4  }
0x3f: {  	s17 =	simm.s32 @!p0 $0x2  }
0x40: {  	_ =	swait.ge @!p0 [sflag:s17], $0x27800  }
0x41: {  	[sflag:s17] =	ssyncset.done @!p0 $0x0  }
0x42: {  	[sflag:s17] =	ssyncadd.s32 @!p0 $0xFFFD8800  }
0x43: {  	_ =	sfence.sel $0x180000  }
0x44: {  	[bflag:$0x0] =	sbarrier.arrive $0xFFFF  }
0x45: {  	_ =	strace $0x90000056  }
0x46: {  	s0 =	sadd.s32 @!p0 $0x100000, s0;
	[bflag:$0x2] =	sbarrier.arrive $0xFFFF  }
0x47: {  	[sflag:s0] =	ssyncadd.tile.s32 @!p0 $0x1;
	_ =	shalt  }
.Lfunc_end2:
_tile_overlayer_lowered:
.L_overlay_start_2:
0x48: {  	(tag) =	ssettag $0x2  }
0x49: {  	s0 =	rddreg [dreg:$0x0];
	s2 =	stileid.u32  }
0x4a: {  	s1 =	rddreg [dreg:$0x1];
	p0 =	sne.s32 s2, $0x0  }
0x4b: {  	s3 =	rddreg [dreg:$0x2];
	[bflag:$0x3] =	sbarrier.arrive $0xFFFF;
	s2 =	simm.s32 @!p0 $0x1C02  }
0x4c: {  	[timem:s3], [sflag:s2] =	dma.local @!p0 [hbm:s0], s1  }
0x4d: {  	s0 =	simm.s32 @!p0 $0x2  }
0x4e: {  	_ =	swait.ge @!p0 [sflag:s0], s1  }
0x4f: {  	s1 =	ssub.s32 @!p0 $0x0, s1;
	[sflag:s0] =	ssyncset.done @!p0 $0x0  }
0x50: {  	[sflag:s0] =	ssyncadd.s32 @!p0 s1  }
0x51: {  	[bflag:$0x3] =	sbarrier.arrive $0xFFFF  }
0x52: {  	_ =	shalt  }

// kernel: kernel.33.cloned.1.call-start
scs
__scs_entry_jumppad:
0x0: {  	(pc) =	sbr.rel $0x88, $3  }
0x1: {  	(tag) =	ssettag $0x0;
	lr =	simm.s32 $0x1  }
0x2: {  	[smem:$0x3F95] =	sst lr;
	_ =	strace $0xD0000000  }
0x3: {  	_ = 	snop  }
0x4: {  	_ = 	snop  }
0x5: {  	_ = 	snop  }
0x6: {  	_ = 	snop  }
0x7: {  	_ = 	snop  }
__scs_overlays_trampoline_lowered:
0x8: {  	[smem:$0x3FA4] =	sst s0  }
0x9: {  	[smem:$0x3FA5] =	sst s1  }
0xa: {  	[smem:$0x3FA6] =	sst s2  }
0xb: {  	[smem:$0x3FA7] =	sst s3  }
0xc: {  	[smem:$0x3FA8] =	sst s4  }
0xd: {  	[smem:$0x3FA9] =	sst s5  }
0xe: {  	[smem:$0x3FAA] =	sst s6  }
0xf: {  	[smem:$0x3FAB] =	sst s7  }
0x10: {  	[smem:$0x3FAC] =	sst s8  }
0x11: {  	[smem:$0x3FAD] =	sst s9;
	s0 =	simm.s32 @!p0 $0x0  }
0x12: {  	s1 =	sld [smem:$0x3F93];
	s0 =	simm.s32 @p0 $0x1  }
0x13: {  	[smem:$0x3FAE] =	sst s0;
	s0 =	simm.s32 @!p1 $0x0  }
0x14: {  	s2 =	sld [smem:$0x3F92];
	s0 =	simm.s32 @p1 $0x1  }
0x15: {  	[smem:$0x3FAF] =	sst s0;
	s0 =	simm.s32 @!p2 $0x0  }
0x16: {  	s3 =	sld [smem:$0x3FDB];
	s0 =	simm.s32 @p2 $0x1  }
0x17: {  	s4 =	simm.s32 $0x1BF5;
	[smem:$0x3FB1] =	sst s0  }
0x18: {  	s0 =	sld [smem:$0x3F94];
	_ =	swait.ge [sflag:s4], $0x0  }
0x19: {  	s7 =	sld [smem:$0x3F95]  }
0x1a: {  	s8 =	sadd.s32 $0xFFFFE003, lr  }
0x1b: {  	s9 =	sadd.s32 $0xFFFFFEF7, lr;
	s5 =	simm.s32 $0xFFFFFFFF;
	p2 =	slt.u32 s8, $0xFFFFF086  }
0x1c: {  	p1 =	slt.u32 s9, $0xF7A;
	s5 =	simm.s32 @!p2 $0x0  }
0x1d: {  	s5 =	simm.s32 @p1 $0x1;
	p0 =	seq.s32 s7, s2  }
0x1e: {  	s7 =	smul.u32 @!p0 $0xF7A, s2;
	p2 =	seq.s32 @!p0 s5, $0x0  }
0x1f: {  	s9 =	smul.u32 $0xF7A, s1;
	s8 =	simm.s32 @!p0 $0x1BF5;
	p2 =	por !p2, p0  }
0x20: {  	[sflag:s8] =	ssyncset.s32 @!p0 $0xFFFFF086;
	s6 =	sadd.s32 @!p0 s3, s7;
	s7 =	simm.s32 @!p0 $0x108  }
0x21: {  	s3 =	sadd.s32 s3, s9;
	s6 =	sadd.s32 @!p0 $0x88, s6;
	s7 =	simm.s32 @p2 $0x1082  }
0x22: {  	[simem:s7], [sflag:s8] =	dma.local @!p0 [hbm:s6], $0xF7A  }
0x23: {  	s9 =	sor.u32 $0xD0000000, s2;
	s6 =	simm.s32 $0x108;
	_ =	swait.ge @!p0 [sflag:s8], $0x0  }
0x24: {  	s3 =	sadd.s32 $0x88, s3;
	s6 =	simm.s32 @!p1 $0x1082;
	[sflag:s4] =	ssyncset.s32 $0xFFFFF086  }
0x25: {  	[simem:s6], [sflag:s4] =	dma.local [hbm:s3], $0xF7A  }
0x26: {  	[smem:$0x3F95] =	sst s1;
	(tag) =	ssettag s2;
	_ =	strace s9  }
0x27: {  	s1 =	sld [smem:$0x3FA5]  }
0x28: {  	s2 =	sld [smem:$0x3FA6]  }
0x29: {  	s4 =	sld [smem:$0x3FA8]  }
0x2a: {  	p0 =	seq.s32 s5, $0x0;
	s5 =	sld [smem:$0x3FA9]  }
0x2b: {  	s6 =	sld [smem:$0x3FAA]  }
0x2c: {  	s7 =	sld [smem:$0x3FAB]  }
0x2d: {  	s3 =	simm.s32 $0x108;
	s8 =	sld [smem:$0x3FAC]  }
0x2e: {  	s3 =	simm.s32 @!p0 $0x1082;
	s9 =	sld [smem:$0x3FAD]  }
0x2f: {  	lr =	sadd.s32 s0, s3;
	s0 =	sld [smem:$0x3FA4]  }
0x30: {  	s3 =	sld [smem:$0x3FA7]  }
0x31: {  	[smem:$0x3FB0] =	sst s10  }
0x32: {  	s10 =	sld [smem:$0x3FAE];
	_ =	sdelay $0x3  }
0x33: {  	p0 =	seq.s32 s10, $0x1;
	s10 =	sld [smem:$0x3FB0];
	_ =	sdelay $0x3  }
0x34: {  	[smem:$0x3FB0] =	sst s10  }
0x35: {  	s10 =	sld [smem:$0x3FAF];
	_ =	sdelay $0x3  }
0x36: {  	p1 =	seq.s32 s10, $0x1;
	s10 =	sld [smem:$0x3FB0];
	_ =	sdelay $0x3  }
0x37: {  	[smem:$0x3FB0] =	sst s10  }
0x38: {  	s10 =	sld [smem:$0x3FB1]  }
0x39: {  	_ = 	snop;
	(pc) =	sbr.ind lr, $3  }
0x3a: {  	_ = 	snop  }
0x3b: {  	_ = 	snop  }
0x3c: {  	p2 =	seq.s32 s10, $0x1;
	s10 =	sld [smem:$0x3FB0]  }
0x3d: {  	_ =	shalt  }
0x3e: {  	_ =	shalt  }
0x3f: {  	_ =	shalt  }
0x40: {  	_ =	shalt  }
0x41: {  	_ =	shalt  }
0x42: {  	_ =	shalt  }
0x43: {  	_ =	shalt  }
0x44: {  	_ =	shalt  }
0x45: {  	_ =	shalt  }
0x46: {  	_ =	shalt  }
0x47: {  	_ =	shalt  }
0x48: {  	_ =	shalt  }
0x49: {  	_ =	shalt  }
0x4a: {  	_ =	shalt  }
0x4b: {  	_ =	shalt  }
0x4c: {  	_ =	shalt  }
0x4d: {  	_ =	shalt  }
0x4e: {  	_ =	shalt  }
0x4f: {  	_ =	shalt  }
0x50: {  	_ =	shalt  }
0x51: {  	_ =	shalt  }
0x52: {  	_ =	shalt  }
0x53: {  	_ =	shalt  }
0x54: {  	_ =	shalt  }
0x55: {  	_ =	shalt  }
0x56: {  	_ =	shalt  }
0x57: {  	_ =	shalt  }
0x58: {  	_ =	shalt  }
0x59: {  	_ =	shalt  }
0x5a: {  	_ =	shalt  }
0x5b: {  	_ =	shalt  }
0x5c: {  	_ =	shalt  }
0x5d: {  	_ =	shalt  }
0x5e: {  	_ =	shalt  }
0x5f: {  	_ =	shalt  }
0x60: {  	_ =	shalt  }
0x61: {  	_ =	shalt  }
0x62: {  	_ =	shalt  }
0x63: {  	_ =	shalt  }
0x64: {  	_ =	shalt  }
0x65: {  	_ =	shalt  }
0x66: {  	_ =	shalt  }
0x67: {  	_ =	shalt  }
0x68: {  	_ =	shalt  }
0x69: {  	_ =	shalt  }
0x6a: {  	_ =	shalt  }
0x6b: {  	_ =	shalt  }
0x6c: {  	_ =	shalt  }
0x6d: {  	_ =	shalt  }
0x6e: {  	_ =	shalt  }
0x6f: {  	_ =	shalt  }
0x70: {  	_ =	shalt  }
0x71: {  	_ =	shalt  }
0x72: {  	_ =	shalt  }
0x73: {  	_ =	shalt  }
0x74: {  	_ =	shalt  }
0x75: {  	_ =	shalt  }
0x76: {  	_ =	shalt  }
0x77: {  	_ =	shalt  }
0x78: {  	_ =	shalt  }
0x79: {  	_ =	shalt  }
0x7a: {  	_ =	shalt  }
0x7b: {  	_ =	shalt  }
0x7c: {  	_ =	shalt  }
0x7d: {  	_ =	shalt  }
0x7e: {  	_ =	shalt  }
0x7f: {  	_ =	shalt  }
0x80: {  	_ =	shalt  }
0x81: {  	_ =	shalt  }
0x82: {  	_ =	shalt  }
0x83: {  	_ =	shalt  }
0x84: {  	_ =	shalt  }
0x85: {  	_ =	shalt  }
0x86: {  	_ =	shalt  }
0x87: {  	_ =	shalt  }
.Lfunc_end0:
.L_simem_size_0:
called_computation.6_lowered:
.L_overlay_start_0:
0x88: {  	s2 =	sld [smem:$0x3FD9]  }
0x89: {  	s3 =	sld [smem:$0x3FFE];
	_ =	sdelay $0x1  }
0x8a: {  	s1 =	srdreg.scid  }
0x8b: {  	s0 =	sand.u32 $0x1, s1  }
0x8c: {  	s17 =	sshll.u32 s0, $0xA;
	s2 =	sadd.s32 s3, s2  }
0x8d: {  	s2 =	sadd.s32 s2, s17  }
0x8e: {  	[smem:$0x3FBC] =	sst s2  }
0x8f: {  	_ = 	snop  }
0x90: {  	(tm) =	ssettm $0x1  }
0x91: {  	s18 =	sld [smem:$0x3FFB];
	_ =	sdelay $0x3  }
0x92: {  	_ =	strace s18  }
0x93: {  	s2 =	sld [smem:$0x3FFC];
	_ =	sdelay $0x3  }
0x94: {  	_ =	strace s2  }
0x95: {  	s2 =	sld [smem:$0x3FFD];
	_ =	sdelay $0x3  }
0x96: {  	_ =	strace s2  }
0x97: {  	_ =	strace $0x8FFFFFFF  }
0x98: {  	s19 =	sld [smem:$0x3FDB];
	_ =	sdelay $0x1  }
0x99: {  	s20 =	simm.s32 $_scs_section_size  }
0x9a: {  	s4 =	simm.s32 $_size__tile_overlayer_lowered;
	s5 =	simm.s32 $_tile_overlayer_lowered  }
0x9b: {  	s6 =	simm.s32 $0x1BFF;
	s21 =	sshll.u32 s5, $0x1;
	s3 =	sadd.s32 s20, s19  }
0x9c: {  	s22 =	simm.s32 $0x0;
	s4 =	sshll.u32 s4, $0x1;
	s5 =	sadd.s32 s21, s3  }
0x9d: {  	[timem:s22], [sflag:s6] =	dma.local [hbm:s5], s4  }
0x9e: {  	_ =	swait.ge [sflag:s6], s4  }
0x9f: {  	s4 =	ssub.s32 $0x0, s4;
	[sflag:s6] =	ssyncset.done $0x0  }
0xa0: {  	[sflag:s6] =	ssyncadd.s32 s4;
	_ =	sdelay $0x1  }
0xa1: {  	s23 =	simm.s32 $0x1B8B  }
0xa2: {  	_ =	swait.ge [sflag:s23], $0x1  }
0xa3: {  	[sflag:s23] =	ssyncset.done $0x0  }
0xa4: {  	[sflag:s23] =	ssyncadd.s32 $0xFFFFFFFF  }
0xa5: {  	s4 =	sld [smem:$0x0]  }
0xa6: {  	s5 =	sand.u32 $0xFFFFFFFE, s1  }
0xa7: {  	p0 =	sne.s32 s1, s5  }
0xa8: {  	s5 =	sshll.u32 @p0 s5, $0xE  }
0xa9: {  	s5 =	sadd.s32 @p0 $0x11B8D, s5;
	s6 =	sshll.u32 @p0 s4, $0x11  }
0xaa: {  	s5 =	sor.u32 @p0 s6, s5  }
0xab: {  	[sflag:s5] =	ssyncadd.remote.s32 @p0 $0x1;
	_ =	sdelay $0x1  }
0xac: {  	s5 =	simm.s32 @p0 $0x1B8D  }
0xad: {  	_ =	swait.eq @p0 [sflag:s5], $0x1  }
0xae: {  	[sflag:s5] =	ssyncadd.s32 @p0 $0xFFFFFFFF  }
0xaf: {  	s6 =	sshll.u32 @!p0 s1, $0xE  }
0xb0: {  	s6 =	sor.u32 @!p0 $0x4000, s6;
	s5 =	simm.s32 @!p0 $0x1B8D  }
0xb1: {  	s4 =	sshll.u32 @!p0 s4, $0x11;
	s6 =	sadd.s32 @!p0 $0x11B8D, s6;
	_ =	swait.eq @!p0 [sflag:s5], $0x1  }
0xb2: {  	s4 =	sor.u32 @!p0 s4, s6;
	[sflag:s5] =	ssyncadd.s32 @!p0 $0xFFFFFFFF  }
0xb3: {  	s25 =	simm.s32 $0x1B8E;
	s24 =	sld [smem:$0x3FFE];
	[sflag:s4] =	ssyncadd.remote.s32 @!p0 $0x1  }
0xb4: {  	s26 =	simm.s32 $execute0_lowered;
	[smem:$0x3FD2] =	sst s25  }
0xb5: {  	s5 =	sshll.u32 s26, $0x1;
	_ =	strace $0x8000005B;
	[dreg:$0x1] =	wrdreg $0xFFFFFFFF  }
0xb6: {  	s28 =	simm.s32 $_size_execute0_lowered;
	s3 =	sadd.s32 s3, s5;
	[dreg:$0x0] =	wrdreg $0x0  }
0xb7: {  	s5 =	sshll.u32 s28, $0x1;
	[dreg:$0x2] =	wrdreg s3  }
0xb8: {  	[dreg:$0x3] =	wrdreg s5  }
0xb9: {  	[dreg:$0x4] =	wrdreg $0xC0  }
0xba: {  	_ =	task [dreg:s22], $0x5FFFF  }
0xbb: {  	[dreg:$0x1] =	wrdreg $0xFFFFFFFF  }
0xbc: {  	[dreg:$0x0] =	wrdreg $0x60  }
0xbd: {  	[dreg:$0x2] =	wrdreg s24  }
0xbe: {  	[dreg:$0x3] =	wrdreg $0x9  }
0xbf: {  	_ =	task.clear_ibuf [dreg:s22], $0x4FFFF;
	_ =	strace $0x9000005B  }
0xc0: {  	s29 =	simm.s32 $0x9;
	_ =	strace $0x8000005D  }
0xc1: {  	_ =	swait.ge [sflag:s29], $0x1  }
0xc2: {  	[sflag:s29] =	ssyncadd.s32 $0xFFFFFFFF  }
0xc3: {  	_ =	strace $0x9000005D  }
0xc4: {  	_ =	sfence  }
0xc5: {  	s30 =	sld [smem:$0x0];
	_ =	sdelay $0x2  }
0xc6: {  	s31 =	sshll.u32 s1, $0xD;
	s1 =	sshrl.u32 s1, $0x2  }
0xc7: {  	s4 =	sand.u32 $0x4000, s31;
	s1 =	sadd.s32 s1, s30  }
0xc8: {  	s0 =	sor.u32 s4, s0;
	s1 =	sshll.u32 s1, $0x11  }
0xc9: {  	s0 =	sor.u32 s1, s0  }
0xca: {  	s0 =	sadd.s32 $0x8F2B, s0  }
0xcb: {  	[sflag:s0] =	ssyncadd.remote.s32 $0x1  }
0xcc: {  	_ =	sfence.sel $0xFFFF  }
0xcd: {  	[dreg:$0x0] =	wrdreg $0xFFFFFFFF;
	(pc) =	sbr.abs _section_cstart, $3  }
0xce: {  	[dreg:$0x1] =	wrdreg $0xFFFFFFFF  }
0xcf: {  	_ =	task.clear_ibuf [dreg:s22], $0x2FFFF;
	_ =	strace $0x9FFFFFFF  }
0xd0: {  	(tm) =	ssettm $0x7FFFFFFF  }
0xd1: {  	_ =	shalt  }
tec
execute0_lowered:
.L_overlay_start_1:
0x0: {  	(tag) =	ssettag $0x1  }
0x1: {  	s4 =	rddreg [dreg:$0x0]  }
0x2: {  	s0 =	srdreg.scid;
	s1 =	rddreg [dreg:$0x1]  }
0x3: {  	s2 =	simm.s32 $0x0;
	s10 =	simm.s32 $0x2800;
	s11 =	simm.s32 $0x80  }
0x4: {  	s12 =	simm.s32 $0x5000;
	s13 =	simm.s32 $0x9000;
	s14 =	simm.s32 $0x1  }
0x5: {  	s15 =	simm.s32 $0x2;
	s16 =	simm.s32 $0xD000;
	s5 =	sand.u32 $0x1, s0  }
0x6: {  	s17 =	simm.s32 $0x0;
	s0 =	stileid.u32;
	s3 =	smul.u32 $0x28000, s5  }
0x7: {  	[smem:$0x7FF] =	sst s2;
	s6 =	smul.u32 $0x2800, s0;
	s7 =	ssub.s32 $0x2, s5  }
0x8: {  	_ =	strace $0x8000005C;
	s9 =	sshll.u32 s5, $0x4;
	s8 =	sshrl.u32 s7, $0x1  }
0x9: {  	s31 =	sor.u32 s0, s9;
	s9 =	simm.s32 $0x3;
	s3 =	sadd.s32 s6, s3  }
0xa: {  	s8 =	ssub.s32 s7, s8;
	s7 =	smul.u32 $0x2780, s31;
	s6 =	sshrl.u32 s3, $0x3  }
0xb: {  	s3 =	sadd.s32 $0xE00, s4;
	s8 =	smax.u32 s8, $0x1;
	s6 =	sadd.s32 s6, s4  }
0xc: {  	s4 =	sadd.s32 $0x5DDA00, s4;
	s5 =	sadd.s32 $0x28000, s6;
	s6 =	sadd.s32 $0x32000, s6  }
.LBB2_1:
0xd: {  	[tilespmem:s2], [sflag:$0x3] =	stream.linear.gather [hbm4b:s5+s2], $0x2780, $0x38;
	[tilespmem:$0x11000] =	vst v63  }
0xe: {  	_ =	swait.ge [sflag:s9], $0x2780  }
0xf: {  	[sflag:s9] =	ssyncset.done $0x0  }
0x10: {  	[sflag:s9] =	ssyncadd.s32 $0xFFFFD880  }
0x11: {  	[tilespmem:s10], [sflag:$0x3] =	stream.linear.gather [hbm4b:s6+s2], $0x2780, $0x38;
	[tilespmem:$0x11000] =	vst v63  }
0x12: {  	_ =	swait.ge [sflag:s9], $0x2780  }
0x13: {  	[sflag:s9] =	ssyncset.done $0x0  }
0x14: {  	s18 =	simm.s32 $0x0;
	[sflag:s9] =	ssyncadd.s32 $0xFFFFD880  }
.LBB2_2:
0x15: {  	s19 =	sshll.u32 s18, $0x7  }
0x16: {  	[tilespmem:s12], [sflag:$0x1] =	stream.indirect.gather [hbm4b:s3+s11], $0x80, s19, s11, $0xb8;
	[tilespmem:$0x11000] =	vst v63  }
0x17: {  	s20 =	sadd.s32 $0x2800, s19  }
0x18: {  	[tilespmem:s13], [sflag:$0x2] =	stream.indirect.gather [hbm4b:s3+s11], $0x80, s20, s11, $0xb8;
	[tilespmem:$0x11000] =	vst v63  }
0x19: {  	_ =	swait.ge [sflag:s14], $0x4000  }
0x1a: {  	[sflag:s14] =	ssyncset.done $0x0  }
0x1b: {  	[sflag:s14] =	ssyncadd.s32 $0xFFFFC000  }
0x1c: {  	_ =	swait.ge [sflag:s15], $0x4000  }
0x1d: {  	[sflag:s15] =	ssyncset.done $0x0  }
0x1e: {  	s20 =	simm.s32 $0x0;
	[sflag:s15] =	ssyncadd.s32 $0xFFFFC000  }
0x1f: {  	v0 =	vld [tilespmem:s20+$0x5000]  }
0x20: {  	v1 =	vld [tilespmem:s20+$0x9000]  }
0x21: {  	v2 =	vld [tilespmem:s20+$0x5010]  }
0x22: {  	v3 =	vld [tilespmem:s20+$0x9010]  }
0x23: {  	v4 =	vld [tilespmem:s20+$0x5020]  }
0x24: {  	v5 =	vld [tilespmem:s20+$0x9020]  }
0x25: {  	v6 =	vld [tilespmem:s20+$0x5030]  }
0x26: {  	v7 =	vld [tilespmem:s20+$0x9030]  }
0x27: {  	v0 =	vmul.f32 v1, v0;
	v1 =	vmul.f32 v3, v2;
	v2 =	vld [tilespmem:s20+$0x5040]  }
0x28: {  	v3 =	vld [tilespmem:s20+$0x9040]  }
0x29: {  	v8 =	vld [tilespmem:s20+$0x9050];
	v0 =	vadd.f32 v1, v0;
	v1 =	vmul.f32 v5, v4  }
0x2a: {  	v5 =	vld [tilespmem:s20+$0x5050]  }
0x2b: {  	v0 =	vadd.f32 v1, v0;
	v1 =	vmul.f32 v7, v6;
	v6 =	vld [tilespmem:s20+$0x5060]  }
0x2c: {  	v7 =	vld [tilespmem:s20+$0x9060]  }
0x2d: {  	v4 =	vld [tilespmem:s20+$0x9070];
	v2 =	vmul.f32 v3, v2;
	v9 =	vadd.f32 v1, v0  }
0x2e: {  	s21 =	simm.s32 $0x80;
	v1 =	vld [tilespmem:s20+$0x5070]  }
0x2f: {  	v3 =	vld [tilespmem:s21+$0x5010];
	v5 =	vmul.f32 v8, v5;
	v9 =	vadd.f32 v2, v9  }
0x30: {  	v0 =	vld [tilespmem:s21+$0x5000]  }
0x31: {  	s22 =	simm.s32 $0x400;
	v2 =	vld [tilespmem:s21+$0x9000];
	v6 =	vmul.f32 v7, v6;
	v5 =	vadd.f32 v5, v9  }
.LBB2_3:
0x32: {  	p0 =	sne.s32 s22, $0xFE00;
	v7 =	vld [tilespmem:s21+$0x9010]  }
0x33: {  	v8 =	vld [tilespmem:s21+$0x5020];
	v5 =	vadd.f32 v6, v5;
	v1 =	vmul.f32 v4, v1  }
0x34: {  	v4 =	vld [tilespmem:s21+$0x9020]  }
0x35: {  	v6 =	vld [tilespmem:s21+$0x5030];
	v1 =	vadd.f32 v1, v5  }
0x36: {  	v5 =	vld [tilespmem:s21+$0x9030]  }
0x37: {  	v0 =	vmul.f32 v2, v0;
	v2 =	vmul.f32 v7, v3;
	v3 =	vld [tilespmem:s21+$0x5040];
	[tilespmem:s20+$0xD000] =	vst v1;
	s20 =	smov.u32 s21  }
0x38: {  	v1 =	vld [tilespmem:s20+$0x9040]  }
0x39: {  	v0 =	vadd.f32 v2, v0;
	v2 =	vmul.f32 v4, v8;
	v7 =	vld [tilespmem:s20+$0x5050]  }
0x3a: {  	v8 =	vld [tilespmem:s20+$0x9050]  }
0x3b: {  	v0 =	vadd.f32 v2, v0;
	v2 =	vmul.f32 v5, v6;
	v6 =	vld [tilespmem:s20+$0x5060]  }
0x3c: {  	v9 =	vld [tilespmem:s20+$0x9060]  }
.Ltmp0:
0x3d: {  	v2 =	vadd.f32 v2, v0;
	v3 =	vmul.f32 v1, v3;
	v1 =	vld [tilespmem:s20+$0x5070];
	(pc) =	sbr.rel @p0 .LBB2_3-.Ltmp0, $4  }
0x3e: {  	s21 =	sshra.s32 s22, $0x2;
	v4 =	vld [tilespmem:s20+$0x9070]  }
0x3f: {  	v0 =	vld [tilespmem:s21+$0x5000];
	v5 =	vadd.f32 v3, v2;
	v7 =	vmul.f32 v8, v7  }
0x40: {  	v2 =	vld [tilespmem:s21+$0x9000]  }
0x41: {  	s22 =	sadd.s32 $0x200, s22;
	v3 =	vld [tilespmem:s21+$0x5010];
	v5 =	vadd.f32 v7, v5;
	v6 =	vmul.f32 v9, v6  }
0x42: {  	v7 =	vld [tilespmem:s21+$0x9010]  }
0x43: {  	v8 =	vld [tilespmem:s21+$0x5020];
	v5 =	vadd.f32 v6, v5;
	v1 =	vmul.f32 v4, v1  }
0x44: {  	v49 =	vld [tilespmem:s21+$0x9020]  }
0x45: {  	v50 =	vld [tilespmem:s21+$0x5030];
	v1 =	vadd.f32 v1, v5  }
0x46: {  	v51 =	vld [tilespmem:s21+$0x9030]  }
0x47: {  	v9 =	vld [tilespmem:s21+$0x5040];
	v0 =	vmul.f32 v2, v0;
	v52 =	vmul.f32 v7, v3;
	[tilespmem:s20+$0xD000] =	vst v1  }
0x48: {  	v1 =	vld [tilespmem:s21+$0x9040]  }
0x49: {  	v53 =	vmul.f32 v49, v8;
	v54 =	vld [tilespmem:s21+$0x5050];
	v0 =	vadd.f32 v52, v0  }
0x4a: {  	v55 =	vld [tilespmem:s21+$0x9050]  }
0x4b: {  	v56 =	vmul.f32 v51, v50;
	v57 =	vld [tilespmem:s21+$0x5060];
	v0 =	vadd.f32 v53, v0  }
0x4c: {  	v58 =	vld [tilespmem:s21+$0x9060]  }
0x4d: {  	v59 =	vld [tilespmem:s21+$0x5070];
	v0 =	vadd.f32 v56, v0;
	v1 =	vmul.f32 v1, v9  }
0x4e: {  	v60 =	vld [tilespmem:s21+$0x9070]  }
0x4f: {  	v61 =	vmul.f32 v55, v54;
	v0 =	vadd.f32 v1, v0;
	_ =	sdelay $0x1  }
0x50: {  	v62 =	vmul.f32 v58, v57;
	v0 =	vadd.f32 v61, v0;
	_ =	sdelay $0x1  }
0x51: {  	v63 =	vmul.f32 v60, v59;
	v0 =	vadd.f32 v62, v0;
	_ =	sdelay $0x1  }
0x52: {  	s19 =	sadd.s32 s7, s19;
	s18 =	sadd.s32 $0x1, s18;
	v0 =	vadd.f32 v63, v0  }
0x53: {  	s19 =	sshll.u32 s19, $0x4;
	p0 =	sne.s32 s18, $0x4F  }
.Ltmp1:
0x54: {  	s19 =	sadd.s32 s4, s19;
	[tilespmem:s21+$0xD000] =	vst v0;
	(pc) =	sbr.rel @p0 .LBB2_2-.Ltmp1, $4  }
0x55: {  	[hbm4b:s19+s2] =	stream.linear.scatter [tilespmem:s16], [sflag:$0x3], $0x4000, $0x38;
	[tilespmem:$0x11000] =	vst v63  }
0x56: {  	_ =	swait.ge [sflag:s9], $0x4000  }
0x57: {  	[sflag:s9] =	ssyncset.done $0x0  }
0x58: {  	[sflag:s9] =	ssyncadd.s32 $0xFFFFC000  }
0x59: {  	s17 =	sadd.s32 $0x1, s17  }
0x5a: {  	p0 =	sne.s32 s17, s8  }
.Ltmp2:
0x5b: {  	_ = 	snop;
	(pc) =	sbr.rel @p0 .LBB2_1-.Ltmp2, $1  }
0x5c: {  	_ =	sdelay $0x3  }
0x5d: {  	_ =	sfence.sel $0x180000  }
0x5e: {  	[bflag:$0x0] =	sbarrier.arrive $0xFFFF  }
0x5f: {  	p0 =	sne.s32 s0, $0x0;
	_ =	strace $0x9000005C  }
0x60: {  	s0 =	sadd.s32 @!p0 $0x100000, s1;
	[bflag:$0x2] =	sbarrier.arrive $0xFFFF  }
0x61: {  	[sflag:s0] =	ssyncadd.tile.s32 @!p0 $0x1;
	_ =	shalt  }
.Lfunc_end2:
_tile_overlayer_lowered:
.L_overlay_start_2:
0x62: {  	(tag) =	ssettag $0x2  }
0x63: {  	s0 =	rddreg [dreg:$0x0];
	s2 =	stileid.u32  }
0x64: {  	s1 =	rddreg [dreg:$0x1];
	p0 =	sne.s32 s2, $0x0  }
0x65: {  	s3 =	rddreg [dreg:$0x2];
	[bflag:$0x3] =	sbarrier.arrive $0xFFFF;
	s2 =	simm.s32 @!p0 $0x1C03  }
0x66: {  	[timem:s3], [sflag:s2] =	dma.local @!p0 [hbm:s0], s1  }
0x67: {  	s0 =	simm.s32 @!p0 $0x3  }
0x68: {  	_ =	swait.ge @!p0 [sflag:s0], s1  }
0x69: {  	s1 =	ssub.s32 @!p0 $0x0, s1;
	[sflag:s0] =	ssyncset.done @!p0 $0x0  }
0x6a: {  	[sflag:s0] =	ssyncadd.s32 @!p0 s1  }
0x6b: {  	[bflag:$0x3] =	sbarrier.arrive $0xFFFF  }
0x6c: {  	_ =	shalt  }

// kernel: kernel.36.cloned.1.call-start
scs
__scs_entry_jumppad:
0x0: {  	(pc) =	sbr.rel $0x88, $3  }
0x1: {  	(tag) =	ssettag $0x0;
	lr =	simm.s32 $0x1  }
0x2: {  	[smem:$0x3F95] =	sst lr;
	_ =	strace $0xD0000000  }
0x3: {  	_ = 	snop  }
0x4: {  	_ = 	snop  }
0x5: {  	_ = 	snop  }
0x6: {  	_ = 	snop  }
0x7: {  	_ = 	snop  }
__scs_overlays_trampoline_lowered:
0x8: {  	[smem:$0x3FA4] =	sst s0  }
0x9: {  	[smem:$0x3FA5] =	sst s1  }
0xa: {  	[smem:$0x3FA6] =	sst s2  }
0xb: {  	[smem:$0x3FA7] =	sst s3  }
0xc: {  	[smem:$0x3FA8] =	sst s4  }
0xd: {  	[smem:$0x3FA9] =	sst s5  }
0xe: {  	[smem:$0x3FAA] =	sst s6  }
0xf: {  	[smem:$0x3FAB] =	sst s7  }
0x10: {  	[smem:$0x3FAC] =	sst s8  }
0x11: {  	[smem:$0x3FAD] =	sst s9;
	s0 =	simm.s32 @!p0 $0x0  }
0x12: {  	s1 =	sld [smem:$0x3F93];
	s0 =	simm.s32 @p0 $0x1  }
0x13: {  	[smem:$0x3FAE] =	sst s0;
	s0 =	simm.s32 @!p1 $0x0  }
0x14: {  	s2 =	sld [smem:$0x3F92];
	s0 =	simm.s32 @p1 $0x1  }
0x15: {  	[smem:$0x3FAF] =	sst s0;
	s0 =	simm.s32 @!p2 $0x0  }
0x16: {  	s3 =	sld [smem:$0x3FDB];
	s0 =	simm.s32 @p2 $0x1  }
0x17: {  	s4 =	simm.s32 $0x1BF5;
	[smem:$0x3FB1] =	sst s0  }
0x18: {  	s0 =	sld [smem:$0x3F94];
	_ =	swait.ge [sflag:s4], $0x0  }
0x19: {  	s7 =	sld [smem:$0x3F95]  }
0x1a: {  	s8 =	sadd.s32 $0xFFFFE003, lr  }
0x1b: {  	s9 =	sadd.s32 $0xFFFFFEF7, lr;
	s5 =	simm.s32 $0xFFFFFFFF;
	p2 =	slt.u32 s8, $0xFFFFF086  }
0x1c: {  	p1 =	slt.u32 s9, $0xF7A;
	s5 =	simm.s32 @!p2 $0x0  }
0x1d: {  	s5 =	simm.s32 @p1 $0x1;
	p0 =	seq.s32 s7, s2  }
0x1e: {  	s7 =	smul.u32 @!p0 $0xF7A, s2;
	p2 =	seq.s32 @!p0 s5, $0x0  }
0x1f: {  	s9 =	smul.u32 $0xF7A, s1;
	s8 =	simm.s32 @!p0 $0x1BF5;
	p2 =	por !p2, p0  }
0x20: {  	[sflag:s8] =	ssyncset.s32 @!p0 $0xFFFFF086;
	s6 =	sadd.s32 @!p0 s3, s7;
	s7 =	simm.s32 @!p0 $0x108  }
0x21: {  	s3 =	sadd.s32 s3, s9;
	s6 =	sadd.s32 @!p0 $0x88, s6;
	s7 =	simm.s32 @p2 $0x1082  }
0x22: {  	[simem:s7], [sflag:s8] =	dma.local @!p0 [hbm:s6], $0xF7A  }
0x23: {  	s9 =	sor.u32 $0xD0000000, s2;
	s6 =	simm.s32 $0x108;
	_ =	swait.ge @!p0 [sflag:s8], $0x0  }
0x24: {  	s3 =	sadd.s32 $0x88, s3;
	s6 =	simm.s32 @!p1 $0x1082;
	[sflag:s4] =	ssyncset.s32 $0xFFFFF086  }
0x25: {  	[simem:s6], [sflag:s4] =	dma.local [hbm:s3], $0xF7A  }
0x26: {  	[smem:$0x3F95] =	sst s1;
	(tag) =	ssettag s2;
	_ =	strace s9  }
0x27: {  	s1 =	sld [smem:$0x3FA5]  }
0x28: {  	s2 =	sld [smem:$0x3FA6]  }
0x29: {  	s4 =	sld [smem:$0x3FA8]  }
0x2a: {  	p0 =	seq.s32 s5, $0x0;
	s5 =	sld [smem:$0x3FA9]  }
0x2b: {  	s6 =	sld [smem:$0x3FAA]  }
0x2c: {  	s7 =	sld [smem:$0x3FAB]  }
0x2d: {  	s3 =	simm.s32 $0x108;
	s8 =	sld [smem:$0x3FAC]  }
0x2e: {  	s3 =	simm.s32 @!p0 $0x1082;
	s9 =	sld [smem:$0x3FAD]  }
0x2f: {  	lr =	sadd.s32 s0, s3;
	s0 =	sld [smem:$0x3FA4]  }
0x30: {  	s3 =	sld [smem:$0x3FA7]  }
0x31: {  	[smem:$0x3FB0] =	sst s10  }
0x32: {  	s10 =	sld [smem:$0x3FAE];
	_ =	sdelay $0x3  }
0x33: {  	p0 =	seq.s32 s10, $0x1;
	s10 =	sld [smem:$0x3FB0];
	_ =	sdelay $0x3  }
0x34: {  	[smem:$0x3FB0] =	sst s10  }
0x35: {  	s10 =	sld [smem:$0x3FAF];
	_ =	sdelay $0x3  }
0x36: {  	p1 =	seq.s32 s10, $0x1;
	s10 =	sld [smem:$0x3FB0];
	_ =	sdelay $0x3  }
0x37: {  	[smem:$0x3FB0] =	sst s10  }
0x38: {  	s10 =	sld [smem:$0x3FB1]  }
0x39: {  	_ = 	snop;
	(pc) =	sbr.ind lr, $3  }
0x3a: {  	_ = 	snop  }
0x3b: {  	_ = 	snop  }
0x3c: {  	p2 =	seq.s32 s10, $0x1;
	s10 =	sld [smem:$0x3FB0]  }
0x3d: {  	_ =	shalt  }
0x3e: {  	_ =	shalt  }
0x3f: {  	_ =	shalt  }
0x40: {  	_ =	shalt  }
0x41: {  	_ =	shalt  }
0x42: {  	_ =	shalt  }
0x43: {  	_ =	shalt  }
0x44: {  	_ =	shalt  }
0x45: {  	_ =	shalt  }
0x46: {  	_ =	shalt  }
0x47: {  	_ =	shalt  }
0x48: {  	_ =	shalt  }
0x49: {  	_ =	shalt  }
0x4a: {  	_ =	shalt  }
0x4b: {  	_ =	shalt  }
0x4c: {  	_ =	shalt  }
0x4d: {  	_ =	shalt  }
0x4e: {  	_ =	shalt  }
0x4f: {  	_ =	shalt  }
0x50: {  	_ =	shalt  }
0x51: {  	_ =	shalt  }
0x52: {  	_ =	shalt  }
0x53: {  	_ =	shalt  }
0x54: {  	_ =	shalt  }
0x55: {  	_ =	shalt  }
0x56: {  	_ =	shalt  }
0x57: {  	_ =	shalt  }
0x58: {  	_ =	shalt  }
0x59: {  	_ =	shalt  }
0x5a: {  	_ =	shalt  }
0x5b: {  	_ =	shalt  }
0x5c: {  	_ =	shalt  }
0x5d: {  	_ =	shalt  }
0x5e: {  	_ =	shalt  }
0x5f: {  	_ =	shalt  }
0x60: {  	_ =	shalt  }
0x61: {  	_ =	shalt  }
0x62: {  	_ =	shalt  }
0x63: {  	_ =	shalt  }
0x64: {  	_ =	shalt  }
0x65: {  	_ =	shalt  }
0x66: {  	_ =	shalt  }
0x67: {  	_ =	shalt  }
0x68: {  	_ =	shalt  }
0x69: {  	_ =	shalt  }
0x6a: {  	_ =	shalt  }
0x6b: {  	_ =	shalt  }
0x6c: {  	_ =	shalt  }
0x6d: {  	_ =	shalt  }
0x6e: {  	_ =	shalt  }
0x6f: {  	_ =	shalt  }
0x70: {  	_ =	shalt  }
0x71: {  	_ =	shalt  }
0x72: {  	_ =	shalt  }
0x73: {  	_ =	shalt  }
0x74: {  	_ =	shalt  }
0x75: {  	_ =	shalt  }
0x76: {  	_ =	shalt  }
0x77: {  	_ =	shalt  }
0x78: {  	_ =	shalt  }
0x79: {  	_ =	shalt  }
0x7a: {  	_ =	shalt  }
0x7b: {  	_ =	shalt  }
0x7c: {  	_ =	shalt  }
0x7d: {  	_ =	shalt  }
0x7e: {  	_ =	shalt  }
0x7f: {  	_ =	shalt  }
0x80: {  	_ =	shalt  }
0x81: {  	_ =	shalt  }
0x82: {  	_ =	shalt  }
0x83: {  	_ =	shalt  }
0x84: {  	_ =	shalt  }
0x85: {  	_ =	shalt  }
0x86: {  	_ =	shalt  }
0x87: {  	_ =	shalt  }
.Lfunc_end0:
.L_simem_size_0:
called_computation.7_lowered:
.L_overlay_start_0:
0x88: {  	s2 =	sld [smem:$0x3FD9]  }
0x89: {  	s3 =	sld [smem:$0x3FFE];
	_ =	sdelay $0x1  }
0x8a: {  	s1 =	srdreg.scid  }
0x8b: {  	s0 =	sand.u32 $0x1, s1  }
0x8c: {  	s16 =	sshll.u32 s0, $0xA;
	s2 =	sadd.s32 s3, s2  }
0x8d: {  	s2 =	sadd.s32 s2, s16  }
0x8e: {  	[smem:$0x3FBC] =	sst s2  }
0x8f: {  	_ = 	snop  }
0x90: {  	(tm) =	ssettm $0x1  }
0x91: {  	s17 =	sld [smem:$0x3FFB];
	_ =	sdelay $0x3  }
0x92: {  	_ =	strace s17  }
0x93: {  	s2 =	sld [smem:$0x3FFC];
	_ =	sdelay $0x3  }
0x94: {  	_ =	strace s2  }
0x95: {  	s2 =	sld [smem:$0x3FFD];
	_ =	sdelay $0x3  }
0x96: {  	_ =	strace s2  }
0x97: {  	_ =	strace $0x8FFFFFFF  }
0x98: {  	s18 =	sld [smem:$0x3FDB];
	_ =	sdelay $0x1  }
0x99: {  	s19 =	simm.s32 $_scs_section_size  }
0x9a: {  	s4 =	simm.s32 $_size__tile_overlayer_lowered;
	s5 =	simm.s32 $_tile_overlayer_lowered  }
0x9b: {  	s22 =	simm.s32 $0x1BFF;
	s21 =	sshll.u32 s5, $0x1;
	s2 =	sadd.s32 s19, s18  }
0x9c: {  	s6 =	simm.s32 $0x0;
	s20 =	sshll.u32 s4, $0x1;
	s4 =	sadd.s32 s21, s2  }
0x9d: {  	[timem:s6], [sflag:s22] =	dma.local [hbm:s4], s20  }
0x9e: {  	_ =	swait.ge [sflag:s22], s20  }
0x9f: {  	s3 =	ssub.s32 $0x0, s20;
	[sflag:s22] =	ssyncset.done $0x0  }
0xa0: {  	[sflag:s22] =	ssyncadd.s32 s3;
	_ =	sdelay $0x1  }
0xa1: {  	s23 =	simm.s32 $0x1B8B  }
0xa2: {  	_ =	swait.ge [sflag:s23], $0x1  }
0xa3: {  	[sflag:s23] =	ssyncset.done $0x0  }
0xa4: {  	s25 =	simm.s32 $0x1B8E;
	s24 =	sld [smem:$0x3FFE];
	[sflag:s23] =	ssyncadd.s32 $0xFFFFFFFF  }
0xa5: {  	s26 =	simm.s32 $execute0_lowered;
	[smem:$0x3FD2] =	sst s25  }
0xa6: {  	s4 =	sshll.u32 s26, $0x1;
	_ =	strace $0x80000058;
	[dreg:$0x1] =	wrdreg $0xFFFFFFFF  }
0xa7: {  	s28 =	simm.s32 $_size_execute0_lowered;
	s2 =	sadd.s32 s2, s4;
	[dreg:$0x0] =	wrdreg $0x0  }
0xa8: {  	s4 =	sshll.u32 s28, $0x1;
	[dreg:$0x2] =	wrdreg s2  }
0xa9: {  	[dreg:$0x3] =	wrdreg s4  }
0xaa: {  	[dreg:$0x4] =	wrdreg $0xC0  }
0xab: {  	_ =	task [dreg:s6], $0x5FFFF  }
0xac: {  	[dreg:$0x1] =	wrdreg $0xFFFFFFFF  }
0xad: {  	[dreg:$0x0] =	wrdreg $0x60  }
0xae: {  	[dreg:$0x2] =	wrdreg s24  }
0xaf: {  	[dreg:$0x3] =	wrdreg $0xA  }
0xb0: {  	_ =	task.clear_ibuf [dreg:s6], $0x4FFFF;
	_ =	strace $0x90000058  }
0xb1: {  	s29 =	simm.s32 $0xA;
	_ =	strace $0x8000005A  }
0xb2: {  	_ =	swait.ge [sflag:s29], $0x1  }
0xb3: {  	[sflag:s29] =	ssyncadd.s32 $0xFFFFFFFF  }
0xb4: {  	_ =	strace $0x9000005A  }
0xb5: {  	_ =	sfence  }
0xb6: {  	s30 =	sld [smem:$0x0];
	_ =	sdelay $0x2  }
0xb7: {  	s31 =	sshll.u32 s1, $0xD;
	s1 =	sshrl.u32 s1, $0x2  }
0xb8: {  	s3 =	sand.u32 $0x4000, s31;
	s1 =	sadd.s32 s1, s30  }
0xb9: {  	s0 =	sor.u32 s3, s0;
	s1 =	sshll.u32 s1, $0x11  }
0xba: {  	s0 =	sor.u32 s1, s0  }
0xbb: {  	s0 =	sadd.s32 $0x8F2B, s0  }
0xbc: {  	[sflag:s0] =	ssyncadd.remote.s32 $0x1  }
0xbd: {  	_ =	sfence.sel $0xFFFF  }
0xbe: {  	[dreg:$0x0] =	wrdreg $0xFFFFFFFF;
	(pc) =	sbr.abs _section_cstart, $3  }
0xbf: {  	[dreg:$0x1] =	wrdreg $0xFFFFFFFF  }
0xc0: {  	_ =	task.clear_ibuf [dreg:s6], $0x2FFFF;
	_ =	strace $0x9FFFFFFF  }
0xc1: {  	(tm) =	ssettm $0x7FFFFFFF  }
tec
execute0_lowered:
.L_overlay_start_1:
0x0: {  	(tag) =	ssettag $0x1  }
0x1: {  	s4 =	rddreg [dreg:$0x0]  }
0x2: {  	s0 =	srdreg.scid;
	s1 =	rddreg [dreg:$0x1]  }
0x3: {  	s2 =	simm.s32 $0x0;
	s10 =	simm.s32 $0x2800;
	s11 =	simm.s32 $0x80  }
0x4: {  	s12 =	simm.s32 $0x5000;
	s13 =	simm.s32 $0x9000;
	s14 =	simm.s32 $0x1  }
0x5: {  	s15 =	simm.s32 $0x2;
	s16 =	simm.s32 $0xD000;
	s5 =	sand.u32 $0x1, s0  }
0x6: {  	s17 =	simm.s32 $0x0;
	s0 =	stileid.u32;
	s3 =	smul.u32 $0x28000, s5  }
0x7: {  	[smem:$0x7FF] =	sst s2;
	s6 =	smul.u32 $0x2800, s0;
	s7 =	ssub.s32 $0x2, s5  }
0x8: {  	_ =	strace $0x80000059;
	s9 =	sshll.u32 s5, $0x4;
	s8 =	sshrl.u32 s7, $0x1  }
0x9: {  	s31 =	sor.u32 s0, s9;
	s9 =	simm.s32 $0x3;
	s3 =	sadd.s32 s6, s3  }
0xa: {  	s8 =	ssub.s32 s7, s8;
	s7 =	smul.u32 $0x2780, s31;
	s6 =	sshrl.u32 s3, $0x3  }
0xb: {  	s3 =	sadd.s32 $0xE00, s4;
	s8 =	smax.u32 s8, $0x1;
	s6 =	sadd.s32 s6, s4  }
0xc: {  	s4 =	sadd.s32 $0xEDA00, s4;
	s5 =	sadd.s32 $0xD9A00, s6;
	s6 =	sadd.s32 $0xE3A00, s6  }
.LBB2_1:
0xd: {  	[tilespmem:s2], [sflag:$0x3] =	stream.linear.gather [hbm4b:s5+s2], $0x2780, $0x38;
	[tilespmem:$0x11000] =	vst v63  }
0xe: {  	_ =	swait.ge [sflag:s9], $0x2780  }
0xf: {  	[sflag:s9] =	ssyncset.done $0x0  }
0x10: {  	[sflag:s9] =	ssyncadd.s32 $0xFFFFD880  }
0x11: {  	[tilespmem:s10], [sflag:$0x3] =	stream.linear.gather [hbm4b:s6+s2], $0x2780, $0x38;
	[tilespmem:$0x11000] =	vst v63  }
0x12: {  	_ =	swait.ge [sflag:s9], $0x2780  }
0x13: {  	[sflag:s9] =	ssyncset.done $0x0  }
0x14: {  	s18 =	simm.s32 $0x0;
	[sflag:s9] =	ssyncadd.s32 $0xFFFFD880  }
.LBB2_2:
0x15: {  	s19 =	sshll.u32 s18, $0x7  }
0x16: {  	[tilespmem:s12], [sflag:$0x1] =	stream.indirect.gather [hbm4b:s3+s11], $0x80, s19, s11, $0xb8;
	[tilespmem:$0x11000] =	vst v63  }
0x17: {  	s20 =	sadd.s32 $0x2800, s19  }
0x18: {  	[tilespmem:s13], [sflag:$0x2] =	stream.indirect.gather [hbm4b:s3+s11], $0x80, s20, s11, $0xb8;
	[tilespmem:$0x11000] =	vst v63  }
0x19: {  	_ =	swait.ge [sflag:s14], $0x4000  }
0x1a: {  	[sflag:s14] =	ssyncset.done $0x0  }
0x1b: {  	[sflag:s14] =	ssyncadd.s32 $0xFFFFC000  }
0x1c: {  	_ =	swait.ge [sflag:s15], $0x4000  }
0x1d: {  	[sflag:s15] =	ssyncset.done $0x0  }
0x1e: {  	s20 =	simm.s32 $0x0;
	[sflag:s15] =	ssyncadd.s32 $0xFFFFC000  }
0x1f: {  	v0 =	vld [tilespmem:s20+$0x5000]  }
0x20: {  	v1 =	vld [tilespmem:s20+$0x9000]  }
0x21: {  	v2 =	vld [tilespmem:s20+$0x5010]  }
0x22: {  	v3 =	vld [tilespmem:s20+$0x9010]  }
0x23: {  	v4 =	vld [tilespmem:s20+$0x5020]  }
0x24: {  	v5 =	vld [tilespmem:s20+$0x9020]  }
0x25: {  	v6 =	vld [tilespmem:s20+$0x5030]  }
0x26: {  	v7 =	vld [tilespmem:s20+$0x9030]  }
0x27: {  	v0 =	vmul.f32 v1, v0;
	v1 =	vmul.f32 v3, v2;
	v2 =	vld [tilespmem:s20+$0x5040]  }
0x28: {  	v3 =	vld [tilespmem:s20+$0x9040]  }
0x29: {  	v8 =	vld [tilespmem:s20+$0x9050];
	v0 =	vadd.f32 v1, v0;
	v1 =	vmul.f32 v5, v4  }
0x2a: {  	v5 =	vld [tilespmem:s20+$0x5050]  }
0x2b: {  	v0 =	vadd.f32 v1, v0;
	v1 =	vmul.f32 v7, v6;
	v6 =	vld [tilespmem:s20+$0x5060]  }
0x2c: {  	v7 =	vld [tilespmem:s20+$0x9060]  }
0x2d: {  	v4 =	vld [tilespmem:s20+$0x9070];
	v2 =	vmul.f32 v3, v2;
	v9 =	vadd.f32 v1, v0  }
0x2e: {  	s21 =	simm.s32 $0x80;
	v1 =	vld [tilespmem:s20+$0x5070]  }
0x2f: {  	v3 =	vld [tilespmem:s21+$0x5010];
	v5 =	vmul.f32 v8, v5;
	v9 =	vadd.f32 v2, v9  }
0x30: {  	v0 =	vld [tilespmem:s21+$0x5000]  }
0x31: {  	s22 =	simm.s32 $0x400;
	v2 =	vld [tilespmem:s21+$0x9000];
	v6 =	vmul.f32 v7, v6;
	v5 =	vadd.f32 v5, v9  }
.LBB2_3:
0x32: {  	p0 =	sne.s32 s22, $0xFE00;
	v7 =	vld [tilespmem:s21+$0x9010]  }
0x33: {  	v8 =	vld [tilespmem:s21+$0x5020];
	v5 =	vadd.f32 v6, v5;
	v1 =	vmul.f32 v4, v1  }
0x34: {  	v4 =	vld [tilespmem:s21+$0x9020]  }
0x35: {  	v6 =	vld [tilespmem:s21+$0x5030];
	v1 =	vadd.f32 v1, v5  }
0x36: {  	v5 =	vld [tilespmem:s21+$0x9030]  }
0x37: {  	v0 =	vmul.f32 v2, v0;
	v2 =	vmul.f32 v7, v3;
	v3 =	vld [tilespmem:s21+$0x5040];
	[tilespmem:s20+$0xD000] =	vst v1;
	s20 =	smov.u32 s21  }
0x38: {  	v1 =	vld [tilespmem:s20+$0x9040]  }
0x39: {  	v0 =	vadd.f32 v2, v0;
	v2 =	vmul.f32 v4, v8;
	v7 =	vld [tilespmem:s20+$0x5050]  }
0x3a: {  	v8 =	vld [tilespmem:s20+$0x9050]  }
0x3b: {  	v0 =	vadd.f32 v2, v0;
	v2 =	vmul.f32 v5, v6;
	v6 =	vld [tilespmem:s20+$0x5060]  }
0x3c: {  	v9 =	vld [tilespmem:s20+$0x9060]  }
.Ltmp0:
0x3d: {  	v2 =	vadd.f32 v2, v0;
	v3 =	vmul.f32 v1, v3;
	v1 =	vld [tilespmem:s20+$0x5070];
	(pc) =	sbr.rel @p0 .LBB2_3-.Ltmp0, $4  }
0x3e: {  	s21 =	sshra.s32 s22, $0x2;
	v4 =	vld [tilespmem:s20+$0x9070]  }
0x3f: {  	v0 =	vld [tilespmem:s21+$0x5000];
	v5 =	vadd.f32 v3, v2;
	v7 =	vmul.f32 v8, v7  }
0x40: {  	v2 =	vld [tilespmem:s21+$0x9000]  }
0x41: {  	s22 =	sadd.s32 $0x200, s22;
	v3 =	vld [tilespmem:s21+$0x5010];
	v5 =	vadd.f32 v7, v5;
	v6 =	vmul.f32 v9, v6  }
0x42: {  	v7 =	vld [tilespmem:s21+$0x9010]  }
0x43: {  	v8 =	vld [tilespmem:s21+$0x5020];
	v5 =	vadd.f32 v6, v5;
	v1 =	vmul.f32 v4, v1  }
0x44: {  	v49 =	vld [tilespmem:s21+$0x9020]  }
0x45: {  	v50 =	vld [tilespmem:s21+$0x5030];
	v1 =	vadd.f32 v1, v5  }
0x46: {  	v51 =	vld [tilespmem:s21+$0x9030]  }
0x47: {  	v9 =	vld [tilespmem:s21+$0x5040];
	v0 =	vmul.f32 v2, v0;
	v52 =	vmul.f32 v7, v3;
	[tilespmem:s20+$0xD000] =	vst v1  }
0x48: {  	v1 =	vld [tilespmem:s21+$0x9040]  }
0x49: {  	v53 =	vmul.f32 v49, v8;
	v54 =	vld [tilespmem:s21+$0x5050];
	v0 =	vadd.f32 v52, v0  }
0x4a: {  	v55 =	vld [tilespmem:s21+$0x9050]  }
0x4b: {  	v56 =	vmul.f32 v51, v50;
	v57 =	vld [tilespmem:s21+$0x5060];
	v0 =	vadd.f32 v53, v0  }
0x4c: {  	v58 =	vld [tilespmem:s21+$0x9060]  }
0x4d: {  	v59 =	vld [tilespmem:s21+$0x5070];
	v0 =	vadd.f32 v56, v0;
	v1 =	vmul.f32 v1, v9  }
0x4e: {  	v60 =	vld [tilespmem:s21+$0x9070]  }
0x4f: {  	v61 =	vmul.f32 v55, v54;
	v0 =	vadd.f32 v1, v0;
	_ =	sdelay $0x1  }
0x50: {  	v62 =	vmul.f32 v58, v57;
	v0 =	vadd.f32 v61, v0;
	_ =	sdelay $0x1  }
0x51: {  	v63 =	vmul.f32 v60, v59;
	v0 =	vadd.f32 v62, v0;
	_ =	sdelay $0x1  }
0x52: {  	s19 =	sadd.s32 s7, s19;
	s18 =	sadd.s32 $0x1, s18;
	v0 =	vadd.f32 v63, v0  }
0x53: {  	s19 =	sshll.u32 s19, $0x4;
	p0 =	sne.s32 s18, $0x4F  }
.Ltmp1:
0x54: {  	s19 =	sadd.s32 s4, s19;
	[tilespmem:s21+$0xD000] =	vst v0;
	(pc) =	sbr.rel @p0 .LBB2_2-.Ltmp1, $4  }
0x55: {  	[hbm4b:s19+s2] =	stream.linear.scatter [tilespmem:s16], [sflag:$0x3], $0x4000, $0x38;
	[tilespmem:$0x11000] =	vst v63  }
0x56: {  	_ =	swait.ge [sflag:s9], $0x4000  }
0x57: {  	[sflag:s9] =	ssyncset.done $0x0  }
0x58: {  	[sflag:s9] =	ssyncadd.s32 $0xFFFFC000  }
0x59: {  	s17 =	sadd.s32 $0x1, s17  }
0x5a: {  	p0 =	sne.s32 s17, s8  }
.Ltmp2:
0x5b: {  	_ = 	snop;
	(pc) =	sbr.rel @p0 .LBB2_1-.Ltmp2, $1  }
0x5c: {  	_ =	sdelay $0x3  }
0x5d: {  	_ =	sfence.sel $0x180000  }
0x5e: {  	[bflag:$0x0] =	sbarrier.arrive $0xFFFF  }
0x5f: {  	p0 =	sne.s32 s0, $0x0;
	_ =	strace $0x90000059  }
0x60: {  	s0 =	sadd.s32 @!p0 $0x100000, s1;
	[bflag:$0x2] =	sbarrier.arrive $0xFFFF  }
0x61: {  	[sflag:s0] =	ssyncadd.tile.s32 @!p0 $0x1;
	_ =	shalt  }
.Lfunc_end2:
_tile_overlayer_lowered:
.L_overlay_start_2:
0x62: {  	(tag) =	ssettag $0x2  }
0x63: {  	s0 =	rddreg [dreg:$0x0];
	s2 =	stileid.u32  }
0x64: {  	s1 =	rddreg [dreg:$0x1];
	p0 =	sne.s32 s2, $0x0  }
0x65: {  	s3 =	rddreg [dreg:$0x2];
	[bflag:$0x3] =	sbarrier.arrive $0xFFFF;
	s2 =	simm.s32 @!p0 $0x1C03  }
0x66: {  	[timem:s3], [sflag:s2] =	dma.local @!p0 [hbm:s0], s1  }
0x67: {  	s0 =	simm.s32 @!p0 $0x3  }
0x68: {  	_ =	swait.ge @!p0 [sflag:s0], s1  }
0x69: {  	s1 =	ssub.s32 @!p0 $0x0, s1;
	[sflag:s0] =	ssyncset.done @!p0 $0x0  }
0x6a: {  	[sflag:s0] =	ssyncadd.s32 @!p0 s1  }
0x6b: {  	[bflag:$0x3] =	sbarrier.arrive $0xFFFF  }
0x6c: {  	_ =	shalt  }

</sc_bundles>
